<compile_context>
chip_gen: v7x
topology: tpu7x:2x2x1
jax: 0.10.2.dev20260603
libtpu: 0.0.44.dev20260713+nightly
codegen_flags: <defaults>
</compile_context>

<pallas_src>
import functools

import jax
import jax.numpy as jnp
from jax import lax
from jax.experimental import pallas as pl
from jax.experimental.pallas import tpu as pltpu
from jax.experimental.pallas import tpu_sc as plsc

NC = 2
NS = 16
L = 16
NW = NC * NS

_HIGH = jax.lax.Precision.HIGHEST


def _mesh():
    return plsc.VectorSubcoreMesh(
        core_axis_name="c", subcore_axis_name="s", num_cores=NC, num_subcores=NS
    )


def _fill1d(ref, n, value):
    v = jnp.full((L,), value, jnp.float32)

    def body(i, carry):
        ref[pl.ds(i * L, L)] = v
        return carry

    lax.fori_loop(0, n // L, body, 0)


def _fill2d(ref, rows, cols, value):
    v = jnp.full((L,), value, jnp.float32)
    per_row = cols // L

    def body(i, carry):
        r = i // per_row
        j = i % per_row
        ref[r, pl.ds(j * L, L)] = v
        return carry

    lax.fori_loop(0, rows * per_row, body, 0)


def _make_deg_kernel(e_total, n_nodes):
    ept = e_total // NW
    chunk = 80
    assert ept % chunk == 0
    nchunks = ept // chunk
    zlen = 2000
    assert n_nodes % zlen == 0
    K = 8

    @functools.partial(
        pl.kernel,
        out_type=jax.ShapeDtypeStruct((NC, n_nodes), jnp.float32),
        mesh=_mesh(),
        compiler_params=pltpu.CompilerParams(use_tc_tiling_on_sc=False),
        scratch_types=[
            pltpu.VMEM((ept,), jnp.int32),
            pltpu.VMEM((chunk,), jnp.float32),
            pltpu.VMEM((zlen,), jnp.float32),
            pltpu.VMEM_SHARED((n_nodes,), jnp.float32),
            pltpu.SemaphoreType.DMA,
        ],
    )
    def deg_kernel(dst_hbm, out_hbm, di_all, ones, zbuf, acc, ssem):
        c = lax.axis_index("c")
        s = lax.axis_index("s")
        wid = c * NS + s

        _fill1d(ones, chunk, 1.0)

        @pl.when(s == 0)
        def _():
            _fill1d(zbuf, zlen, 0.0)

            def zcp(k, carry):
                pltpu.sync_copy(zbuf, acc.at[pl.ds(k * zlen, zlen)])
                return carry

            lax.fori_loop(0, n_nodes // zlen, zcp, 0)

        pltpu.sync_copy(dst_hbm.at[pl.ds(wid * ept, ept)], di_all)
        plsc.subcore_barrier()

        def body(g, carry):
            pltpu.async_copy(
                ones, acc.at[di_all.at[pl.ds(g * chunk, chunk)]], ssem,
                add=True)

            @pl.when(g >= K)
            def _():
                pltpu.make_async_copy(
                    ones, acc.at[di_all.at[pl.ds(0, chunk)]], ssem).wait()

            return carry

        lax.fori_loop(0, nchunks, body, 0)
        for _ in range(min(K, nchunks)):
            pltpu.make_async_copy(
                ones, acc.at[di_all.at[pl.ds(0, chunk)]], ssem).wait()

        plsc.subcore_barrier()

        @pl.when(s == 0)
        def _():
            pltpu.sync_copy(acc, out_hbm.at[c])

    return deg_kernel


def _make_agg_tc_kernel(e_total, n_nodes, d):
    ept = e_total // NW
    chunk = 80
    assert ept % chunk == 0
    nchunks = ept // chunk
    NB = 3
    NI = 6
    n_rchunks = n_nodes // chunk
    rounds = (n_rchunks + NS - 1) // NS

    @functools.partial(
        pl.kernel,
        out_type=jax.ShapeDtypeStruct((NC, n_nodes, d), jnp.float32),
        mesh=_mesh(),
        compiler_params=pltpu.CompilerParams(use_tc_tiling_on_sc=True),
        scratch_types=[
            [pltpu.VMEM((chunk,), jnp.int32) for _ in range(NI)],
            [pltpu.VMEM((chunk,), jnp.int32) for _ in range(NI)],
            [pltpu.VMEM((chunk, d), jnp.float32) for _ in range(NB)],
            pltpu.VMEM_SHARED((n_nodes, d), jnp.float32),
            [pltpu.SemaphoreType.DMA for _ in range(NI)],
            [pltpu.SemaphoreType.DMA for _ in range(NB)],
            [pltpu.SemaphoreType.DMA for _ in range(NB)],
        ],
    )
    def agg_kernel(h_hbm, src_hbm, dst_hbm, out_hbm, sidx, didx, rows,
                   acc, isem, gsem, ssem):
        c = lax.axis_index("c")
        s = lax.axis_index("s")
        wid = c * NS + s

        _fill2d(rows[0], chunk, d, 0.0)

        def zcp(k, carry):
            cid = s + k * NS

            @pl.when(cid < n_rchunks)
            def _():
                pltpu.sync_copy(rows[0], acc.at[pl.ds(cid * chunk, chunk)])

            return carry

        lax.fori_loop(0, rounds, zcp, 0)
        plsc.subcore_barrier()

        base = wid * ept

        def fire_idx(v, slot):
            off = base + v * chunk
            pltpu.async_copy(src_hbm.at[pl.ds(off, chunk)], sidx[slot],
                             isem[slot])
            pltpu.async_copy(dst_hbm.at[pl.ds(off, chunk)], didx[slot],
                             isem[slot])

        def wait_idx(slot):
            pltpu.make_async_copy(src_hbm.at[pl.ds(0, chunk)], sidx[slot],
                                  isem[slot]).wait()
            pltpu.make_async_copy(src_hbm.at[pl.ds(0, chunk)], didx[slot],
                                  isem[slot]).wait()

        def visit(v, j, last):
            b = j % NB
            bp = (j - 1) % NB
            ip = (j - 1) % NI

            @pl.when(v >= NB)
            def _():
                pltpu.make_async_copy(
                    rows[b], acc.at[didx[0]], ssem[b]).wait()

            wait_idx(j)
            pltpu.async_copy(h_hbm.at[sidx[j]], rows[b], gsem[b])
            if not last:

                @pl.when(v + 2 < nchunks)
                def _():
                    fire_idx(v + 2, (j + 2) % NI)

            @pl.when(v >= 1)
            def _():
                pltpu.make_async_copy(
                    h_hbm.at[sidx[0]], rows[bp], gsem[bp]).wait()
                pltpu.async_copy(rows[bp], acc.at[didx[ip]], ssem[bp],
                                 add=True)

        fire_idx(0, 0)
        fire_idx(1, 1)

        ngroups = nchunks // NI

        def body(t, carry):
            for j in range(NI):
                visit(t * NI + j, j, False)
            return carry

        lax.fori_loop(0, ngroups, body, 0)
        for v in range(ngroups * NI, nchunks):
            visit(v, v % NI, v + 2 >= nchunks)

        vl = nchunks - 1
        bl = vl % NB
        pltpu.make_async_copy(
            h_hbm.at[sidx[0]], rows[bl], gsem[bl]).wait()
        pltpu.async_copy(rows[bl], acc.at[didx[vl % NI]], ssem[bl], add=True)
        for b in range(NB):
            pltpu.make_async_copy(rows[b], acc.at[didx[0]], ssem[b]).wait()

        plsc.subcore_barrier()

        def ocp(k, carry):
            cid = s + k * NS

            @pl.when(cid < n_rchunks)
            def _():
                r0 = cid * chunk
                pltpu.sync_copy(
                    acc.at[pl.ds(r0, chunk)], out_hbm.at[c, pl.ds(r0, chunk)]
                )

            return carry

        lax.fori_loop(0, rounds, ocp, 0)

    return agg_kernel


def _make_agg_sc_kernel(e_total, n_nodes, d):
    ept = e_total // NW
    chunk = 80
    assert ept % chunk == 0
    nchunks = ept // chunk
    nb = 5
    ngroups = nchunks // nb
    n_rchunks = n_nodes // chunk
    rounds = (n_rchunks + NS - 1) // NS

    @functools.partial(
        pl.kernel,
        out_type=jax.ShapeDtypeStruct((NC, n_nodes, d), jnp.float32),
        mesh=_mesh(),
        compiler_params=pltpu.CompilerParams(use_tc_tiling_on_sc=False),
        scratch_types=[
            pltpu.VMEM((ept,), jnp.int32),
            pltpu.VMEM((ept,), jnp.int32),
            [pltpu.VMEM((chunk, d), jnp.float32) for _ in range(nb)],
            pltpu.VMEM_SHARED((n_nodes, d), jnp.float32),
            [pltpu.SemaphoreType.DMA for _ in range(nb)],
            [pltpu.SemaphoreType.DMA for _ in range(nb)],
        ],
    )
    def agg_kernel(h_hbm, src_hbm, dst_hbm, out_hbm, si_all, di_all, rows,
                   acc, gsem, ssem):
        c = lax.axis_index("c")
        s = lax.axis_index("s")
        wid = c * NS + s

        _fill2d(rows[0], chunk, d, 0.0)

        def zcp(k, carry):
            cid = s + k * NS

            @pl.when(cid < n_rchunks)
            def _():
                pltpu.sync_copy(rows[0], acc.at[pl.ds(cid * chunk, chunk)])

            return carry

        lax.fori_loop(0, rounds, zcp, 0)
        pltpu.sync_copy(src_hbm.at[pl.ds(wid * ept, ept)], si_all)
        pltpu.sync_copy(dst_hbm.at[pl.ds(wid * ept, ept)], di_all)
        plsc.subcore_barrier()

        def sidx(g):
            return si_all.at[pl.ds(g * chunk, chunk)]

        def didx(g):
            return di_all.at[pl.ds(g * chunk, chunk)]

        for b in range(nb):
            pltpu.async_copy(h_hbm.at[sidx(b)], rows[b], gsem[b])

        def visit(g, b):
            pltpu.make_async_copy(
                h_hbm.at[sidx(0)], rows[b], gsem[b]).wait()
            pltpu.async_copy(rows[b], acc.at[didx(g)], ssem[b], add=True)

            @pl.when(g + nb < nchunks)
            def _():
                pltpu.make_async_copy(
                    rows[b], acc.at[didx(0)], ssem[b]).wait()
                pltpu.async_copy(h_hbm.at[sidx(g + nb)], rows[b], gsem[b])

        def body(t, carry):
            for b in range(nb):
                visit(t * nb + b, b)
            return carry

        lax.fori_loop(0, ngroups, body, 0)
        for i in range(nchunks % nb):
            visit(ngroups * nb + i, i)

        for b in range(nb):
            pltpu.make_async_copy(rows[b], acc.at[didx(0)], ssem[b]).wait()

        plsc.subcore_barrier()

        def ocp(k, carry):
            cid = s + k * NS

            @pl.when(cid < n_rchunks)
            def _():
                r0 = cid * chunk
                pltpu.sync_copy(
                    acc.at[pl.ds(r0, chunk)], out_hbm.at[c, pl.ds(r0, chunk)]
                )

            return carry

        lax.fori_loop(0, rounds, ocp, 0)

    return agg_kernel



_R = 2000


def _row_specs(n, shapes):
    specs = []
    for shp in shapes:
        if shp[0] == n:
            specs.append(pl.BlockSpec((_R, shp[1]), lambda i: (i, 0)))
        else:
            specs.append(pl.BlockSpec(shp, lambda i: (0, 0)))
    return specs


def _tc_prep(x, w1, deg0, deg1):
    n = x.shape[0]
    d_out = w1.shape[1]

    def body(x_ref, w_ref, d0_ref, d1_ref, dinv_ref, hs_ref):
        dinv = lax.rsqrt(d0_ref[...] + d1_ref[...] + 1.0)
        dinv_ref[...] = dinv
        h = jnp.dot(x_ref[...], w_ref[...], precision=_HIGH,
                    preferred_element_type=jnp.float32)
        hs_ref[...] = h * dinv

    return pl.pallas_call(
        body,
        grid=(n // _R,),
        in_specs=_row_specs(n, [x.shape, w1.shape, deg0.shape, deg1.shape]),
        out_specs=(
            pl.BlockSpec((_R, 1), lambda i: (i, 0)),
            pl.BlockSpec((_R, d_out), lambda i: (i, 0)),
        ),
        out_shape=(
            jax.ShapeDtypeStruct((n, 1), jnp.float32),
            jax.ShapeDtypeStruct((n, d_out), jnp.float32),
        ),
    )(x, w1, deg0, deg1)


def _tc_mid(aggp, hs, dinv, b1, w2):
    n, d = hs.shape

    def body(ap_ref, hs_ref, dinv_ref, b1_ref, w2_ref, o_ref):
        z = dinv_ref[...] * (ap_ref[0] + ap_ref[1] + hs_ref[...])
        z = jnp.maximum(z + b1_ref[...], 0.0)
        o_ref[...] = dinv_ref[...] * jnp.dot(
            z, w2_ref[...], precision=_HIGH, preferred_element_type=jnp.float32
        )

    return pl.pallas_call(
        body,
        grid=(n // _R,),
        in_specs=[
            pl.BlockSpec((2, _R, d), lambda i: (0, i, 0)),
            pl.BlockSpec((_R, d), lambda i: (i, 0)),
            pl.BlockSpec((_R, 1), lambda i: (i, 0)),
            pl.BlockSpec(b1.shape, lambda i: (0, 0)),
            pl.BlockSpec(w2.shape, lambda i: (0, 0)),
        ],
        out_specs=pl.BlockSpec((_R, w2.shape[1]), lambda i: (i, 0)),
        out_shape=jax.ShapeDtypeStruct((n, w2.shape[1]), jnp.float32),
    )(aggp, hs, dinv, b1, w2)


def _tc_final(aggp, h2s, dinv, b2):
    n, n_cls = h2s.shape

    def body(ap_ref, hs_ref, dinv_ref, b2_ref, o_ref):
        o = dinv_ref[...] * (ap_ref[0] + ap_ref[1] + hs_ref[...])
        o = o + b2_ref[...]
        m = jnp.max(o, axis=1, keepdims=True)
        sh = o - m
        lse = jnp.log(jnp.sum(jnp.exp(sh), axis=1, keepdims=True))
        o_ref[...] = sh - lse

    return pl.pallas_call(
        body,
        grid=(n // _R,),
        in_specs=[
            pl.BlockSpec((2, _R, n_cls), lambda i: (0, i, 0)),
            pl.BlockSpec((_R, n_cls), lambda i: (i, 0)),
            pl.BlockSpec((_R, 1), lambda i: (i, 0)),
            pl.BlockSpec(b2.shape, lambda i: (0, 0)),
        ],
        out_specs=pl.BlockSpec((_R, n_cls), lambda i: (i, 0)),
        out_shape=jax.ShapeDtypeStruct((n, n_cls), jnp.float32),
    )(aggp, h2s, dinv, b2)




def kernel(x, edge_index, W1, b1, W2, b2):
    n, d_in = x.shape
    e_total = edge_index.shape[1]
    d_hid = W1.shape[1]
    n_cls = W2.shape[1]

    src = edge_index[0].astype(jnp.int32)
    dst = edge_index[1].astype(jnp.int32)

    deg_k = _make_deg_kernel(e_total, n)
    agg1_k = _make_agg_tc_kernel(e_total, n, d_hid)
    agg2_k = _make_agg_sc_kernel(e_total, n, n_cls)

    degp = deg_k(dst)
    dinv, h1s = _tc_prep(x, W1, degp[0].reshape(n, 1), degp[1].reshape(n, 1))
    aggp1 = agg1_k(h1s, src, dst)
    h2s = _tc_mid(aggp1, h1s, dinv, b1.reshape(1, d_hid), W2)
    aggp2 = agg2_k(h2s, src, dst)
    return _tc_final(aggp2, h2s, dinv, b2.reshape(1, n_cls))

# --- scband reference (transcript-rebuilt; emitter-appended) ---
"""Pipeline reference for scband-gcn-5222680232345 (READ-ONLY COPY).

The authoritative reference and input builder live on the scoring server;
editing this copy changes nothing except your own understanding.
"""

import jax, jax.numpy as jnp
import numpy as np

N = 10000
E = 320000
D_IN = 128
D_HID = 128
N_CLASSES = 64


def setup_inputs(seed: int = 0) -> dict:
    key = jax.random.key(seed)
    k1, k2, k3, k4, k5, k6 = jax.random.split(key, 6)
    x = jax.random.normal(k1, (N, D_IN), dtype=jnp.float32)
    edge_index = jax.random.randint(k2, (2, E), 0, N)
    W1 = jax.random.normal(k3, (D_IN, D_HID), dtype=jnp.float32) * (1.0 / np.sqrt(D_IN))
    b1 = jnp.zeros((D_HID,), dtype=jnp.float32)
    W2 = jax.random.normal(k4, (D_HID, N_CLASSES), dtype=jnp.float32) * (1.0 / np.sqrt(D_HID))
    b2 = jnp.zeros((N_CLASSES,), dtype=jnp.float32)
    return {"x": x, "edge_index": edge_index, "W1": W1, "b1": b1, "W2": W2, "b2": b2}


def gcn_conv(x, edge_index, W, b):
    # PyG GCNConv: add self-loops, symmetric normalization D^-1/2 A D^-1/2, linear transform
    n = x.shape[0]
    loop = jnp.arange(n, dtype=edge_index.dtype)
    src = jnp.concatenate([edge_index[0], loop])
    dst = jnp.concatenate([edge_index[1], loop])
    h = x @ W
    deg = jnp.zeros((n,), dtype=h.dtype).at[dst].add(1.0)
    dinv = jnp.where(deg > 0, jax.lax.rsqrt(deg), 0.0)
    norm = dinv[src] * dinv[dst]
    msg = h[src] * norm[:, None]
    out = jax.ops.segment_sum(msg, dst, num_segments=n)
    return out + b


def reference(x, edge_index, W1, b1, W2, b2):
    h = jax.nn.relu(gcn_conv(x, edge_index, W1, b1))
    # dropout is identity in eval / deterministic reference
    out = gcn_conv(h, edge_index, W2, b2)
    return jax.nn.log_softmax(out, axis=1)

if __name__ == "__main__":
    import jax
    _d = setup_inputs()
    print(jax.jit(kernel)(*tuple(_d.values())))

</pallas_src>

<mosaic_0001>
#map = affine_map<(d0, d1) -> (0, 0)>
#map1 = affine_map<(d0, d1) -> (0)>
#map2 = affine_map<(d0, d1) -> (0, 0, 0)>
module attributes {stable_mosaic.version = 14 : i64} {
  func.func @agg_kernel(%arg0: i32, %arg1: i32, %arg2: memref<10000x128xf32, #tpu.memory_space<hbm>>, %arg3: memref<320000xi32, #tpu.memory_space<hbm>>, %arg4: memref<320000xi32, #tpu.memory_space<hbm>>, %arg5: memref<2x10000x128xf32, #tpu.memory_space<hbm>>, %arg6: memref<80xi32, #tpu.memory_space<vmem>>, %arg7: memref<80xi32, #tpu.memory_space<vmem>>, %arg8: memref<80xi32, #tpu.memory_space<vmem>>, %arg9: memref<80xi32, #tpu.memory_space<vmem>>, %arg10: memref<80xi32, #tpu.memory_space<vmem>>, %arg11: memref<80xi32, #tpu.memory_space<vmem>>, %arg12: memref<80xi32, #tpu.memory_space<vmem>>, %arg13: memref<80xi32, #tpu.memory_space<vmem>>, %arg14: memref<80xi32, #tpu.memory_space<vmem>>, %arg15: memref<80xi32, #tpu.memory_space<vmem>>, %arg16: memref<80xi32, #tpu.memory_space<vmem>>, %arg17: memref<80xi32, #tpu.memory_space<vmem>>, %arg18: memref<80x128xf32, #tpu.memory_space<vmem>>, %arg19: memref<80x128xf32, #tpu.memory_space<vmem>>, %arg20: memref<80x128xf32, #tpu.memory_space<vmem>>, %arg21: memref<10000x128xf32, #tpu.memory_space<vmem_shared>>, %arg22: memref<!tpu.dma_semaphore, #tpu.memory_space<semaphore_mem>>, %arg23: memref<!tpu.dma_semaphore, #tpu.memory_space<semaphore_mem>>, %arg24: memref<!tpu.dma_semaphore, #tpu.memory_space<semaphore_mem>>, %arg25: memref<!tpu.dma_semaphore, #tpu.memory_space<semaphore_mem>>, %arg26: memref<!tpu.dma_semaphore, #tpu.memory_space<semaphore_mem>>, %arg27: memref<!tpu.dma_semaphore, #tpu.memory_space<semaphore_mem>>, %arg28: memref<!tpu.dma_semaphore, #tpu.memory_space<semaphore_mem>>, %arg29: memref<!tpu.dma_semaphore, #tpu.memory_space<semaphore_mem>>, %arg30: memref<!tpu.dma_semaphore, #tpu.memory_space<semaphore_mem>>, %arg31: memref<!tpu.dma_semaphore, #tpu.memory_space<semaphore_mem>>, %arg32: memref<!tpu.dma_semaphore, #tpu.memory_space<semaphore_mem>>, %arg33: memref<!tpu.dma_semaphore, #tpu.memory_space<semaphore_mem>>) attributes {dimension_semantics = [#tpu.dimension_semantics<core_parallel>, #tpu.dimension_semantics<subcore_parallel>], iteration_bounds = array<i64: 2, 16>, scalar_prefetch = 0 : i64, scratch_operands = 28 : i64, tpu.core_type = #tpu.core_type<sc_vector_subcore>, window_params = [{transform_indices = #map}, {transform_indices = #map1}, {transform_indices = #map1}, {transform_indices = #map2}]} {
    %mul3A = arith.constant 16 : i32
    %mul3A_0 = arith.muli %arg0, %mul3A : i32
    %add3A = arith.addi %mul3A_0, %arg1 : i32
    %broadcast_in_dim3A = arith.constant 0.000000e+00 : f32
    %broadcast_in_dim3A_1 = vector.broadcast %broadcast_in_dim3A : f32 to vector<16xf32>
    %scan3A = arith.constant 0 : i32
    %scan3A_2 = arith.constant 0 : i32
    %scan3A_3 = arith.constant 640 : i32
    %scan3A_4 = arith.addi %scan3A_2, %scan3A_3 : i32
    %scan3A_5 = arith.constant 1 : i32
    scf.for %scan3A_171 = %scan3A_2 to %scan3A_4 step %scan3A_5  : i32 {
      %jit3A = arith.constant 8 : i32
      %div3A = arith.divsi %scan3A_171, %jit3A : i32
      %sign3A = arith.constant 0 : i32
      %sign3A_172 = arith.cmpi sgt, %scan3A_171, %sign3A : i32
      %sign3A_173 = arith.extui %sign3A_172 : i1 to i32
      %sign3A_174 = arith.constant 0 : i32
      %sign3A_175 = arith.cmpi slt, %scan3A_171, %sign3A_174 : i32
      %sign3A_176 = arith.extui %sign3A_175 : i1 to i32
      %sign3A_177 = arith.subi %sign3A_173, %sign3A_176 : i32
      %sign3A_178 = arith.constant 0 : i32
      %sign3A_179 = arith.cmpi sgt, %jit3A, %sign3A_178 : i32
      %sign3A_180 = arith.extui %sign3A_179 : i1 to i32
      %sign3A_181 = arith.constant 0 : i32
      %sign3A_182 = arith.cmpi slt, %jit3A, %sign3A_181 : i32
      %sign3A_183 = arith.extui %sign3A_182 : i1 to i32
      %sign3A_184 = arith.subi %sign3A_180, %sign3A_183 : i32
      %ne3A = arith.cmpi ne, %sign3A_177, %sign3A_184 : i32
      %rem3A = arith.remsi %scan3A_171, %jit3A : i32
      %ne3A_185 = arith.constant 0 : i32
      %ne3A_186 = arith.cmpi ne, %rem3A, %ne3A_185 : i32
      %and3A = arith.andi %ne3A, %ne3A_186 : i1
      %sub3A = arith.constant 1 : i32
      %sub3A_187 = arith.subi %div3A, %sub3A : i32
      %select_n3A = arith.select %and3A, %sub3A_187, %div3A : i32
      %jit3A_188 = arith.constant 8 : i32
      %eq3A = arith.constant 0 : i32
      %eq3A_189 = arith.cmpi eq, %jit3A_188, %eq3A : i32
      %jit3A_190 = arith.constant 1 : i32
      %select_n3A_191 = arith.select %eq3A_189, %jit3A_190, %jit3A_188 : i32
      %rem3A_192 = arith.remsi %scan3A_171, %select_n3A_191 : i32
      %ne3A_193 = arith.constant 0 : i32
      %ne3A_194 = arith.cmpi ne, %rem3A_192, %ne3A_193 : i32
      %lt3A = arith.constant 0 : i32
      %lt3A_195 = arith.cmpi slt, %rem3A_192, %lt3A : i32
      %lt3A_196 = arith.constant 0 : i32
      %lt3A_197 = arith.cmpi slt, %select_n3A_191, %lt3A_196 : i32
      %ne3A_198 = arith.xori %lt3A_195, %lt3A_197 : i1
      %and3A_199 = arith.andi %ne3A_198, %ne3A_194 : i1
      %add3A_200 = arith.addi %rem3A_192, %select_n3A_191 : i32
      %select_n3A_201 = arith.select %and3A_199, %add3A_200, %rem3A_192 : i32
      %mul3A_202 = arith.constant 16 : i32
      %mul3A_203 = arith.muli %select_n3A_201, %mul3A_202 : i32
      %swap3A = arith.index_cast %select_n3A : i32 to index
      %swap3A_204 = arith.index_cast %mul3A_203 : i32 to index
      %swap3A_205 = tpu.vector_load %arg18[%swap3A, %swap3A_204] {strides = array<i32>} : memref<80x128xf32, #tpu.memory_space<vmem>>, vector<1x16xf32>,
      %swap3A_206 = vector.shape_cast %swap3A_205 : vector<1x16xf32> to vector<16xf32>
      %swap3A_207 = vector.shape_cast %broadcast_in_dim3A_1 : vector<16xf32> to vector<1x16xf32>
      tpu.vector_store %arg18[%swap3A, %swap3A_204], %swap3A_207 {strides = array<i32>} : memref<80x128xf32, #tpu.memory_space<vmem>>, vector<1x16xf32>,
    }
    %scan3A_6 = arith.constant 640 : i32
    %scan3A_7 = arith.constant 0 : i32
    %scan3A_8 = arith.constant 0 : i32
    %scan3A_9 = arith.constant 8 : i32
    %scan3A_10 = arith.addi %scan3A_8, %scan3A_9 : i32
    %scan3A_11 = arith.constant 1 : i32
    scf.for %scan3A_171 = %scan3A_8 to %scan3A_10 step %scan3A_11  : i32 {
      %mul3A_172 = arith.constant 16 : i32
      %mul3A_173 = arith.muli %scan3A_171, %mul3A_172 : i32
      %add3A_174 = arith.addi %arg1, %mul3A_173 : i32
      %lt3A = arith.constant 125 : i32
      %lt3A_175 = arith.cmpi slt, %add3A_174, %lt3A : i32
      %convert_element_type3A = arith.extui %lt3A_175 : i1 to i32
      %cond3A = arith.constant 0 : i32
      %cond3A_176 = arith.cmpi ne, %convert_element_type3A, %cond3A : i32
      scf.if %cond3A_176 {
        %mul3A_177 = arith.constant 80 : i32
        %mul3A_178 = arith.muli %add3A_174, %mul3A_177 : i32
        "tpu.region"() ({
          %run_scoped3A = tpu.sem_alloc : memref<!tpu.dma_semaphore, #tpu.memory_space<semaphore_mem>>
          %dma_start3A_179 = arith.constant 0 : i32
          %dma_start3A_180 = tpu.memref_slice %arg21[%mul3A_178, %dma_start3A_179] : memref<10000x128xf32, #tpu.memory_space<vmem_shared>> -> memref<80x128xf32, #tpu.memory_space<vmem_shared>>
          %dma_start3A_181 = arith.constant 0 : i32
          %dma_start3A_182 = tpu.memref_slice %arg21[%mul3A_178, %dma_start3A_181] : memref<10000x128xf32, #tpu.memory_space<vmem_shared>> -> memref<80x128xf32, #tpu.memory_space<vmem_shared>>
          tpu.enqueue_dma source(%arg18 : memref<80x128xf32, #tpu.memory_space<vmem>>) target(%dma_start3A_182 : memref<80x128xf32, #tpu.memory_space<vmem_shared>>) target_semaphore(%run_scoped3A : memref<!tpu.dma_semaphore, #tpu.memory_space<semaphore_mem>>)
          %dma_wait3A_183 = arith.constant 0 : i32
          %dma_wait3A_184 = tpu.memref_slice %arg21[%mul3A_178, %dma_wait3A_183] : memref<10000x128xf32, #tpu.memory_space<vmem_shared>> -> memref<80x128xf32, #tpu.memory_space<vmem_shared>>
          %dma_wait3A_185 = arith.constant 0 : i32
          %dma_wait3A_186 = tpu.memref_slice %arg21[%mul3A_178, %dma_wait3A_185] : memref<10000x128xf32, #tpu.memory_space<vmem_shared>> -> memref<80x128xf32, #tpu.memory_space<vmem_shared>>
          tpu.wait_dma2 semaphore(%run_scoped3A : memref<!tpu.dma_semaphore, #tpu.memory_space<semaphore_mem>>) src(%arg18 : memref<80x128xf32, #tpu.memory_space<vmem>>) dst(%dma_wait3A_186 : memref<80x128xf32, #tpu.memory_space<vmem_shared>>)
          tpu.yield
        }) : () -> ()
      } else {
      }
    }
    %scan3A_12 = arith.constant 8 : i32
    %barrier3A = arith.constant 0 : index
    tpu.barrier barrier_id(%barrier3A)
    %mul3A_13 = arith.constant 10000 : i32
    %mul3A_14 = arith.muli %add3A, %mul3A_13 : i32
    %add3A_15 = arith.constant 0 : i32
    %add3A_16 = arith.addi %mul3A_14, %add3A_15 : i32
    %dma_start3A = tpu.memref_slice %arg3[%add3A_16] : memref<320000xi32, #tpu.memory_space<hbm>> -> memref<80xi32, #tpu.memory_space<hbm>>
    %dma_start3A_17 = tpu.memref_slice %arg3[%add3A_16] : memref<320000xi32, #tpu.memory_space<hbm>> -> memref<80xi32, #tpu.memory_space<hbm>>
    tpu.enqueue_dma source(%dma_start3A_17 : memref<80xi32, #tpu.memory_space<hbm>>) target(%arg6 : memref<80xi32, #tpu.memory_space<vmem>>) target_semaphore(%arg22 : memref<!tpu.dma_semaphore, #tpu.memory_space<semaphore_mem>>)
    %dma_start3A_18 = tpu.memref_slice %arg4[%add3A_16] : memref<320000xi32, #tpu.memory_space<hbm>> -> memref<80xi32, #tpu.memory_space<hbm>>
    %dma_start3A_19 = tpu.memref_slice %arg4[%add3A_16] : memref<320000xi32, #tpu.memory_space<hbm>> -> memref<80xi32, #tpu.memory_space<hbm>>
    tpu.enqueue_dma source(%dma_start3A_19 : memref<80xi32, #tpu.memory_space<hbm>>) target(%arg12 : memref<80xi32, #tpu.memory_space<vmem>>) target_semaphore(%arg22 : memref<!tpu.dma_semaphore, #tpu.memory_space<semaphore_mem>>)
    %add3A_20 = arith.constant 80 : i32
    %add3A_21 = arith.addi %mul3A_14, %add3A_20 : i32
    %dma_start3A_22 = tpu.memref_slice %arg3[%add3A_21] : memref<320000xi32, #tpu.memory_space<hbm>> -> memref<80xi32, #tpu.memory_space<hbm>>
    %dma_start3A_23 = tpu.memref_slice %arg3[%add3A_21] : memref<320000xi32, #tpu.memory_space<hbm>> -> memref<80xi32, #tpu.memory_space<hbm>>
    tpu.enqueue_dma source(%dma_start3A_23 : memref<80xi32, #tpu.memory_space<hbm>>) target(%arg7 : memref<80xi32, #tpu.memory_space<vmem>>) target_semaphore(%arg23 : memref<!tpu.dma_semaphore, #tpu.memory_space<semaphore_mem>>)
    %dma_start3A_24 = tpu.memref_slice %arg4[%add3A_21] : memref<320000xi32, #tpu.memory_space<hbm>> -> memref<80xi32, #tpu.memory_space<hbm>>
    %dma_start3A_25 = tpu.memref_slice %arg4[%add3A_21] : memref<320000xi32, #tpu.memory_space<hbm>> -> memref<80xi32, #tpu.memory_space<hbm>>
    tpu.enqueue_dma source(%dma_start3A_25 : memref<80xi32, #tpu.memory_space<hbm>>) target(%arg13 : memref<80xi32, #tpu.memory_space<vmem>>) target_semaphore(%arg23 : memref<!tpu.dma_semaphore, #tpu.memory_space<semaphore_mem>>)
    %scan3A_26 = arith.constant 0 : i32
    %scan3A_27 = arith.constant 0 : i32
    %scan3A_28 = arith.constant 20 : i32
    %scan3A_29 = arith.addi %scan3A_27, %scan3A_28 : i32
    %scan3A_30 = arith.constant 1 : i32
    scf.for %scan3A_171 = %scan3A_27 to %scan3A_29 step %scan3A_30  : i32 {
      %mul3A_172 = arith.constant 6 : i32
      %mul3A_173 = arith.muli %scan3A_171, %mul3A_172 : i32
      %add3A_174 = arith.constant 0 : i32
      %add3A_175 = arith.addi %mul3A_173, %add3A_174 : i32
      %ge3A = arith.constant 3 : i32
      %ge3A_176 = arith.cmpi sge, %add3A_175, %ge3A : i32
      %convert_element_type3A = arith.extui %ge3A_176 : i1 to i32
      %cond3A = arith.constant 0 : i32
      %cond3A_177 = arith.cmpi ne, %convert_element_type3A, %cond3A : i32
      scf.if %cond3A_177 {
        %dma_wait3A_360 = arith.constant 0 : i32
        %dma_wait3A_361 = arith.constant 0 : i32
        %dma_wait3A_362 = tpu.memref_slice %arg21[%dma_wait3A_360, %dma_wait3A_361] : memref<10000x128xf32, #tpu.memory_space<vmem_shared>> -> memref<10000x128xf32, #tpu.memory_space<vmem_shared>>
        tpu.wait_indirect_dma semaphore(%arg31 : memref<!tpu.dma_semaphore, #tpu.memory_space<semaphore_mem>>) src(%arg18 : memref<80x128xf32, #tpu.memory_space<vmem>>) dst(%dma_wait3A_362 : memref<10000x128xf32, #tpu.memory_space<vmem_shared>>)
      } else {
      }
      %dma_wait3A_178 = arith.constant 0 : i32
      %dma_wait3A_179 = tpu.memref_slice %arg3[%dma_wait3A_178] : memref<320000xi32, #tpu.memory_space<hbm>> -> memref<80xi32, #tpu.memory_space<hbm>>
      %dma_wait3A_180 = arith.constant 0 : i32
      %dma_wait3A_181 = tpu.memref_slice %arg3[%dma_wait3A_180] : memref<320000xi32, #tpu.memory_space<hbm>> -> memref<80xi32, #tpu.memory_space<hbm>>
      tpu.wait_dma2 semaphore(%arg22 : memref<!tpu.dma_semaphore, #tpu.memory_space<semaphore_mem>>) src(%dma_wait3A_181 : memref<80xi32, #tpu.memory_space<hbm>>) dst(%arg6 : memref<80xi32, #tpu.memory_space<vmem>>)
      %dma_wait3A_182 = arith.constant 0 : i32
      %dma_wait3A_183 = tpu.memref_slice %arg3[%dma_wait3A_182] : memref<320000xi32, #tpu.memory_space<hbm>> -> memref<80xi32, #tpu.memory_space<hbm>>
      %dma_wait3A_184 = arith.constant 0 : i32
      %dma_wait3A_185 = tpu.memref_slice %arg3[%dma_wait3A_184] : memref<320000xi32, #tpu.memory_space<hbm>> -> memref<80xi32, #tpu.memory_space<hbm>>
      tpu.wait_dma2 semaphore(%arg22 : memref<!tpu.dma_semaphore, #tpu.memory_space<semaphore_mem>>) src(%dma_wait3A_185 : memref<80xi32, #tpu.memory_space<hbm>>) dst(%arg12 : memref<80xi32, #tpu.memory_space<vmem>>)
      %dma_start3A_186 = arith.constant 0 : i32
      %dma_start3A_187 = arith.constant 0 : i32
      %dma_start3A_188 = tpu.memref_slice %arg2[%dma_start3A_186, %dma_start3A_187] : memref<10000x128xf32, #tpu.memory_space<hbm>> -> memref<10000x128xf32, #tpu.memory_space<hbm>>
      tpu.enqueue_indirect_dma source(%dma_start3A_188 : memref<10000x128xf32, #tpu.memory_space<hbm>>) target(%arg18 : memref<80x128xf32, #tpu.memory_space<vmem>>) offsets(%arg6 : memref<80xi32, #tpu.memory_space<vmem>>) semaphore(%arg28 : memref<!tpu.dma_semaphore, #tpu.memory_space<semaphore_mem>>)
      %add3A_189 = arith.constant 2 : i32
      %add3A_190 = arith.addi %add3A_175, %add3A_189 : i32
      %lt3A = arith.constant 125 : i32
      %lt3A_191 = arith.cmpi slt, %add3A_190, %lt3A : i32
      %convert_element_type3A_192 = arith.extui %lt3A_191 : i1 to i32
      %cond3A_193 = arith.constant 0 : i32
      %cond3A_194 = arith.cmpi ne, %convert_element_type3A_192, %cond3A_193 : i32
      scf.if %cond3A_194 {
        %add3A_360 = arith.constant 2 : i32
        %add3A_361 = arith.addi %add3A_175, %add3A_360 : i32
        %mul3A_362 = arith.constant 80 : i32
        %mul3A_363 = arith.muli %add3A_361, %mul3A_362 : i32
        %add3A_364 = arith.addi %mul3A_14, %mul3A_363 : i32
        %dma_start3A_365 = tpu.memref_slice %arg3[%add3A_364] : memref<320000xi32, #tpu.memory_space<hbm>> -> memref<80xi32, #tpu.memory_space<hbm>>
        %dma_start3A_366 = tpu.memref_slice %arg3[%add3A_364] : memref<320000xi32, #tpu.memory_space<hbm>> -> memref<80xi32, #tpu.memory_space<hbm>>
        tpu.enqueue_dma source(%dma_start3A_366 : memref<80xi32, #tpu.memory_space<hbm>>) target(%arg8 : memref<80xi32, #tpu.memory_space<vmem>>) target_semaphore(%arg24 : memref<!tpu.dma_semaphore, #tpu.memory_space<semaphore_mem>>)
        %dma_start3A_367 = tpu.memref_slice %arg4[%add3A_364] : memref<320000xi32, #tpu.memory_space<hbm>> -> memref<80xi32, #tpu.memory_space<hbm>>
        %dma_start3A_368 = tpu.memref_slice %arg4[%add3A_364] : memref<320000xi32, #tpu.memory_space<hbm>> -> memref<80xi32, #tpu.memory_space<hbm>>
        tpu.enqueue_dma source(%dma_start3A_368 : memref<80xi32, #tpu.memory_space<hbm>>) target(%arg14 : memref<80xi32, #tpu.memory_space<vmem>>) target_semaphore(%arg24 : memref<!tpu.dma_semaphore, #tpu.memory_space<semaphore_mem>>)
      } else {
      }
      %ge3A_195 = arith.constant 1 : i32
      %ge3A_196 = arith.cmpi sge, %add3A_175, %ge3A_195 : i32
      %convert_element_type3A_197 = arith.extui %ge3A_196 : i1 to i32
      %cond3A_198 = arith.constant 0 : i32
      %cond3A_199 = arith.cmpi ne, %convert_element_type3A_197, %cond3A_198 : i32
      scf.if %cond3A_199 {
        %dma_wait3A_360 = arith.constant 0 : i32
        %dma_wait3A_361 = arith.constant 0 : i32
        %dma_wait3A_362 = tpu.memref_slice %arg2[%dma_wait3A_360, %dma_wait3A_361] : memref<10000x128xf32, #tpu.memory_space<hbm>> -> memref<10000x128xf32, #tpu.memory_space<hbm>>
        tpu.wait_indirect_dma semaphore(%arg30 : memref<!tpu.dma_semaphore, #tpu.memory_space<semaphore_mem>>) src(%dma_wait3A_362 : memref<10000x128xf32, #tpu.memory_space<hbm>>) dst(%arg20 : memref<80x128xf32, #tpu.memory_space<vmem>>)
        %dma_start3A_363 = arith.constant 0 : i32
        %dma_start3A_364 = arith.constant 0 : i32
        %dma_start3A_365 = tpu.memref_slice %arg21[%dma_start3A_363, %dma_start3A_364] : memref<10000x128xf32, #tpu.memory_space<vmem_shared>> -> memref<10000x128xf32, #tpu.memory_space<vmem_shared>>
        tpu.enqueue_indirect_dma source(%arg20 : memref<80x128xf32, #tpu.memory_space<vmem>>) target(%dma_start3A_365 : memref<10000x128xf32, #tpu.memory_space<vmem_shared>>) offsets(%arg17 : memref<80xi32, #tpu.memory_space<vmem>>) semaphore(%arg33 : memref<!tpu.dma_semaphore, #tpu.memory_space<semaphore_mem>>) {add = true}
      } else {
      }
      %mul3A_200 = arith.constant 6 : i32
      %mul3A_201 = arith.muli %scan3A_171, %mul3A_200 : i32
      %add3A_202 = arith.constant 1 : i32
      %add3A_203 = arith.addi %mul3A_201, %add3A_202 : i32
      %ge3A_204 = arith.constant 3 : i32
      %ge3A_205 = arith.cmpi sge, %add3A_203, %ge3A_204 : i32
      %convert_element_type3A_206 = arith.extui %ge3A_205 : i1 to i32
      %cond3A_207 = arith.constant 0 : i32
      %cond3A_208 = arith.cmpi ne, %convert_element_type3A_206, %cond3A_207 : i32
      scf.if %cond3A_208 {
        %dma_wait3A_360 = arith.constant 0 : i32
        %dma_wait3A_361 = arith.constant 0 : i32
        %dma_wait3A_362 = tpu.memref_slice %arg21[%dma_wait3A_360, %dma_wait3A_361] : memref<10000x128xf32, #tpu.memory_space<vmem_shared>> -> memref<10000x128xf32, #tpu.memory_space<vmem_shared>>
        tpu.wait_indirect_dma semaphore(%arg32 : memref<!tpu.dma_semaphore, #tpu.memory_space<semaphore_mem>>) src(%arg19 : memref<80x128xf32, #tpu.memory_space<vmem>>) dst(%dma_wait3A_362 : memref<10000x128xf32, #tpu.memory_space<vmem_shared>>)
      } else {
      }
      %dma_wait3A_209 = arith.constant 0 : i32
      %dma_wait3A_210 = tpu.memref_slice %arg3[%dma_wait3A_209] : memref<320000xi32, #tpu.memory_space<hbm>> -> memref<80xi32, #tpu.memory_space<hbm>>
      %dma_wait3A_211 = arith.constant 0 : i32
      %dma_wait3A_212 = tpu.memref_slice %arg3[%dma_wait3A_211] : memref<320000xi32, #tpu.memory_space<hbm>> -> memref<80xi32, #tpu.memory_space<hbm>>
      tpu.wait_dma2 semaphore(%arg23 : memref<!tpu.dma_semaphore, #tpu.memory_space<semaphore_mem>>) src(%dma_wait3A_212 : memref<80xi32, #tpu.memory_space<hbm>>) dst(%arg7 : memref<80xi32, #tpu.memory_space<vmem>>)
      %dma_wait3A_213 = arith.constant 0 : i32
      %dma_wait3A_214 = tpu.memref_slice %arg3[%dma_wait3A_213] : memref<320000xi32, #tpu.memory_space<hbm>> -> memref<80xi32, #tpu.memory_space<hbm>>
      %dma_wait3A_215 = arith.constant 0 : i32
      %dma_wait3A_216 = tpu.memref_slice %arg3[%dma_wait3A_215] : memref<320000xi32, #tpu.memory_space<hbm>> -> memref<80xi32, #tpu.memory_space<hbm>>
      tpu.wait_dma2 semaphore(%arg23 : memref<!tpu.dma_semaphore, #tpu.memory_space<semaphore_mem>>) src(%dma_wait3A_216 : memref<80xi32, #tpu.memory_space<hbm>>) dst(%arg13 : memref<80xi32, #tpu.memory_space<vmem>>)
      %dma_start3A_217 = arith.constant 0 : i32
      %dma_start3A_218 = arith.constant 0 : i32
      %dma_start3A_219 = tpu.memref_slice %arg2[%dma_start3A_217, %dma_start3A_218] : memref<10000x128xf32, #tpu.memory_space<hbm>> -> memref<10000x128xf32, #tpu.memory_space<hbm>>
      tpu.enqueue_indirect_dma source(%dma_start3A_219 : memref<10000x128xf32, #tpu.memory_space<hbm>>) target(%arg19 : memref<80x128xf32, #tpu.memory_space<vmem>>) offsets(%arg7 : memref<80xi32, #tpu.memory_space<vmem>>) semaphore(%arg29 : memref<!tpu.dma_semaphore, #tpu.memory_space<semaphore_mem>>)
      %add3A_220 = arith.constant 2 : i32
      %add3A_221 = arith.addi %add3A_203, %add3A_220 : i32
      %lt3A_222 = arith.constant 125 : i32
      %lt3A_223 = arith.cmpi slt, %add3A_221, %lt3A_222 : i32
      %convert_element_type3A_224 = arith.extui %lt3A_223 : i1 to i32
      %cond3A_225 = arith.constant 0 : i32
      %cond3A_226 = arith.cmpi ne, %convert_element_type3A_224, %cond3A_225 : i32
      scf.if %cond3A_226 {
        %add3A_360 = arith.constant 2 : i32
        %add3A_361 = arith.addi %add3A_203, %add3A_360 : i32
        %mul3A_362 = arith.constant 80 : i32
        %mul3A_363 = arith.muli %add3A_361, %mul3A_362 : i32
        %add3A_364 = arith.addi %mul3A_14, %mul3A_363 : i32
        %dma_start3A_365 = tpu.memref_slice %arg3[%add3A_364] : memref<320000xi32, #tpu.memory_space<hbm>> -> memref<80xi32, #tpu.memory_space<hbm>>
        %dma_start3A_366 = tpu.memref_slice %arg3[%add3A_364] : memref<320000xi32, #tpu.memory_space<hbm>> -> memref<80xi32, #tpu.memory_space<hbm>>
        tpu.enqueue_dma source(%dma_start3A_366 : memref<80xi32, #tpu.memory_space<hbm>>) target(%arg9 : memref<80xi32, #tpu.memory_space<vmem>>) target_semaphore(%arg25 : memref<!tpu.dma_semaphore, #tpu.memory_space<semaphore_mem>>)
        %dma_start3A_367 = tpu.memref_slice %arg4[%add3A_364] : memref<320000xi32, #tpu.memory_space<hbm>> -> memref<80xi32, #tpu.memory_space<hbm>>
        %dma_start3A_368 = tpu.memref_slice %arg4[%add3A_364] : memref<320000xi32, #tpu.memory_space<hbm>> -> memref<80xi32, #tpu.memory_space<hbm>>
        tpu.enqueue_dma source(%dma_start3A_368 : memref<80xi32, #tpu.memory_space<hbm>>) target(%arg15 : memref<80xi32, #tpu.memory_space<vmem>>) target_semaphore(%arg25 : memref<!tpu.dma_semaphore, #tpu.memory_space<semaphore_mem>>)
      } else {
      }
      %ge3A_227 = arith.constant 1 : i32
      %ge3A_228 = arith.cmpi sge, %add3A_203, %ge3A_227 : i32
      %convert_element_type3A_229 = arith.extui %ge3A_228 : i1 to i32
      %cond3A_230 = arith.constant 0 : i32
      %cond3A_231 = arith.cmpi ne, %convert_element_type3A_229, %cond3A_230 : i32
      scf.if %cond3A_231 {
        %dma_wait3A_360 = arith.constant 0 : i32
        %dma_wait3A_361 = arith.constant 0 : i32
        %dma_wait3A_362 = tpu.memref_slice %arg2[%dma_wait3A_360, %dma_wait3A_361] : memref<10000x128xf32, #tpu.memory_space<hbm>> -> memref<10000x128xf32, #tpu.memory_space<hbm>>
        tpu.wait_indirect_dma semaphore(%arg28 : memref<!tpu.dma_semaphore, #tpu.memory_space<semaphore_mem>>) src(%dma_wait3A_362 : memref<10000x128xf32, #tpu.memory_space<hbm>>) dst(%arg18 : memref<80x128xf32, #tpu.memory_space<vmem>>)
        %dma_start3A_363 = arith.constant 0 : i32
        %dma_start3A_364 = arith.constant 0 : i32
        %dma_start3A_365 = tpu.memref_slice %arg21[%dma_start3A_363, %dma_start3A_364] : memref<10000x128xf32, #tpu.memory_space<vmem_shared>> -> memref<10000x128xf32, #tpu.memory_space<vmem_shared>>
        tpu.enqueue_indirect_dma source(%arg18 : memref<80x128xf32, #tpu.memory_space<vmem>>) target(%dma_start3A_365 : memref<10000x128xf32, #tpu.memory_space<vmem_shared>>) offsets(%arg12 : memref<80xi32, #tpu.memory_space<vmem>>) semaphore(%arg31 : memref<!tpu.dma_semaphore, #tpu.memory_space<semaphore_mem>>) {add = true}
      } else {
      }
      %mul3A_232 = arith.constant 6 : i32
      %mul3A_233 = arith.muli %scan3A_171, %mul3A_232 : i32
      %add3A_234 = arith.constant 2 : i32
      %add3A_235 = arith.addi %mul3A_233, %add3A_234 : i32
      %ge3A_236 = arith.constant 3 : i32
      %ge3A_237 = arith.cmpi sge, %add3A_235, %ge3A_236 : i32
      %convert_element_type3A_238 = arith.extui %ge3A_237 : i1 to i32
      %cond3A_239 = arith.constant 0 : i32
      %cond3A_240 = arith.cmpi ne, %convert_element_type3A_238, %cond3A_239 : i32
      scf.if %cond3A_240 {
        %dma_wait3A_360 = arith.constant 0 : i32
        %dma_wait3A_361 = arith.constant 0 : i32
        %dma_wait3A_362 = tpu.memref_slice %arg21[%dma_wait3A_360, %dma_wait3A_361] : memref<10000x128xf32, #tpu.memory_space<vmem_shared>> -> memref<10000x128xf32, #tpu.memory_space<vmem_shared>>
        tpu.wait_indirect_dma semaphore(%arg33 : memref<!tpu.dma_semaphore, #tpu.memory_space<semaphore_mem>>) src(%arg20 : memref<80x128xf32, #tpu.memory_space<vmem>>) dst(%dma_wait3A_362 : memref<10000x128xf32, #tpu.memory_space<vmem_shared>>)
      } else {
      }
      %dma_wait3A_241 = arith.constant 0 : i32
      %dma_wait3A_242 = tpu.memref_slice %arg3[%dma_wait3A_241] : memref<320000xi32, #tpu.memory_space<hbm>> -> memref<80xi32, #tpu.memory_space<hbm>>
      %dma_wait3A_243 = arith.constant 0 : i32
      %dma_wait3A_244 = tpu.memref_slice %arg3[%dma_wait3A_243] : memref<320000xi32, #tpu.memory_space<hbm>> -> memref<80xi32, #tpu.memory_space<hbm>>
      tpu.wait_dma2 semaphore(%arg24 : memref<!tpu.dma_semaphore, #tpu.memory_space<semaphore_mem>>) src(%dma_wait3A_244 : memref<80xi32, #tpu.memory_space<hbm>>) dst(%arg8 : memref<80xi32, #tpu.memory_space<vmem>>)
      %dma_wait3A_245 = arith.constant 0 : i32
      %dma_wait3A_246 = tpu.memref_slice %arg3[%dma_wait3A_245] : memref<320000xi32, #tpu.memory_space<hbm>> -> memref<80xi32, #tpu.memory_space<hbm>>
      %dma_wait3A_247 = arith.constant 0 : i32
      %dma_wait3A_248 = tpu.memref_slice %arg3[%dma_wait3A_247] : memref<320000xi32, #tpu.memory_space<hbm>> -> memref<80xi32, #tpu.memory_space<hbm>>
      tpu.wait_dma2 semaphore(%arg24 : memref<!tpu.dma_semaphore, #tpu.memory_space<semaphore_mem>>) src(%dma_wait3A_248 : memref<80xi32, #tpu.memory_space<hbm>>) dst(%arg14 : memref<80xi32, #tpu.memory_space<vmem>>)
      %dma_start3A_249 = arith.constant 0 : i32
      %dma_start3A_250 = arith.constant 0 : i32
      %dma_start3A_251 = tpu.memref_slice %arg2[%dma_start3A_249, %dma_start3A_250] : memref<10000x128xf32, #tpu.memory_space<hbm>> -> memref<10000x128xf32, #tpu.memory_space<hbm>>
      tpu.enqueue_indirect_dma source(%dma_start3A_251 : memref<10000x128xf32, #tpu.memory_space<hbm>>) target(%arg20 : memref<80x128xf32, #tpu.memory_space<vmem>>) offsets(%arg8 : memref<80xi32, #tpu.memory_space<vmem>>) semaphore(%arg30 : memref<!tpu.dma_semaphore, #tpu.memory_space<semaphore_mem>>)
      %add3A_252 = arith.constant 2 : i32
      %add3A_253 = arith.addi %add3A_235, %add3A_252 : i32
      %lt3A_254 = arith.constant 125 : i32
      %lt3A_255 = arith.cmpi slt, %add3A_253, %lt3A_254 : i32
      %convert_element_type3A_256 = arith.extui %lt3A_255 : i1 to i32
      %cond3A_257 = arith.constant 0 : i32
      %cond3A_258 = arith.cmpi ne, %convert_element_type3A_256, %cond3A_257 : i32
      scf.if %cond3A_258 {
        %add3A_360 = arith.constant 2 : i32
        %add3A_361 = arith.addi %add3A_235, %add3A_360 : i32
        %mul3A_362 = arith.constant 80 : i32
        %mul3A_363 = arith.muli %add3A_361, %mul3A_362 : i32
        %add3A_364 = arith.addi %mul3A_14, %mul3A_363 : i32
        %dma_start3A_365 = tpu.memref_slice %arg3[%add3A_364] : memref<320000xi32, #tpu.memory_space<hbm>> -> memref<80xi32, #tpu.memory_space<hbm>>
        %dma_start3A_366 = tpu.memref_slice %arg3[%add3A_364] : memref<320000xi32, #tpu.memory_space<hbm>> -> memref<80xi32, #tpu.memory_space<hbm>>
        tpu.enqueue_dma source(%dma_start3A_366 : memref<80xi32, #tpu.memory_space<hbm>>) target(%arg10 : memref<80xi32, #tpu.memory_space<vmem>>) target_semaphore(%arg26 : memref<!tpu.dma_semaphore, #tpu.memory_space<semaphore_mem>>)
        %dma_start3A_367 = tpu.memref_slice %arg4[%add3A_364] : memref<320000xi32, #tpu.memory_space<hbm>> -> memref<80xi32, #tpu.memory_space<hbm>>
        %dma_start3A_368 = tpu.memref_slice %arg4[%add3A_364] : memref<320000xi32, #tpu.memory_space<hbm>> -> memref<80xi32, #tpu.memory_space<hbm>>
        tpu.enqueue_dma source(%dma_start3A_368 : memref<80xi32, #tpu.memory_space<hbm>>) target(%arg16 : memref<80xi32, #tpu.memory_space<vmem>>) target_semaphore(%arg26 : memref<!tpu.dma_semaphore, #tpu.memory_space<semaphore_mem>>)
      } else {
      }
      %ge3A_259 = arith.constant 1 : i32
      %ge3A_260 = arith.cmpi sge, %add3A_235, %ge3A_259 : i32
      %convert_element_type3A_261 = arith.extui %ge3A_260 : i1 to i32
      %cond3A_262 = arith.constant 0 : i32
      %cond3A_263 = arith.cmpi ne, %convert_element_type3A_261, %cond3A_262 : i32
      scf.if %cond3A_263 {
        %dma_wait3A_360 = arith.constant 0 : i32
        %dma_wait3A_361 = arith.constant 0 : i32
        %dma_wait3A_362 = tpu.memref_slice %arg2[%dma_wait3A_360, %dma_wait3A_361] : memref<10000x128xf32, #tpu.memory_space<hbm>> -> memref<10000x128xf32, #tpu.memory_space<hbm>>
        tpu.wait_indirect_dma semaphore(%arg29 : memref<!tpu.dma_semaphore, #tpu.memory_space<semaphore_mem>>) src(%dma_wait3A_362 : memref<10000x128xf32, #tpu.memory_space<hbm>>) dst(%arg19 : memref<80x128xf32, #tpu.memory_space<vmem>>)
        %dma_start3A_363 = arith.constant 0 : i32
        %dma_start3A_364 = arith.constant 0 : i32
        %dma_start3A_365 = tpu.memref_slice %arg21[%dma_start3A_363, %dma_start3A_364] : memref<10000x128xf32, #tpu.memory_space<vmem_shared>> -> memref<10000x128xf32, #tpu.memory_space<vmem_shared>>
        tpu.enqueue_indirect_dma source(%arg19 : memref<80x128xf32, #tpu.memory_space<vmem>>) target(%dma_start3A_365 : memref<10000x128xf32, #tpu.memory_space<vmem_shared>>) offsets(%arg13 : memref<80xi32, #tpu.memory_space<vmem>>) semaphore(%arg32 : memref<!tpu.dma_semaphore, #tpu.memory_space<semaphore_mem>>) {add = true}
      } else {
      }
      %mul3A_264 = arith.constant 6 : i32
      %mul3A_265 = arith.muli %scan3A_171, %mul3A_264 : i32
      %add3A_266 = arith.constant 3 : i32
      %add3A_267 = arith.addi %mul3A_265, %add3A_266 : i32
      %ge3A_268 = arith.constant 3 : i32
      %ge3A_269 = arith.cmpi sge, %add3A_267, %ge3A_268 : i32
      %convert_element_type3A_270 = arith.extui %ge3A_269 : i1 to i32
      %cond3A_271 = arith.constant 0 : i32
      %cond3A_272 = arith.cmpi ne, %convert_element_type3A_270, %cond3A_271 : i32
      scf.if %cond3A_272 {
        %dma_wait3A_360 = arith.constant 0 : i32
        %dma_wait3A_361 = arith.constant 0 : i32
        %dma_wait3A_362 = tpu.memref_slice %arg21[%dma_wait3A_360, %dma_wait3A_361] : memref<10000x128xf32, #tpu.memory_space<vmem_shared>> -> memref<10000x128xf32, #tpu.memory_space<vmem_shared>>
        tpu.wait_indirect_dma semaphore(%arg31 : memref<!tpu.dma_semaphore, #tpu.memory_space<semaphore_mem>>) src(%arg18 : memref<80x128xf32, #tpu.memory_space<vmem>>) dst(%dma_wait3A_362 : memref<10000x128xf32, #tpu.memory_space<vmem_shared>>)
      } else {
      }
      %dma_wait3A_273 = arith.constant 0 : i32
      %dma_wait3A_274 = tpu.memref_slice %arg3[%dma_wait3A_273] : memref<320000xi32, #tpu.memory_space<hbm>> -> memref<80xi32, #tpu.memory_space<hbm>>
      %dma_wait3A_275 = arith.constant 0 : i32
      %dma_wait3A_276 = tpu.memref_slice %arg3[%dma_wait3A_275] : memref<320000xi32, #tpu.memory_space<hbm>> -> memref<80xi32, #tpu.memory_space<hbm>>
      tpu.wait_dma2 semaphore(%arg25 : memref<!tpu.dma_semaphore, #tpu.memory_space<semaphore_mem>>) src(%dma_wait3A_276 : memref<80xi32, #tpu.memory_space<hbm>>) dst(%arg9 : memref<80xi32, #tpu.memory_space<vmem>>)
      %dma_wait3A_277 = arith.constant 0 : i32
      %dma_wait3A_278 = tpu.memref_slice %arg3[%dma_wait3A_277] : memref<320000xi32, #tpu.memory_space<hbm>> -> memref<80xi32, #tpu.memory_space<hbm>>
      %dma_wait3A_279 = arith.constant 0 : i32
      %dma_wait3A_280 = tpu.memref_slice %arg3[%dma_wait3A_279] : memref<320000xi32, #tpu.memory_space<hbm>> -> memref<80xi32, #tpu.memory_space<hbm>>
      tpu.wait_dma2 semaphore(%arg25 : memref<!tpu.dma_semaphore, #tpu.memory_space<semaphore_mem>>) src(%dma_wait3A_280 : memref<80xi32, #tpu.memory_space<hbm>>) dst(%arg15 : memref<80xi32, #tpu.memory_space<vmem>>)
      %dma_start3A_281 = arith.constant 0 : i32
      %dma_start3A_282 = arith.constant 0 : i32
      %dma_start3A_283 = tpu.memref_slice %arg2[%dma_start3A_281, %dma_start3A_282] : memref<10000x128xf32, #tpu.memory_space<hbm>> -> memref<10000x128xf32, #tpu.memory_space<hbm>>
      tpu.enqueue_indirect_dma source(%dma_start3A_283 : memref<10000x128xf32, #tpu.memory_space<hbm>>) target(%arg18 : memref<80x128xf32, #tpu.memory_space<vmem>>) offsets(%arg9 : memref<80xi32, #tpu.memory_space<vmem>>) semaphore(%arg28 : memref<!tpu.dma_semaphore, #tpu.memory_space<semaphore_mem>>)
      %add3A_284 = arith.constant 2 : i32
      %add3A_285 = arith.addi %add3A_267, %add3A_284 : i32
      %lt3A_286 = arith.constant 125 : i32
      %lt3A_287 = arith.cmpi slt, %add3A_285, %lt3A_286 : i32
      %convert_element_type3A_288 = arith.extui %lt3A_287 : i1 to i32
      %cond3A_289 = arith.constant 0 : i32
      %cond3A_290 = arith.cmpi ne, %convert_element_type3A_288, %cond3A_289 : i32
      scf.if %cond3A_290 {
        %add3A_360 = arith.constant 2 : i32
        %add3A_361 = arith.addi %add3A_267, %add3A_360 : i32
        %mul3A_362 = arith.constant 80 : i32
        %mul3A_363 = arith.muli %add3A_361, %mul3A_362 : i32
        %add3A_364 = arith.addi %mul3A_14, %mul3A_363 : i32
        %dma_start3A_365 = tpu.memref_slice %arg3[%add3A_364] : memref<320000xi32, #tpu.memory_space<hbm>> -> memref<80xi32, #tpu.memory_space<hbm>>
        %dma_start3A_366 = tpu.memref_slice %arg3[%add3A_364] : memref<320000xi32, #tpu.memory_space<hbm>> -> memref<80xi32, #tpu.memory_space<hbm>>
        tpu.enqueue_dma source(%dma_start3A_366 : memref<80xi32, #tpu.memory_space<hbm>>) target(%arg11 : memref<80xi32, #tpu.memory_space<vmem>>) target_semaphore(%arg27 : memref<!tpu.dma_semaphore, #tpu.memory_space<semaphore_mem>>)
        %dma_start3A_367 = tpu.memref_slice %arg4[%add3A_364] : memref<320000xi32, #tpu.memory_space<hbm>> -> memref<80xi32, #tpu.memory_space<hbm>>
        %dma_start3A_368 = tpu.memref_slice %arg4[%add3A_364] : memref<320000xi32, #tpu.memory_space<hbm>> -> memref<80xi32, #tpu.memory_space<hbm>>
        tpu.enqueue_dma source(%dma_start3A_368 : memref<80xi32, #tpu.memory_space<hbm>>) target(%arg17 : memref<80xi32, #tpu.memory_space<vmem>>) target_semaphore(%arg27 : memref<!tpu.dma_semaphore, #tpu.memory_space<semaphore_mem>>)
      } else {
      }
      %ge3A_291 = arith.constant 1 : i32
      %ge3A_292 = arith.cmpi sge, %add3A_267, %ge3A_291 : i32
      %convert_element_type3A_293 = arith.extui %ge3A_292 : i1 to i32
      %cond3A_294 = arith.constant 0 : i32
      %cond3A_295 = arith.cmpi ne, %convert_element_type3A_293, %cond3A_294 : i32
      scf.if %cond3A_295 {
        %dma_wait3A_360 = arith.constant 0 : i32
        %dma_wait3A_361 = arith.constant 0 : i32
        %dma_wait3A_362 = tpu.memref_slice %arg2[%dma_wait3A_360, %dma_wait3A_361] : memref<10000x128xf32, #tpu.memory_space<hbm>> -> memref<10000x128xf32, #tpu.memory_space<hbm>>
        tpu.wait_indirect_dma semaphore(%arg30 : memref<!tpu.dma_semaphore, #tpu.memory_space<semaphore_mem>>) src(%dma_wait3A_362 : memref<10000x128xf32, #tpu.memory_space<hbm>>) dst(%arg20 : memref<80x128xf32, #tpu.memory_space<vmem>>)
        %dma_start3A_363 = arith.constant 0 : i32
        %dma_start3A_364 = arith.constant 0 : i32
        %dma_start3A_365 = tpu.memref_slice %arg21[%dma_start3A_363, %dma_start3A_364] : memref<10000x128xf32, #tpu.memory_space<vmem_shared>> -> memref<10000x128xf32, #tpu.memory_space<vmem_shared>>
        tpu.enqueue_indirect_dma source(%arg20 : memref<80x128xf32, #tpu.memory_space<vmem>>) target(%dma_start3A_365 : memref<10000x128xf32, #tpu.memory_space<vmem_shared>>) offsets(%arg14 : memref<80xi32, #tpu.memory_space<vmem>>) semaphore(%arg33 : memref<!tpu.dma_semaphore, #tpu.memory_space<semaphore_mem>>) {add = true}
      } else {
      }
      %mul3A_296 = arith.constant 6 : i32
      %mul3A_297 = arith.muli %scan3A_171, %mul3A_296 : i32
      %add3A_298 = arith.constant 4 : i32
      %add3A_299 = arith.addi %mul3A_297, %add3A_298 : i32
      %ge3A_300 = arith.constant 3 : i32
      %ge3A_301 = arith.cmpi sge, %add3A_299, %ge3A_300 : i32
      %convert_element_type3A_302 = arith.extui %ge3A_301 : i1 to i32
      %cond3A_303 = arith.constant 0 : i32
      %cond3A_304 = arith.cmpi ne, %convert_element_type3A_302, %cond3A_303 : i32
      scf.if %cond3A_304 {
        %dma_wait3A_360 = arith.constant 0 : i32
        %dma_wait3A_361 = arith.constant 0 : i32
        %dma_wait3A_362 = tpu.memref_slice %arg21[%dma_wait3A_360, %dma_wait3A_361] : memref<10000x128xf32, #tpu.memory_space<vmem_shared>> -> memref<10000x128xf32, #tpu.memory_space<vmem_shared>>
        tpu.wait_indirect_dma semaphore(%arg32 : memref<!tpu.dma_semaphore, #tpu.memory_space<semaphore_mem>>) src(%arg19 : memref<80x128xf32, #tpu.memory_space<vmem>>) dst(%dma_wait3A_362 : memref<10000x128xf32, #tpu.memory_space<vmem_shared>>)
      } else {
      }
      %dma_wait3A_305 = arith.constant 0 : i32
      %dma_wait3A_306 = tpu.memref_slice %arg3[%dma_wait3A_305] : memref<320000xi32, #tpu.memory_space<hbm>> -> memref<80xi32, #tpu.memory_space<hbm>>
      %dma_wait3A_307 = arith.constant 0 : i32
      %dma_wait3A_308 = tpu.memref_slice %arg3[%dma_wait3A_307] : memref<320000xi32, #tpu.memory_space<hbm>> -> memref<80xi32, #tpu.memory_space<hbm>>
      tpu.wait_dma2 semaphore(%arg26 : memref<!tpu.dma_semaphore, #tpu.memory_space<semaphore_mem>>) src(%dma_wait3A_308 : memref<80xi32, #tpu.memory_space<hbm>>) dst(%arg10 : memref<80xi32, #tpu.memory_space<vmem>>)
      %dma_wait3A_309 = arith.constant 0 : i32
      %dma_wait3A_310 = tpu.memref_slice %arg3[%dma_wait3A_309] : memref<320000xi32, #tpu.memory_space<hbm>> -> memref<80xi32, #tpu.memory_space<hbm>>
      %dma_wait3A_311 = arith.constant 0 : i32
      %dma_wait3A_312 = tpu.memref_slice %arg3[%dma_wait3A_311] : memref<320000xi32, #tpu.memory_space<hbm>> -> memref<80xi32, #tpu.memory_space<hbm>>
      tpu.wait_dma2 semaphore(%arg26 : memref<!tpu.dma_semaphore, #tpu.memory_space<semaphore_mem>>) src(%dma_wait3A_312 : memref<80xi32, #tpu.memory_space<hbm>>) dst(%arg16 : memref<80xi32, #tpu.memory_space<vmem>>)
      %dma_start3A_313 = arith.constant 0 : i32
      %dma_start3A_314 = arith.constant 0 : i32
      %dma_start3A_315 = tpu.memref_slice %arg2[%dma_start3A_313, %dma_start3A_314] : memref<10000x128xf32, #tpu.memory_space<hbm>> -> memref<10000x128xf32, #tpu.memory_space<hbm>>
      tpu.enqueue_indirect_dma source(%dma_start3A_315 : memref<10000x128xf32, #tpu.memory_space<hbm>>) target(%arg19 : memref<80x128xf32, #tpu.memory_space<vmem>>) offsets(%arg10 : memref<80xi32, #tpu.memory_space<vmem>>) semaphore(%arg29 : memref<!tpu.dma_semaphore, #tpu.memory_space<semaphore_mem>>)
      %add3A_316 = arith.constant 2 : i32
      %add3A_317 = arith.addi %add3A_299, %add3A_316 : i32
      %lt3A_318 = arith.constant 125 : i32
      %lt3A_319 = arith.cmpi slt, %add3A_317, %lt3A_318 : i32
      %convert_element_type3A_320 = arith.extui %lt3A_319 : i1 to i32
      %cond3A_321 = arith.constant 0 : i32
      %cond3A_322 = arith.cmpi ne, %convert_element_type3A_320, %cond3A_321 : i32
      scf.if %cond3A_322 {
        %add3A_360 = arith.constant 2 : i32
        %add3A_361 = arith.addi %add3A_299, %add3A_360 : i32
        %mul3A_362 = arith.constant 80 : i32
        %mul3A_363 = arith.muli %add3A_361, %mul3A_362 : i32
        %add3A_364 = arith.addi %mul3A_14, %mul3A_363 : i32
        %dma_start3A_365 = tpu.memref_slice %arg3[%add3A_364] : memref<320000xi32, #tpu.memory_space<hbm>> -> memref<80xi32, #tpu.memory_space<hbm>>
        %dma_start3A_366 = tpu.memref_slice %arg3[%add3A_364] : memref<320000xi32, #tpu.memory_space<hbm>> -> memref<80xi32, #tpu.memory_space<hbm>>
        tpu.enqueue_dma source(%dma_start3A_366 : memref<80xi32, #tpu.memory_space<hbm>>) target(%arg6 : memref<80xi32, #tpu.memory_space<vmem>>) target_semaphore(%arg22 : memref<!tpu.dma_semaphore, #tpu.memory_space<semaphore_mem>>)
        %dma_start3A_367 = tpu.memref_slice %arg4[%add3A_364] : memref<320000xi32, #tpu.memory_space<hbm>> -> memref<80xi32, #tpu.memory_space<hbm>>
        %dma_start3A_368 = tpu.memref_slice %arg4[%add3A_364] : memref<320000xi32, #tpu.memory_space<hbm>> -> memref<80xi32, #tpu.memory_space<hbm>>
        tpu.enqueue_dma source(%dma_start3A_368 : memref<80xi32, #tpu.memory_space<hbm>>) target(%arg12 : memref<80xi32, #tpu.memory_space<vmem>>) target_semaphore(%arg22 : memref<!tpu.dma_semaphore, #tpu.memory_space<semaphore_mem>>)
      } else {
      }
      %ge3A_323 = arith.constant 1 : i32
      %ge3A_324 = arith.cmpi sge, %add3A_299, %ge3A_323 : i32
      %convert_element_type3A_325 = arith.extui %ge3A_324 : i1 to i32
      %cond3A_326 = arith.constant 0 : i32
      %cond3A_327 = arith.cmpi ne, %convert_element_type3A_325, %cond3A_326 : i32
      scf.if %cond3A_327 {
        %dma_wait3A_360 = arith.constant 0 : i32
        %dma_wait3A_361 = arith.constant 0 : i32
        %dma_wait3A_362 = tpu.memref_slice %arg2[%dma_wait3A_360, %dma_wait3A_361] : memref<10000x128xf32, #tpu.memory_space<hbm>> -> memref<10000x128xf32, #tpu.memory_space<hbm>>
        tpu.wait_indirect_dma semaphore(%arg28 : memref<!tpu.dma_semaphore, #tpu.memory_space<semaphore_mem>>) src(%dma_wait3A_362 : memref<10000x128xf32, #tpu.memory_space<hbm>>) dst(%arg18 : memref<80x128xf32, #tpu.memory_space<vmem>>)
        %dma_start3A_363 = arith.constant 0 : i32
        %dma_start3A_364 = arith.constant 0 : i32
        %dma_start3A_365 = tpu.memref_slice %arg21[%dma_start3A_363, %dma_start3A_364] : memref<10000x128xf32, #tpu.memory_space<vmem_shared>> -> memref<10000x128xf32, #tpu.memory_space<vmem_shared>>
        tpu.enqueue_indirect_dma source(%arg18 : memref<80x128xf32, #tpu.memory_space<vmem>>) target(%dma_start3A_365 : memref<10000x128xf32, #tpu.memory_space<vmem_shared>>) offsets(%arg15 : memref<80xi32, #tpu.memory_space<vmem>>) semaphore(%arg31 : memref<!tpu.dma_semaphore, #tpu.memory_space<semaphore_mem>>) {add = true}
      } else {
      }
      %mul3A_328 = arith.constant 6 : i32
      %mul3A_329 = arith.muli %scan3A_171, %mul3A_328 : i32
      %add3A_330 = arith.constant 5 : i32
      %add3A_331 = arith.addi %mul3A_329, %add3A_330 : i32
      %ge3A_332 = arith.constant 3 : i32
      %ge3A_333 = arith.cmpi sge, %add3A_331, %ge3A_332 : i32
      %convert_element_type3A_334 = arith.extui %ge3A_333 : i1 to i32
      %cond3A_335 = arith.constant 0 : i32
      %cond3A_336 = arith.cmpi ne, %convert_element_type3A_334, %cond3A_335 : i32
      scf.if %cond3A_336 {
        %dma_wait3A_360 = arith.constant 0 : i32
        %dma_wait3A_361 = arith.constant 0 : i32
        %dma_wait3A_362 = tpu.memref_slice %arg21[%dma_wait3A_360, %dma_wait3A_361] : memref<10000x128xf32, #tpu.memory_space<vmem_shared>> -> memref<10000x128xf32, #tpu.memory_space<vmem_shared>>
        tpu.wait_indirect_dma semaphore(%arg33 : memref<!tpu.dma_semaphore, #tpu.memory_space<semaphore_mem>>) src(%arg20 : memref<80x128xf32, #tpu.memory_space<vmem>>) dst(%dma_wait3A_362 : memref<10000x128xf32, #tpu.memory_space<vmem_shared>>)
      } else {
      }
      %dma_wait3A_337 = arith.constant 0 : i32
      %dma_wait3A_338 = tpu.memref_slice %arg3[%dma_wait3A_337] : memref<320000xi32, #tpu.memory_space<hbm>> -> memref<80xi32, #tpu.memory_space<hbm>>
      %dma_wait3A_339 = arith.constant 0 : i32
      %dma_wait3A_340 = tpu.memref_slice %arg3[%dma_wait3A_339] : memref<320000xi32, #tpu.memory_space<hbm>> -> memref<80xi32, #tpu.memory_space<hbm>>
      tpu.wait_dma2 semaphore(%arg27 : memref<!tpu.dma_semaphore, #tpu.memory_space<semaphore_mem>>) src(%dma_wait3A_340 : memref<80xi32, #tpu.memory_space<hbm>>) dst(%arg11 : memref<80xi32, #tpu.memory_space<vmem>>)
      %dma_wait3A_341 = arith.constant 0 : i32
      %dma_wait3A_342 = tpu.memref_slice %arg3[%dma_wait3A_341] : memref<320000xi32, #tpu.memory_space<hbm>> -> memref<80xi32, #tpu.memory_space<hbm>>
      %dma_wait3A_343 = arith.constant 0 : i32
      %dma_wait3A_344 = tpu.memref_slice %arg3[%dma_wait3A_343] : memref<320000xi32, #tpu.memory_space<hbm>> -> memref<80xi32, #tpu.memory_space<hbm>>
      tpu.wait_dma2 semaphore(%arg27 : memref<!tpu.dma_semaphore, #tpu.memory_space<semaphore_mem>>) src(%dma_wait3A_344 : memref<80xi32, #tpu.memory_space<hbm>>) dst(%arg17 : memref<80xi32, #tpu.memory_space<vmem>>)
      %dma_start3A_345 = arith.constant 0 : i32
      %dma_start3A_346 = arith.constant 0 : i32
      %dma_start3A_347 = tpu.memref_slice %arg2[%dma_start3A_345, %dma_start3A_346] : memref<10000x128xf32, #tpu.memory_space<hbm>> -> memref<10000x128xf32, #tpu.memory_space<hbm>>
      tpu.enqueue_indirect_dma source(%dma_start3A_347 : memref<10000x128xf32, #tpu.memory_space<hbm>>) target(%arg20 : memref<80x128xf32, #tpu.memory_space<vmem>>) offsets(%arg11 : memref<80xi32, #tpu.memory_space<vmem>>) semaphore(%arg30 : memref<!tpu.dma_semaphore, #tpu.memory_space<semaphore_mem>>)
      %add3A_348 = arith.constant 2 : i32
      %add3A_349 = arith.addi %add3A_331, %add3A_348 : i32
      %lt3A_350 = arith.constant 125 : i32
      %lt3A_351 = arith.cmpi slt, %add3A_349, %lt3A_350 : i32
      %convert_element_type3A_352 = arith.extui %lt3A_351 : i1 to i32
      %cond3A_353 = arith.constant 0 : i32
      %cond3A_354 = arith.cmpi ne, %convert_element_type3A_352, %cond3A_353 : i32
      scf.if %cond3A_354 {
        %add3A_360 = arith.constant 2 : i32
        %add3A_361 = arith.addi %add3A_331, %add3A_360 : i32
        %mul3A_362 = arith.constant 80 : i32
        %mul3A_363 = arith.muli %add3A_361, %mul3A_362 : i32
        %add3A_364 = arith.addi %mul3A_14, %mul3A_363 : i32
        %dma_start3A_365 = tpu.memref_slice %arg3[%add3A_364] : memref<320000xi32, #tpu.memory_space<hbm>> -> memref<80xi32, #tpu.memory_space<hbm>>
        %dma_start3A_366 = tpu.memref_slice %arg3[%add3A_364] : memref<320000xi32, #tpu.memory_space<hbm>> -> memref<80xi32, #tpu.memory_space<hbm>>
        tpu.enqueue_dma source(%dma_start3A_366 : memref<80xi32, #tpu.memory_space<hbm>>) target(%arg7 : memref<80xi32, #tpu.memory_space<vmem>>) target_semaphore(%arg23 : memref<!tpu.dma_semaphore, #tpu.memory_space<semaphore_mem>>)
        %dma_start3A_367 = tpu.memref_slice %arg4[%add3A_364] : memref<320000xi32, #tpu.memory_space<hbm>> -> memref<80xi32, #tpu.memory_space<hbm>>
        %dma_start3A_368 = tpu.memref_slice %arg4[%add3A_364] : memref<320000xi32, #tpu.memory_space<hbm>> -> memref<80xi32, #tpu.memory_space<hbm>>
        tpu.enqueue_dma source(%dma_start3A_368 : memref<80xi32, #tpu.memory_space<hbm>>) target(%arg13 : memref<80xi32, #tpu.memory_space<vmem>>) target_semaphore(%arg23 : memref<!tpu.dma_semaphore, #tpu.memory_space<semaphore_mem>>)
      } else {
      }
      %ge3A_355 = arith.constant 1 : i32
      %ge3A_356 = arith.cmpi sge, %add3A_331, %ge3A_355 : i32
      %convert_element_type3A_357 = arith.extui %ge3A_356 : i1 to i32
      %cond3A_358 = arith.constant 0 : i32
      %cond3A_359 = arith.cmpi ne, %convert_element_type3A_357, %cond3A_358 : i32
      scf.if %cond3A_359 {
        %dma_wait3A_360 = arith.constant 0 : i32
        %dma_wait3A_361 = arith.constant 0 : i32
        %dma_wait3A_362 = tpu.memref_slice %arg2[%dma_wait3A_360, %dma_wait3A_361] : memref<10000x128xf32, #tpu.memory_space<hbm>> -> memref<10000x128xf32, #tpu.memory_space<hbm>>
        tpu.wait_indirect_dma semaphore(%arg29 : memref<!tpu.dma_semaphore, #tpu.memory_space<semaphore_mem>>) src(%dma_wait3A_362 : memref<10000x128xf32, #tpu.memory_space<hbm>>) dst(%arg19 : memref<80x128xf32, #tpu.memory_space<vmem>>)
        %dma_start3A_363 = arith.constant 0 : i32
        %dma_start3A_364 = arith.constant 0 : i32
        %dma_start3A_365 = tpu.memref_slice %arg21[%dma_start3A_363, %dma_start3A_364] : memref<10000x128xf32, #tpu.memory_space<vmem_shared>> -> memref<10000x128xf32, #tpu.memory_space<vmem_shared>>
        tpu.enqueue_indirect_dma source(%arg19 : memref<80x128xf32, #tpu.memory_space<vmem>>) target(%dma_start3A_365 : memref<10000x128xf32, #tpu.memory_space<vmem_shared>>) offsets(%arg16 : memref<80xi32, #tpu.memory_space<vmem>>) semaphore(%arg32 : memref<!tpu.dma_semaphore, #tpu.memory_space<semaphore_mem>>) {add = true}
      } else {
      }
    }
    %scan3A_31 = arith.constant 20 : i32
    %dma_wait3A = arith.constant 0 : i32
    %dma_wait3A_32 = arith.constant 0 : i32
    %dma_wait3A_33 = tpu.memref_slice %arg21[%dma_wait3A, %dma_wait3A_32] : memref<10000x128xf32, #tpu.memory_space<vmem_shared>> -> memref<10000x128xf32, #tpu.memory_space<vmem_shared>>
    tpu.wait_indirect_dma semaphore(%arg31 : memref<!tpu.dma_semaphore, #tpu.memory_space<semaphore_mem>>) src(%arg18 : memref<80x128xf32, #tpu.memory_space<vmem>>) dst(%dma_wait3A_33 : memref<10000x128xf32, #tpu.memory_space<vmem_shared>>)
    %dma_wait3A_34 = arith.constant 0 : i32
    %dma_wait3A_35 = tpu.memref_slice %arg3[%dma_wait3A_34] : memref<320000xi32, #tpu.memory_space<hbm>> -> memref<80xi32, #tpu.memory_space<hbm>>
    %dma_wait3A_36 = arith.constant 0 : i32
    %dma_wait3A_37 = tpu.memref_slice %arg3[%dma_wait3A_36] : memref<320000xi32, #tpu.memory_space<hbm>> -> memref<80xi32, #tpu.memory_space<hbm>>
    tpu.wait_dma2 semaphore(%arg22 : memref<!tpu.dma_semaphore, #tpu.memory_space<semaphore_mem>>) src(%dma_wait3A_37 : memref<80xi32, #tpu.memory_space<hbm>>) dst(%arg6 : memref<80xi32, #tpu.memory_space<vmem>>)
    %dma_wait3A_38 = arith.constant 0 : i32
    %dma_wait3A_39 = tpu.memref_slice %arg3[%dma_wait3A_38] : memref<320000xi32, #tpu.memory_space<hbm>> -> memref<80xi32, #tpu.memory_space<hbm>>
    %dma_wait3A_40 = arith.constant 0 : i32
    %dma_wait3A_41 = tpu.memref_slice %arg3[%dma_wait3A_40] : memref<320000xi32, #tpu.memory_space<hbm>> -> memref<80xi32, #tpu.memory_space<hbm>>
    tpu.wait_dma2 semaphore(%arg22 : memref<!tpu.dma_semaphore, #tpu.memory_space<semaphore_mem>>) src(%dma_wait3A_41 : memref<80xi32, #tpu.memory_space<hbm>>) dst(%arg12 : memref<80xi32, #tpu.memory_space<vmem>>)
    %dma_start3A_42 = arith.constant 0 : i32
    %dma_start3A_43 = arith.constant 0 : i32
    %dma_start3A_44 = tpu.memref_slice %arg2[%dma_start3A_42, %dma_start3A_43] : memref<10000x128xf32, #tpu.memory_space<hbm>> -> memref<10000x128xf32, #tpu.memory_space<hbm>>
    tpu.enqueue_indirect_dma source(%dma_start3A_44 : memref<10000x128xf32, #tpu.memory_space<hbm>>) target(%arg18 : memref<80x128xf32, #tpu.memory_space<vmem>>) offsets(%arg6 : memref<80xi32, #tpu.memory_space<vmem>>) semaphore(%arg28 : memref<!tpu.dma_semaphore, #tpu.memory_space<semaphore_mem>>)
    %add3A_45 = arith.constant 9760 : i32
    %add3A_46 = arith.addi %mul3A_14, %add3A_45 : i32
    %dma_start3A_47 = tpu.memref_slice %arg3[%add3A_46] : memref<320000xi32, #tpu.memory_space<hbm>> -> memref<80xi32, #tpu.memory_space<hbm>>
    %dma_start3A_48 = tpu.memref_slice %arg3[%add3A_46] : memref<320000xi32, #tpu.memory_space<hbm>> -> memref<80xi32, #tpu.memory_space<hbm>>
    tpu.enqueue_dma source(%dma_start3A_48 : memref<80xi32, #tpu.memory_space<hbm>>) target(%arg8 : memref<80xi32, #tpu.memory_space<vmem>>) target_semaphore(%arg24 : memref<!tpu.dma_semaphore, #tpu.memory_space<semaphore_mem>>)
    %dma_start3A_49 = tpu.memref_slice %arg4[%add3A_46] : memref<320000xi32, #tpu.memory_space<hbm>> -> memref<80xi32, #tpu.memory_space<hbm>>
    %dma_start3A_50 = tpu.memref_slice %arg4[%add3A_46] : memref<320000xi32, #tpu.memory_space<hbm>> -> memref<80xi32, #tpu.memory_space<hbm>>
    tpu.enqueue_dma source(%dma_start3A_50 : memref<80xi32, #tpu.memory_space<hbm>>) target(%arg14 : memref<80xi32, #tpu.memory_space<vmem>>) target_semaphore(%arg24 : memref<!tpu.dma_semaphore, #tpu.memory_space<semaphore_mem>>)
    %dma_wait3A_51 = arith.constant 0 : i32
    %dma_wait3A_52 = arith.constant 0 : i32
    %dma_wait3A_53 = tpu.memref_slice %arg2[%dma_wait3A_51, %dma_wait3A_52] : memref<10000x128xf32, #tpu.memory_space<hbm>> -> memref<10000x128xf32, #tpu.memory_space<hbm>>
    tpu.wait_indirect_dma semaphore(%arg30 : memref<!tpu.dma_semaphore, #tpu.memory_space<semaphore_mem>>) src(%dma_wait3A_53 : memref<10000x128xf32, #tpu.memory_space<hbm>>) dst(%arg20 : memref<80x128xf32, #tpu.memory_space<vmem>>)
    %dma_start3A_54 = arith.constant 0 : i32
    %dma_start3A_55 = arith.constant 0 : i32
    %dma_start3A_56 = tpu.memref_slice %arg21[%dma_start3A_54, %dma_start3A_55] : memref<10000x128xf32, #tpu.memory_space<vmem_shared>> -> memref<10000x128xf32, #tpu.memory_space<vmem_shared>>
    tpu.enqueue_indirect_dma source(%arg20 : memref<80x128xf32, #tpu.memory_space<vmem>>) target(%dma_start3A_56 : memref<10000x128xf32, #tpu.memory_space<vmem_shared>>) offsets(%arg17 : memref<80xi32, #tpu.memory_space<vmem>>) semaphore(%arg33 : memref<!tpu.dma_semaphore, #tpu.memory_space<semaphore_mem>>) {add = true}
    %dma_wait3A_57 = arith.constant 0 : i32
    %dma_wait3A_58 = arith.constant 0 : i32
    %dma_wait3A_59 = tpu.memref_slice %arg21[%dma_wait3A_57, %dma_wait3A_58] : memref<10000x128xf32, #tpu.memory_space<vmem_shared>> -> memref<10000x128xf32, #tpu.memory_space<vmem_shared>>
    tpu.wait_indirect_dma semaphore(%arg32 : memref<!tpu.dma_semaphore, #tpu.memory_space<semaphore_mem>>) src(%arg19 : memref<80x128xf32, #tpu.memory_space<vmem>>) dst(%dma_wait3A_59 : memref<10000x128xf32, #tpu.memory_space<vmem_shared>>)
    %dma_wait3A_60 = arith.constant 0 : i32
    %dma_wait3A_61 = tpu.memref_slice %arg3[%dma_wait3A_60] : memref<320000xi32, #tpu.memory_space<hbm>> -> memref<80xi32, #tpu.memory_space<hbm>>
    %dma_wait3A_62 = arith.constant 0 : i32
    %dma_wait3A_63 = tpu.memref_slice %arg3[%dma_wait3A_62] : memref<320000xi32, #tpu.memory_space<hbm>> -> memref<80xi32, #tpu.memory_space<hbm>>
    tpu.wait_dma2 semaphore(%arg23 : memref<!tpu.dma_semaphore, #tpu.memory_space<semaphore_mem>>) src(%dma_wait3A_63 : memref<80xi32, #tpu.memory_space<hbm>>) dst(%arg7 : memref<80xi32, #tpu.memory_space<vmem>>)
    %dma_wait3A_64 = arith.constant 0 : i32
    %dma_wait3A_65 = tpu.memref_slice %arg3[%dma_wait3A_64] : memref<320000xi32, #tpu.memory_space<hbm>> -> memref<80xi32, #tpu.memory_space<hbm>>
    %dma_wait3A_66 = arith.constant 0 : i32
    %dma_wait3A_67 = tpu.memref_slice %arg3[%dma_wait3A_66] : memref<320000xi32, #tpu.memory_space<hbm>> -> memref<80xi32, #tpu.memory_space<hbm>>
    tpu.wait_dma2 semaphore(%arg23 : memref<!tpu.dma_semaphore, #tpu.memory_space<semaphore_mem>>) src(%dma_wait3A_67 : memref<80xi32, #tpu.memory_space<hbm>>) dst(%arg13 : memref<80xi32, #tpu.memory_space<vmem>>)
    %dma_start3A_68 = arith.constant 0 : i32
    %dma_start3A_69 = arith.constant 0 : i32
    %dma_start3A_70 = tpu.memref_slice %arg2[%dma_start3A_68, %dma_start3A_69] : memref<10000x128xf32, #tpu.memory_space<hbm>> -> memref<10000x128xf32, #tpu.memory_space<hbm>>
    tpu.enqueue_indirect_dma source(%dma_start3A_70 : memref<10000x128xf32, #tpu.memory_space<hbm>>) target(%arg19 : memref<80x128xf32, #tpu.memory_space<vmem>>) offsets(%arg7 : memref<80xi32, #tpu.memory_space<vmem>>) semaphore(%arg29 : memref<!tpu.dma_semaphore, #tpu.memory_space<semaphore_mem>>)
    %add3A_71 = arith.constant 9840 : i32
    %add3A_72 = arith.addi %mul3A_14, %add3A_71 : i32
    %dma_start3A_73 = tpu.memref_slice %arg3[%add3A_72] : memref<320000xi32, #tpu.memory_space<hbm>> -> memref<80xi32, #tpu.memory_space<hbm>>
    %dma_start3A_74 = tpu.memref_slice %arg3[%add3A_72] : memref<320000xi32, #tpu.memory_space<hbm>> -> memref<80xi32, #tpu.memory_space<hbm>>
    tpu.enqueue_dma source(%dma_start3A_74 : memref<80xi32, #tpu.memory_space<hbm>>) target(%arg9 : memref<80xi32, #tpu.memory_space<vmem>>) target_semaphore(%arg25 : memref<!tpu.dma_semaphore, #tpu.memory_space<semaphore_mem>>)
    %dma_start3A_75 = tpu.memref_slice %arg4[%add3A_72] : memref<320000xi32, #tpu.memory_space<hbm>> -> memref<80xi32, #tpu.memory_space<hbm>>
    %dma_start3A_76 = tpu.memref_slice %arg4[%add3A_72] : memref<320000xi32, #tpu.memory_space<hbm>> -> memref<80xi32, #tpu.memory_space<hbm>>
    tpu.enqueue_dma source(%dma_start3A_76 : memref<80xi32, #tpu.memory_space<hbm>>) target(%arg15 : memref<80xi32, #tpu.memory_space<vmem>>) target_semaphore(%arg25 : memref<!tpu.dma_semaphore, #tpu.memory_space<semaphore_mem>>)
    %dma_wait3A_77 = arith.constant 0 : i32
    %dma_wait3A_78 = arith.constant 0 : i32
    %dma_wait3A_79 = tpu.memref_slice %arg2[%dma_wait3A_77, %dma_wait3A_78] : memref<10000x128xf32, #tpu.memory_space<hbm>> -> memref<10000x128xf32, #tpu.memory_space<hbm>>
    tpu.wait_indirect_dma semaphore(%arg28 : memref<!tpu.dma_semaphore, #tpu.memory_space<semaphore_mem>>) src(%dma_wait3A_79 : memref<10000x128xf32, #tpu.memory_space<hbm>>) dst(%arg18 : memref<80x128xf32, #tpu.memory_space<vmem>>)
    %dma_start3A_80 = arith.constant 0 : i32
    %dma_start3A_81 = arith.constant 0 : i32
    %dma_start3A_82 = tpu.memref_slice %arg21[%dma_start3A_80, %dma_start3A_81] : memref<10000x128xf32, #tpu.memory_space<vmem_shared>> -> memref<10000x128xf32, #tpu.memory_space<vmem_shared>>
    tpu.enqueue_indirect_dma source(%arg18 : memref<80x128xf32, #tpu.memory_space<vmem>>) target(%dma_start3A_82 : memref<10000x128xf32, #tpu.memory_space<vmem_shared>>) offsets(%arg12 : memref<80xi32, #tpu.memory_space<vmem>>) semaphore(%arg31 : memref<!tpu.dma_semaphore, #tpu.memory_space<semaphore_mem>>) {add = true}
    %dma_wait3A_83 = arith.constant 0 : i32
    %dma_wait3A_84 = arith.constant 0 : i32
    %dma_wait3A_85 = tpu.memref_slice %arg21[%dma_wait3A_83, %dma_wait3A_84] : memref<10000x128xf32, #tpu.memory_space<vmem_shared>> -> memref<10000x128xf32, #tpu.memory_space<vmem_shared>>
    tpu.wait_indirect_dma semaphore(%arg33 : memref<!tpu.dma_semaphore, #tpu.memory_space<semaphore_mem>>) src(%arg20 : memref<80x128xf32, #tpu.memory_space<vmem>>) dst(%dma_wait3A_85 : memref<10000x128xf32, #tpu.memory_space<vmem_shared>>)
    %dma_wait3A_86 = arith.constant 0 : i32
    %dma_wait3A_87 = tpu.memref_slice %arg3[%dma_wait3A_86] : memref<320000xi32, #tpu.memory_space<hbm>> -> memref<80xi32, #tpu.memory_space<hbm>>
    %dma_wait3A_88 = arith.constant 0 : i32
    %dma_wait3A_89 = tpu.memref_slice %arg3[%dma_wait3A_88] : memref<320000xi32, #tpu.memory_space<hbm>> -> memref<80xi32, #tpu.memory_space<hbm>>
    tpu.wait_dma2 semaphore(%arg24 : memref<!tpu.dma_semaphore, #tpu.memory_space<semaphore_mem>>) src(%dma_wait3A_89 : memref<80xi32, #tpu.memory_space<hbm>>) dst(%arg8 : memref<80xi32, #tpu.memory_space<vmem>>)
    %dma_wait3A_90 = arith.constant 0 : i32
    %dma_wait3A_91 = tpu.memref_slice %arg3[%dma_wait3A_90] : memref<320000xi32, #tpu.memory_space<hbm>> -> memref<80xi32, #tpu.memory_space<hbm>>
    %dma_wait3A_92 = arith.constant 0 : i32
    %dma_wait3A_93 = tpu.memref_slice %arg3[%dma_wait3A_92] : memref<320000xi32, #tpu.memory_space<hbm>> -> memref<80xi32, #tpu.memory_space<hbm>>
    tpu.wait_dma2 semaphore(%arg24 : memref<!tpu.dma_semaphore, #tpu.memory_space<semaphore_mem>>) src(%dma_wait3A_93 : memref<80xi32, #tpu.memory_space<hbm>>) dst(%arg14 : memref<80xi32, #tpu.memory_space<vmem>>)
    %dma_start3A_94 = arith.constant 0 : i32
    %dma_start3A_95 = arith.constant 0 : i32
    %dma_start3A_96 = tpu.memref_slice %arg2[%dma_start3A_94, %dma_start3A_95] : memref<10000x128xf32, #tpu.memory_space<hbm>> -> memref<10000x128xf32, #tpu.memory_space<hbm>>
    tpu.enqueue_indirect_dma source(%dma_start3A_96 : memref<10000x128xf32, #tpu.memory_space<hbm>>) target(%arg20 : memref<80x128xf32, #tpu.memory_space<vmem>>) offsets(%arg8 : memref<80xi32, #tpu.memory_space<vmem>>) semaphore(%arg30 : memref<!tpu.dma_semaphore, #tpu.memory_space<semaphore_mem>>)
    %add3A_97 = arith.constant 9920 : i32
    %add3A_98 = arith.addi %mul3A_14, %add3A_97 : i32
    %dma_start3A_99 = tpu.memref_slice %arg3[%add3A_98] : memref<320000xi32, #tpu.memory_space<hbm>> -> memref<80xi32, #tpu.memory_space<hbm>>
    %dma_start3A_100 = tpu.memref_slice %arg3[%add3A_98] : memref<320000xi32, #tpu.memory_space<hbm>> -> memref<80xi32, #tpu.memory_space<hbm>>
    tpu.enqueue_dma source(%dma_start3A_100 : memref<80xi32, #tpu.memory_space<hbm>>) target(%arg10 : memref<80xi32, #tpu.memory_space<vmem>>) target_semaphore(%arg26 : memref<!tpu.dma_semaphore, #tpu.memory_space<semaphore_mem>>)
    %dma_start3A_101 = tpu.memref_slice %arg4[%add3A_98] : memref<320000xi32, #tpu.memory_space<hbm>> -> memref<80xi32, #tpu.memory_space<hbm>>
    %dma_start3A_102 = tpu.memref_slice %arg4[%add3A_98] : memref<320000xi32, #tpu.memory_space<hbm>> -> memref<80xi32, #tpu.memory_space<hbm>>
    tpu.enqueue_dma source(%dma_start3A_102 : memref<80xi32, #tpu.memory_space<hbm>>) target(%arg16 : memref<80xi32, #tpu.memory_space<vmem>>) target_semaphore(%arg26 : memref<!tpu.dma_semaphore, #tpu.memory_space<semaphore_mem>>)
    %dma_wait3A_103 = arith.constant 0 : i32
    %dma_wait3A_104 = arith.constant 0 : i32
    %dma_wait3A_105 = tpu.memref_slice %arg2[%dma_wait3A_103, %dma_wait3A_104] : memref<10000x128xf32, #tpu.memory_space<hbm>> -> memref<10000x128xf32, #tpu.memory_space<hbm>>
    tpu.wait_indirect_dma semaphore(%arg29 : memref<!tpu.dma_semaphore, #tpu.memory_space<semaphore_mem>>) src(%dma_wait3A_105 : memref<10000x128xf32, #tpu.memory_space<hbm>>) dst(%arg19 : memref<80x128xf32, #tpu.memory_space<vmem>>)
    %dma_start3A_106 = arith.constant 0 : i32
    %dma_start3A_107 = arith.constant 0 : i32
    %dma_start3A_108 = tpu.memref_slice %arg21[%dma_start3A_106, %dma_start3A_107] : memref<10000x128xf32, #tpu.memory_space<vmem_shared>> -> memref<10000x128xf32, #tpu.memory_space<vmem_shared>>
    tpu.enqueue_indirect_dma source(%arg19 : memref<80x128xf32, #tpu.memory_space<vmem>>) target(%dma_start3A_108 : memref<10000x128xf32, #tpu.memory_space<vmem_shared>>) offsets(%arg13 : memref<80xi32, #tpu.memory_space<vmem>>) semaphore(%arg32 : memref<!tpu.dma_semaphore, #tpu.memory_space<semaphore_mem>>) {add = true}
    %dma_wait3A_109 = arith.constant 0 : i32
    %dma_wait3A_110 = arith.constant 0 : i32
    %dma_wait3A_111 = tpu.memref_slice %arg21[%dma_wait3A_109, %dma_wait3A_110] : memref<10000x128xf32, #tpu.memory_space<vmem_shared>> -> memref<10000x128xf32, #tpu.memory_space<vmem_shared>>
    tpu.wait_indirect_dma semaphore(%arg31 : memref<!tpu.dma_semaphore, #tpu.memory_space<semaphore_mem>>) src(%arg18 : memref<80x128xf32, #tpu.memory_space<vmem>>) dst(%dma_wait3A_111 : memref<10000x128xf32, #tpu.memory_space<vmem_shared>>)
    %dma_wait3A_112 = arith.constant 0 : i32
    %dma_wait3A_113 = tpu.memref_slice %arg3[%dma_wait3A_112] : memref<320000xi32, #tpu.memory_space<hbm>> -> memref<80xi32, #tpu.memory_space<hbm>>
    %dma_wait3A_114 = arith.constant 0 : i32
    %dma_wait3A_115 = tpu.memref_slice %arg3[%dma_wait3A_114] : memref<320000xi32, #tpu.memory_space<hbm>> -> memref<80xi32, #tpu.memory_space<hbm>>
    tpu.wait_dma2 semaphore(%arg25 : memref<!tpu.dma_semaphore, #tpu.memory_space<semaphore_mem>>) src(%dma_wait3A_115 : memref<80xi32, #tpu.memory_space<hbm>>) dst(%arg9 : memref<80xi32, #tpu.memory_space<vmem>>)
    %dma_wait3A_116 = arith.constant 0 : i32
    %dma_wait3A_117 = tpu.memref_slice %arg3[%dma_wait3A_116] : memref<320000xi32, #tpu.memory_space<hbm>> -> memref<80xi32, #tpu.memory_space<hbm>>
    %dma_wait3A_118 = arith.constant 0 : i32
    %dma_wait3A_119 = tpu.memref_slice %arg3[%dma_wait3A_118] : memref<320000xi32, #tpu.memory_space<hbm>> -> memref<80xi32, #tpu.memory_space<hbm>>
    tpu.wait_dma2 semaphore(%arg25 : memref<!tpu.dma_semaphore, #tpu.memory_space<semaphore_mem>>) src(%dma_wait3A_119 : memref<80xi32, #tpu.memory_space<hbm>>) dst(%arg15 : memref<80xi32, #tpu.memory_space<vmem>>)
    %dma_start3A_120 = arith.constant 0 : i32
    %dma_start3A_121 = arith.constant 0 : i32
    %dma_start3A_122 = tpu.memref_slice %arg2[%dma_start3A_120, %dma_start3A_121] : memref<10000x128xf32, #tpu.memory_space<hbm>> -> memref<10000x128xf32, #tpu.memory_space<hbm>>
    tpu.enqueue_indirect_dma source(%dma_start3A_122 : memref<10000x128xf32, #tpu.memory_space<hbm>>) target(%arg18 : memref<80x128xf32, #tpu.memory_space<vmem>>) offsets(%arg9 : memref<80xi32, #tpu.memory_space<vmem>>) semaphore(%arg28 : memref<!tpu.dma_semaphore, #tpu.memory_space<semaphore_mem>>)
    %dma_wait3A_123 = arith.constant 0 : i32
    %dma_wait3A_124 = arith.constant 0 : i32
    %dma_wait3A_125 = tpu.memref_slice %arg2[%dma_wait3A_123, %dma_wait3A_124] : memref<10000x128xf32, #tpu.memory_space<hbm>> -> memref<10000x128xf32, #tpu.memory_space<hbm>>
    tpu.wait_indirect_dma semaphore(%arg30 : memref<!tpu.dma_semaphore, #tpu.memory_space<semaphore_mem>>) src(%dma_wait3A_125 : memref<10000x128xf32, #tpu.memory_space<hbm>>) dst(%arg20 : memref<80x128xf32, #tpu.memory_space<vmem>>)
    %dma_start3A_126 = arith.constant 0 : i32
    %dma_start3A_127 = arith.constant 0 : i32
    %dma_start3A_128 = tpu.memref_slice %arg21[%dma_start3A_126, %dma_start3A_127] : memref<10000x128xf32, #tpu.memory_space<vmem_shared>> -> memref<10000x128xf32, #tpu.memory_space<vmem_shared>>
    tpu.enqueue_indirect_dma source(%arg20 : memref<80x128xf32, #tpu.memory_space<vmem>>) target(%dma_start3A_128 : memref<10000x128xf32, #tpu.memory_space<vmem_shared>>) offsets(%arg14 : memref<80xi32, #tpu.memory_space<vmem>>) semaphore(%arg33 : memref<!tpu.dma_semaphore, #tpu.memory_space<semaphore_mem>>) {add = true}
    %dma_wait3A_129 = arith.constant 0 : i32
    %dma_wait3A_130 = arith.constant 0 : i32
    %dma_wait3A_131 = tpu.memref_slice %arg21[%dma_wait3A_129, %dma_wait3A_130] : memref<10000x128xf32, #tpu.memory_space<vmem_shared>> -> memref<10000x128xf32, #tpu.memory_space<vmem_shared>>
    tpu.wait_indirect_dma semaphore(%arg32 : memref<!tpu.dma_semaphore, #tpu.memory_space<semaphore_mem>>) src(%arg19 : memref<80x128xf32, #tpu.memory_space<vmem>>) dst(%dma_wait3A_131 : memref<10000x128xf32, #tpu.memory_space<vmem_shared>>)
    %dma_wait3A_132 = arith.constant 0 : i32
    %dma_wait3A_133 = tpu.memref_slice %arg3[%dma_wait3A_132] : memref<320000xi32, #tpu.memory_space<hbm>> -> memref<80xi32, #tpu.memory_space<hbm>>
    %dma_wait3A_134 = arith.constant 0 : i32
    %dma_wait3A_135 = tpu.memref_slice %arg3[%dma_wait3A_134] : memref<320000xi32, #tpu.memory_space<hbm>> -> memref<80xi32, #tpu.memory_space<hbm>>
    tpu.wait_dma2 semaphore(%arg26 : memref<!tpu.dma_semaphore, #tpu.memory_space<semaphore_mem>>) src(%dma_wait3A_135 : memref<80xi32, #tpu.memory_space<hbm>>) dst(%arg10 : memref<80xi32, #tpu.memory_space<vmem>>)
    %dma_wait3A_136 = arith.constant 0 : i32
    %dma_wait3A_137 = tpu.memref_slice %arg3[%dma_wait3A_136] : memref<320000xi32, #tpu.memory_space<hbm>> -> memref<80xi32, #tpu.memory_space<hbm>>
    %dma_wait3A_138 = arith.constant 0 : i32
    %dma_wait3A_139 = tpu.memref_slice %arg3[%dma_wait3A_138] : memref<320000xi32, #tpu.memory_space<hbm>> -> memref<80xi32, #tpu.memory_space<hbm>>
    tpu.wait_dma2 semaphore(%arg26 : memref<!tpu.dma_semaphore, #tpu.memory_space<semaphore_mem>>) src(%dma_wait3A_139 : memref<80xi32, #tpu.memory_space<hbm>>) dst(%arg16 : memref<80xi32, #tpu.memory_space<vmem>>)
    %dma_start3A_140 = arith.constant 0 : i32
    %dma_start3A_141 = arith.constant 0 : i32
    %dma_start3A_142 = tpu.memref_slice %arg2[%dma_start3A_140, %dma_start3A_141] : memref<10000x128xf32, #tpu.memory_space<hbm>> -> memref<10000x128xf32, #tpu.memory_space<hbm>>
    tpu.enqueue_indirect_dma source(%dma_start3A_142 : memref<10000x128xf32, #tpu.memory_space<hbm>>) target(%arg19 : memref<80x128xf32, #tpu.memory_space<vmem>>) offsets(%arg10 : memref<80xi32, #tpu.memory_space<vmem>>) semaphore(%arg29 : memref<!tpu.dma_semaphore, #tpu.memory_space<semaphore_mem>>)
    %dma_wait3A_143 = arith.constant 0 : i32
    %dma_wait3A_144 = arith.constant 0 : i32
    %dma_wait3A_145 = tpu.memref_slice %arg2[%dma_wait3A_143, %dma_wait3A_144] : memref<10000x128xf32, #tpu.memory_space<hbm>> -> memref<10000x128xf32, #tpu.memory_space<hbm>>
    tpu.wait_indirect_dma semaphore(%arg28 : memref<!tpu.dma_semaphore, #tpu.memory_space<semaphore_mem>>) src(%dma_wait3A_145 : memref<10000x128xf32, #tpu.memory_space<hbm>>) dst(%arg18 : memref<80x128xf32, #tpu.memory_space<vmem>>)
    %dma_start3A_146 = arith.constant 0 : i32
    %dma_start3A_147 = arith.constant 0 : i32
    %dma_start3A_148 = tpu.memref_slice %arg21[%dma_start3A_146, %dma_start3A_147] : memref<10000x128xf32, #tpu.memory_space<vmem_shared>> -> memref<10000x128xf32, #tpu.memory_space<vmem_shared>>
    tpu.enqueue_indirect_dma source(%arg18 : memref<80x128xf32, #tpu.memory_space<vmem>>) target(%dma_start3A_148 : memref<10000x128xf32, #tpu.memory_space<vmem_shared>>) offsets(%arg15 : memref<80xi32, #tpu.memory_space<vmem>>) semaphore(%arg31 : memref<!tpu.dma_semaphore, #tpu.memory_space<semaphore_mem>>) {add = true}
    %dma_wait3A_149 = arith.constant 0 : i32
    %dma_wait3A_150 = arith.constant 0 : i32
    %dma_wait3A_151 = tpu.memref_slice %arg2[%dma_wait3A_149, %dma_wait3A_150] : memref<10000x128xf32, #tpu.memory_space<hbm>> -> memref<10000x128xf32, #tpu.memory_space<hbm>>
    tpu.wait_indirect_dma semaphore(%arg29 : memref<!tpu.dma_semaphore, #tpu.memory_space<semaphore_mem>>) src(%dma_wait3A_151 : memref<10000x128xf32, #tpu.memory_space<hbm>>) dst(%arg19 : memref<80x128xf32, #tpu.memory_space<vmem>>)
    %dma_start3A_152 = arith.constant 0 : i32
    %dma_start3A_153 = arith.constant 0 : i32
    %dma_start3A_154 = tpu.memref_slice %arg21[%dma_start3A_152, %dma_start3A_153] : memref<10000x128xf32, #tpu.memory_space<vmem_shared>> -> memref<10000x128xf32, #tpu.memory_space<vmem_shared>>
    tpu.enqueue_indirect_dma source(%arg19 : memref<80x128xf32, #tpu.memory_space<vmem>>) target(%dma_start3A_154 : memref<10000x128xf32, #tpu.memory_space<vmem_shared>>) offsets(%arg16 : memref<80xi32, #tpu.memory_space<vmem>>) semaphore(%arg32 : memref<!tpu.dma_semaphore, #tpu.memory_space<semaphore_mem>>) {add = true}
    %dma_wait3A_155 = arith.constant 0 : i32
    %dma_wait3A_156 = arith.constant 0 : i32
    %dma_wait3A_157 = tpu.memref_slice %arg21[%dma_wait3A_155, %dma_wait3A_156] : memref<10000x128xf32, #tpu.memory_space<vmem_shared>> -> memref<10000x128xf32, #tpu.memory_space<vmem_shared>>
    tpu.wait_indirect_dma semaphore(%arg31 : memref<!tpu.dma_semaphore, #tpu.memory_space<semaphore_mem>>) src(%arg18 : memref<80x128xf32, #tpu.memory_space<vmem>>) dst(%dma_wait3A_157 : memref<10000x128xf32, #tpu.memory_space<vmem_shared>>)
    %dma_wait3A_158 = arith.constant 0 : i32
    %dma_wait3A_159 = arith.constant 0 : i32
    %dma_wait3A_160 = tpu.memref_slice %arg21[%dma_wait3A_158, %dma_wait3A_159] : memref<10000x128xf32, #tpu.memory_space<vmem_shared>> -> memref<10000x128xf32, #tpu.memory_space<vmem_shared>>
    tpu.wait_indirect_dma semaphore(%arg32 : memref<!tpu.dma_semaphore, #tpu.memory_space<semaphore_mem>>) src(%arg19 : memref<80x128xf32, #tpu.memory_space<vmem>>) dst(%dma_wait3A_160 : memref<10000x128xf32, #tpu.memory_space<vmem_shared>>)
    %dma_wait3A_161 = arith.constant 0 : i32
    %dma_wait3A_162 = arith.constant 0 : i32
    %dma_wait3A_163 = tpu.memref_slice %arg21[%dma_wait3A_161, %dma_wait3A_162] : memref<10000x128xf32, #tpu.memory_space<vmem_shared>> -> memref<10000x128xf32, #tpu.memory_space<vmem_shared>>
    tpu.wait_indirect_dma semaphore(%arg33 : memref<!tpu.dma_semaphore, #tpu.memory_space<semaphore_mem>>) src(%arg20 : memref<80x128xf32, #tpu.memory_space<vmem>>) dst(%dma_wait3A_163 : memref<10000x128xf32, #tpu.memory_space<vmem_shared>>)
    %barrier3A_164 = arith.constant 0 : index
    tpu.barrier barrier_id(%barrier3A_164)
    %scan3A_165 = arith.constant 0 : i32
    %scan3A_166 = arith.constant 0 : i32
    %scan3A_167 = arith.constant 8 : i32
    %scan3A_168 = arith.addi %scan3A_166, %scan3A_167 : i32
    %scan3A_169 = arith.constant 1 : i32
    scf.for %scan3A_171 = %scan3A_166 to %scan3A_168 step %scan3A_169  : i32 {
      %mul3A_172 = arith.constant 16 : i32
      %mul3A_173 = arith.muli %scan3A_171, %mul3A_172 : i32
      %add3A_174 = arith.addi %arg1, %mul3A_173 : i32
      %lt3A = arith.constant 125 : i32
      %lt3A_175 = arith.cmpi slt, %add3A_174, %lt3A : i32
      %convert_element_type3A = arith.extui %lt3A_175 : i1 to i32
      %cond3A = arith.constant 0 : i32
      %cond3A_176 = arith.cmpi ne, %convert_element_type3A, %cond3A : i32
      scf.if %cond3A_176 {
        %mul3A_177 = arith.constant 80 : i32
        %mul3A_178 = arith.muli %add3A_174, %mul3A_177 : i32
        "tpu.region"() ({
          %run_scoped3A = tpu.sem_alloc : memref<!tpu.dma_semaphore, #tpu.memory_space<semaphore_mem>>
          %dma_start3A_179 = arith.constant 0 : i32
          %dma_start3A_180 = tpu.memref_slice %arg5[%arg0, %mul3A_178, %dma_start3A_179] : memref<2x10000x128xf32, #tpu.memory_space<hbm>> -> memref<1x80x128xf32, #tpu.memory_space<hbm>>
          %dma_start3A_181 = tpu.memref_squeeze %dma_start3A_180 : memref<1x80x128xf32, #tpu.memory_space<hbm>> -> memref<80x128xf32, #tpu.memory_space<hbm>>
          %dma_start3A_182 = arith.constant 0 : i32
          %dma_start3A_183 = tpu.memref_slice %arg21[%mul3A_178, %dma_start3A_182] : memref<10000x128xf32, #tpu.memory_space<vmem_shared>> -> memref<80x128xf32, #tpu.memory_space<vmem_shared>>
          tpu.enqueue_dma source(%dma_start3A_183 : memref<80x128xf32, #tpu.memory_space<vmem_shared>>) target(%dma_start3A_181 : memref<80x128xf32, #tpu.memory_space<hbm>>) target_semaphore(%run_scoped3A : memref<!tpu.dma_semaphore, #tpu.memory_space<semaphore_mem>>)
          %dma_wait3A_184 = arith.constant 0 : i32
          %dma_wait3A_185 = tpu.memref_slice %arg5[%arg0, %mul3A_178, %dma_wait3A_184] : memref<2x10000x128xf32, #tpu.memory_space<hbm>> -> memref<1x80x128xf32, #tpu.memory_space<hbm>>
          %dma_wait3A_186 = tpu.memref_squeeze %dma_wait3A_185 : memref<1x80x128xf32, #tpu.memory_space<hbm>> -> memref<80x128xf32, #tpu.memory_space<hbm>>
          %dma_wait3A_187 = arith.constant 0 : i32
          %dma_wait3A_188 = tpu.memref_slice %arg21[%mul3A_178, %dma_wait3A_187] : memref<10000x128xf32, #tpu.memory_space<vmem_shared>> -> memref<80x128xf32, #tpu.memory_space<vmem_shared>>
          tpu.wait_dma2 semaphore(%run_scoped3A : memref<!tpu.dma_semaphore, #tpu.memory_space<semaphore_mem>>) src(%dma_wait3A_188 : memref<80x128xf32, #tpu.memory_space<vmem_shared>>) dst(%dma_wait3A_186 : memref<80x128xf32, #tpu.memory_space<hbm>>)
          tpu.yield
        }) : () -> ()
      } else {
      }
    }
    %scan3A_170 = arith.constant 8 : i32
    return
  }
}

#map = affine_map<(d0, d1) -> (0)>
#map1 = affine_map<(d0, d1) -> (0, 0)>
module attributes {stable_mosaic.version = 14 : i64} {
  func.func @deg_kernel(%arg0: i32, %arg1: i32, %arg2: memref<320000xi32, #tpu.memory_space<hbm>>, %arg3: memref<2x10000xf32, #tpu.memory_space<hbm>>, %arg4: memref<10000xi32, #tpu.memory_space<vmem>>, %arg5: memref<80xf32, #tpu.memory_space<vmem>>, %arg6: memref<2000xf32, #tpu.memory_space<vmem>>, %arg7: memref<10000xf32, #tpu.memory_space<vmem_shared>>, %arg8: memref<!tpu.dma_semaphore, #tpu.memory_space<semaphore_mem>>) attributes {dimension_semantics = [#tpu.dimension_semantics<core_parallel>, #tpu.dimension_semantics<subcore_parallel>], iteration_bounds = array<i64: 2, 16>, scalar_prefetch = 0 : i64, scratch_operands = 5 : i64, tpu.core_type = #tpu.core_type<sc_vector_subcore>, window_params = [{transform_indices = #map}, {transform_indices = #map1}]} {
    %mul3A = arith.constant 16 : i32
    %mul3A_0 = arith.muli %arg0, %mul3A : i32
    %add3A = arith.addi %mul3A_0, %arg1 : i32
    %broadcast_in_dim3A = arith.constant 1.000000e+00 : f32
    %broadcast_in_dim3A_1 = vector.broadcast %broadcast_in_dim3A : f32 to vector<16xf32>
    %scan3A = arith.constant 0 : i32
    %scan3A_2 = arith.constant 0 : i32
    %scan3A_3 = arith.constant 5 : i32
    %scan3A_4 = arith.addi %scan3A_2, %scan3A_3 : i32
    %scan3A_5 = arith.constant 1 : i32
    scf.for %scan3A_54 = %scan3A_2 to %scan3A_4 step %scan3A_5  : i32 {
      %mul3A_55 = arith.constant 16 : i32
      %mul3A_56 = arith.muli %scan3A_54, %mul3A_55 : i32
      %swap3A = arith.index_cast %mul3A_56 : i32 to index
      %swap3A_57 = tpu.vector_load %arg5[%swap3A] {strides = array<i32>} : memref<80xf32, #tpu.memory_space<vmem>>, vector<16xf32>,
      %swap3A_58 = vector.shape_cast %swap3A_57 : vector<16xf32> to vector<16xf32>
      %swap3A_59 = vector.shape_cast %broadcast_in_dim3A_1 : vector<16xf32> to vector<16xf32>
      tpu.vector_store %arg5[%swap3A], %swap3A_59 {strides = array<i32>} : memref<80xf32, #tpu.memory_space<vmem>>, vector<16xf32>,
    }
    %scan3A_6 = arith.constant 5 : i32
    %eq3A = arith.constant 0 : i32
    %eq3A_7 = arith.cmpi eq, %arg1, %eq3A : i32
    %convert_element_type3A = arith.extui %eq3A_7 : i1 to i32
    %cond3A = arith.constant 0 : i32
    %cond3A_8 = arith.cmpi ne, %convert_element_type3A, %cond3A : i32
    scf.if %cond3A_8 {
      %broadcast_in_dim3A_54 = arith.constant 0.000000e+00 : f32
      %broadcast_in_dim3A_55 = vector.broadcast %broadcast_in_dim3A_54 : f32 to vector<16xf32>
      %scan3A_56 = arith.constant 0 : i32
      %scan3A_57 = arith.constant 0 : i32
      %scan3A_58 = arith.constant 125 : i32
      %scan3A_59 = arith.addi %scan3A_57, %scan3A_58 : i32
      %scan3A_60 = arith.constant 1 : i32
      scf.for %scan3A_68 = %scan3A_57 to %scan3A_59 step %scan3A_60  : i32 {
        %mul3A_69 = arith.constant 16 : i32
        %mul3A_70 = arith.muli %scan3A_68, %mul3A_69 : i32
        %swap3A = arith.index_cast %mul3A_70 : i32 to index
        %swap3A_71 = tpu.vector_load %arg6[%swap3A] {strides = array<i32>} : memref<2000xf32, #tpu.memory_space<vmem>>, vector<16xf32>,
        %swap3A_72 = vector.shape_cast %swap3A_71 : vector<16xf32> to vector<16xf32>
        %swap3A_73 = vector.shape_cast %broadcast_in_dim3A_55 : vector<16xf32> to vector<16xf32>
        tpu.vector_store %arg6[%swap3A], %swap3A_73 {strides = array<i32>} : memref<2000xf32, #tpu.memory_space<vmem>>, vector<16xf32>,
      }
      %scan3A_61 = arith.constant 125 : i32
      %scan3A_62 = arith.constant 0 : i32
      %scan3A_63 = arith.constant 0 : i32
      %scan3A_64 = arith.constant 5 : i32
      %scan3A_65 = arith.addi %scan3A_63, %scan3A_64 : i32
      %scan3A_66 = arith.constant 1 : i32
      scf.for %scan3A_68 = %scan3A_63 to %scan3A_65 step %scan3A_66  : i32 {
        %mul3A_69 = arith.constant 2000 : i32
        %mul3A_70 = arith.muli %scan3A_68, %mul3A_69 : i32
        "tpu.region"() ({
          %run_scoped3A = tpu.sem_alloc : memref<!tpu.dma_semaphore, #tpu.memory_space<semaphore_mem>>
          %dma_start3A = tpu.memref_slice %arg7[%mul3A_70] : memref<10000xf32, #tpu.memory_space<vmem_shared>> -> memref<2000xf32, #tpu.memory_space<vmem_shared>>
          %dma_start3A_71 = tpu.memref_slice %arg7[%mul3A_70] : memref<10000xf32, #tpu.memory_space<vmem_shared>> -> memref<2000xf32, #tpu.memory_space<vmem_shared>>
          tpu.enqueue_dma source(%arg6 : memref<2000xf32, #tpu.memory_space<vmem>>) target(%dma_start3A_71 : memref<2000xf32, #tpu.memory_space<vmem_shared>>) target_semaphore(%run_scoped3A : memref<!tpu.dma_semaphore, #tpu.memory_space<semaphore_mem>>)
          %dma_wait3A_72 = tpu.memref_slice %arg7[%mul3A_70] : memref<10000xf32, #tpu.memory_space<vmem_shared>> -> memref<2000xf32, #tpu.memory_space<vmem_shared>>
          %dma_wait3A_73 = tpu.memref_slice %arg7[%mul3A_70] : memref<10000xf32, #tpu.memory_space<vmem_shared>> -> memref<2000xf32, #tpu.memory_space<vmem_shared>>
          tpu.wait_dma2 semaphore(%run_scoped3A : memref<!tpu.dma_semaphore, #tpu.memory_space<semaphore_mem>>) src(%arg6 : memref<2000xf32, #tpu.memory_space<vmem>>) dst(%dma_wait3A_73 : memref<2000xf32, #tpu.memory_space<vmem_shared>>)
          tpu.yield
        }) : () -> ()
      }
      %scan3A_67 = arith.constant 5 : i32
    } else {
    }
    %mul3A_9 = arith.constant 10000 : i32
    %mul3A_10 = arith.muli %add3A, %mul3A_9 : i32
    "tpu.region"() ({
      %run_scoped3A = tpu.sem_alloc : memref<!tpu.dma_semaphore, #tpu.memory_space<semaphore_mem>>
      %dma_start3A = tpu.memref_slice %arg2[%mul3A_10] : memref<320000xi32, #tpu.memory_space<hbm>> -> memref<10000xi32, #tpu.memory_space<hbm>>
      %dma_start3A_54 = tpu.memref_slice %arg2[%mul3A_10] : memref<320000xi32, #tpu.memory_space<hbm>> -> memref<10000xi32, #tpu.memory_space<hbm>>
      tpu.enqueue_dma source(%dma_start3A_54 : memref<10000xi32, #tpu.memory_space<hbm>>) target(%arg4 : memref<10000xi32, #tpu.memory_space<vmem>>) target_semaphore(%run_scoped3A : memref<!tpu.dma_semaphore, #tpu.memory_space<semaphore_mem>>)
      %dma_wait3A_55 = tpu.memref_slice %arg2[%mul3A_10] : memref<320000xi32, #tpu.memory_space<hbm>> -> memref<10000xi32, #tpu.memory_space<hbm>>
      %dma_wait3A_56 = tpu.memref_slice %arg2[%mul3A_10] : memref<320000xi32, #tpu.memory_space<hbm>> -> memref<10000xi32, #tpu.memory_space<hbm>>
      tpu.wait_dma2 semaphore(%run_scoped3A : memref<!tpu.dma_semaphore, #tpu.memory_space<semaphore_mem>>) src(%dma_wait3A_56 : memref<10000xi32, #tpu.memory_space<hbm>>) dst(%arg4 : memref<10000xi32, #tpu.memory_space<vmem>>)
      tpu.yield
    }) : () -> ()
    %barrier3A = arith.constant 0 : index
    tpu.barrier barrier_id(%barrier3A)
    %scan3A_11 = arith.constant 0 : i32
    %scan3A_12 = arith.constant 0 : i32
    %scan3A_13 = arith.constant 125 : i32
    %scan3A_14 = arith.addi %scan3A_12, %scan3A_13 : i32
    %scan3A_15 = arith.constant 1 : i32
    scf.for %scan3A_54 = %scan3A_12 to %scan3A_14 step %scan3A_15  : i32 {
      %mul3A_55 = arith.constant 80 : i32
      %mul3A_56 = arith.muli %scan3A_54, %mul3A_55 : i32
      %dma_start3A = tpu.memref_slice %arg4[%mul3A_56] : memref<10000xi32, #tpu.memory_space<vmem>> -> memref<80xi32, #tpu.memory_space<vmem>>
      %dma_start3A_57 = arith.constant 0 : i32
      %dma_start3A_58 = tpu.memref_slice %arg7[%dma_start3A_57] : memref<10000xf32, #tpu.memory_space<vmem_shared>> -> memref<10000xf32, #tpu.memory_space<vmem_shared>>
      tpu.enqueue_indirect_dma source(%arg5 : memref<80xf32, #tpu.memory_space<vmem>>) target(%dma_start3A_58 : memref<10000xf32, #tpu.memory_space<vmem_shared>>) offsets(%dma_start3A : memref<80xi32, #tpu.memory_space<vmem>>) semaphore(%arg8 : memref<!tpu.dma_semaphore, #tpu.memory_space<semaphore_mem>>) {add = true}
      %ge3A = arith.constant 8 : i32
      %ge3A_59 = arith.cmpi sge, %scan3A_54, %ge3A : i32
      %convert_element_type3A_60 = arith.extui %ge3A_59 : i1 to i32
      %cond3A_61 = arith.constant 0 : i32
      %cond3A_62 = arith.cmpi ne, %convert_element_type3A_60, %cond3A_61 : i32
      scf.if %cond3A_62 {
        %dma_wait3A_63 = arith.constant 0 : i32
        %dma_wait3A_64 = tpu.memref_slice %arg4[%dma_wait3A_63] : memref<10000xi32, #tpu.memory_space<vmem>> -> memref<80xi32, #tpu.memory_space<vmem>>
        %dma_wait3A_65 = arith.constant 0 : i32
        %dma_wait3A_66 = tpu.memref_slice %arg7[%dma_wait3A_65] : memref<10000xf32, #tpu.memory_space<vmem_shared>> -> memref<10000xf32, #tpu.memory_space<vmem_shared>>
        tpu.wait_indirect_dma semaphore(%arg8 : memref<!tpu.dma_semaphore, #tpu.memory_space<semaphore_mem>>) src(%arg5 : memref<80xf32, #tpu.memory_space<vmem>>) dst(%dma_wait3A_66 : memref<10000xf32, #tpu.memory_space<vmem_shared>>)
      } else {
      }
    }
    %scan3A_16 = arith.constant 125 : i32
    %dma_wait3A = arith.constant 0 : i32
    %dma_wait3A_17 = tpu.memref_slice %arg4[%dma_wait3A] : memref<10000xi32, #tpu.memory_space<vmem>> -> memref<80xi32, #tpu.memory_space<vmem>>
    %dma_wait3A_18 = arith.constant 0 : i32
    %dma_wait3A_19 = tpu.memref_slice %arg7[%dma_wait3A_18] : memref<10000xf32, #tpu.memory_space<vmem_shared>> -> memref<10000xf32, #tpu.memory_space<vmem_shared>>
    tpu.wait_indirect_dma semaphore(%arg8 : memref<!tpu.dma_semaphore, #tpu.memory_space<semaphore_mem>>) src(%arg5 : memref<80xf32, #tpu.memory_space<vmem>>) dst(%dma_wait3A_19 : memref<10000xf32, #tpu.memory_space<vmem_shared>>)
    %dma_wait3A_20 = arith.constant 0 : i32
    %dma_wait3A_21 = tpu.memref_slice %arg4[%dma_wait3A_20] : memref<10000xi32, #tpu.memory_space<vmem>> -> memref<80xi32, #tpu.memory_space<vmem>>
    %dma_wait3A_22 = arith.constant 0 : i32
    %dma_wait3A_23 = tpu.memref_slice %arg7[%dma_wait3A_22] : memref<10000xf32, #tpu.memory_space<vmem_shared>> -> memref<10000xf32, #tpu.memory_space<vmem_shared>>
    tpu.wait_indirect_dma semaphore(%arg8 : memref<!tpu.dma_semaphore, #tpu.memory_space<semaphore_mem>>) src(%arg5 : memref<80xf32, #tpu.memory_space<vmem>>) dst(%dma_wait3A_23 : memref<10000xf32, #tpu.memory_space<vmem_shared>>)
    %dma_wait3A_24 = arith.constant 0 : i32
    %dma_wait3A_25 = tpu.memref_slice %arg4[%dma_wait3A_24] : memref<10000xi32, #tpu.memory_space<vmem>> -> memref<80xi32, #tpu.memory_space<vmem>>
    %dma_wait3A_26 = arith.constant 0 : i32
    %dma_wait3A_27 = tpu.memref_slice %arg7[%dma_wait3A_26] : memref<10000xf32, #tpu.memory_space<vmem_shared>> -> memref<10000xf32, #tpu.memory_space<vmem_shared>>
    tpu.wait_indirect_dma semaphore(%arg8 : memref<!tpu.dma_semaphore, #tpu.memory_space<semaphore_mem>>) src(%arg5 : memref<80xf32, #tpu.memory_space<vmem>>) dst(%dma_wait3A_27 : memref<10000xf32, #tpu.memory_space<vmem_shared>>)
    %dma_wait3A_28 = arith.constant 0 : i32
    %dma_wait3A_29 = tpu.memref_slice %arg4[%dma_wait3A_28] : memref<10000xi32, #tpu.memory_space<vmem>> -> memref<80xi32, #tpu.memory_space<vmem>>
    %dma_wait3A_30 = arith.constant 0 : i32
    %dma_wait3A_31 = tpu.memref_slice %arg7[%dma_wait3A_30] : memref<10000xf32, #tpu.memory_space<vmem_shared>> -> memref<10000xf32, #tpu.memory_space<vmem_shared>>
    tpu.wait_indirect_dma semaphore(%arg8 : memref<!tpu.dma_semaphore, #tpu.memory_space<semaphore_mem>>) src(%arg5 : memref<80xf32, #tpu.memory_space<vmem>>) dst(%dma_wait3A_31 : memref<10000xf32, #tpu.memory_space<vmem_shared>>)
    %dma_wait3A_32 = arith.constant 0 : i32
    %dma_wait3A_33 = tpu.memref_slice %arg4[%dma_wait3A_32] : memref<10000xi32, #tpu.memory_space<vmem>> -> memref<80xi32, #tpu.memory_space<vmem>>
    %dma_wait3A_34 = arith.constant 0 : i32
    %dma_wait3A_35 = tpu.memref_slice %arg7[%dma_wait3A_34] : memref<10000xf32, #tpu.memory_space<vmem_shared>> -> memref<10000xf32, #tpu.memory_space<vmem_shared>>
    tpu.wait_indirect_dma semaphore(%arg8 : memref<!tpu.dma_semaphore, #tpu.memory_space<semaphore_mem>>) src(%arg5 : memref<80xf32, #tpu.memory_space<vmem>>) dst(%dma_wait3A_35 : memref<10000xf32, #tpu.memory_space<vmem_shared>>)
    %dma_wait3A_36 = arith.constant 0 : i32
    %dma_wait3A_37 = tpu.memref_slice %arg4[%dma_wait3A_36] : memref<10000xi32, #tpu.memory_space<vmem>> -> memref<80xi32, #tpu.memory_space<vmem>>
    %dma_wait3A_38 = arith.constant 0 : i32
    %dma_wait3A_39 = tpu.memref_slice %arg7[%dma_wait3A_38] : memref<10000xf32, #tpu.memory_space<vmem_shared>> -> memref<10000xf32, #tpu.memory_space<vmem_shared>>
    tpu.wait_indirect_dma semaphore(%arg8 : memref<!tpu.dma_semaphore, #tpu.memory_space<semaphore_mem>>) src(%arg5 : memref<80xf32, #tpu.memory_space<vmem>>) dst(%dma_wait3A_39 : memref<10000xf32, #tpu.memory_space<vmem_shared>>)
    %dma_wait3A_40 = arith.constant 0 : i32
    %dma_wait3A_41 = tpu.memref_slice %arg4[%dma_wait3A_40] : memref<10000xi32, #tpu.memory_space<vmem>> -> memref<80xi32, #tpu.memory_space<vmem>>
    %dma_wait3A_42 = arith.constant 0 : i32
    %dma_wait3A_43 = tpu.memref_slice %arg7[%dma_wait3A_42] : memref<10000xf32, #tpu.memory_space<vmem_shared>> -> memref<10000xf32, #tpu.memory_space<vmem_shared>>
    tpu.wait_indirect_dma semaphore(%arg8 : memref<!tpu.dma_semaphore, #tpu.memory_space<semaphore_mem>>) src(%arg5 : memref<80xf32, #tpu.memory_space<vmem>>) dst(%dma_wait3A_43 : memref<10000xf32, #tpu.memory_space<vmem_shared>>)
    %dma_wait3A_44 = arith.constant 0 : i32
    %dma_wait3A_45 = tpu.memref_slice %arg4[%dma_wait3A_44] : memref<10000xi32, #tpu.memory_space<vmem>> -> memref<80xi32, #tpu.memory_space<vmem>>
    %dma_wait3A_46 = arith.constant 0 : i32
    %dma_wait3A_47 = tpu.memref_slice %arg7[%dma_wait3A_46] : memref<10000xf32, #tpu.memory_space<vmem_shared>> -> memref<10000xf32, #tpu.memory_space<vmem_shared>>
    tpu.wait_indirect_dma semaphore(%arg8 : memref<!tpu.dma_semaphore, #tpu.memory_space<semaphore_mem>>) src(%arg5 : memref<80xf32, #tpu.memory_space<vmem>>) dst(%dma_wait3A_47 : memref<10000xf32, #tpu.memory_space<vmem_shared>>)
    %barrier3A_48 = arith.constant 0 : index
    tpu.barrier barrier_id(%barrier3A_48)
    %eq3A_49 = arith.constant 0 : i32
    %eq3A_50 = arith.cmpi eq, %arg1, %eq3A_49 : i32
    %convert_element_type3A_51 = arith.extui %eq3A_50 : i1 to i32
    %cond3A_52 = arith.constant 0 : i32
    %cond3A_53 = arith.cmpi ne, %convert_element_type3A_51, %cond3A_52 : i32
    scf.if %cond3A_53 {
      "tpu.region"() ({
        %run_scoped3A = tpu.sem_alloc : memref<!tpu.dma_semaphore, #tpu.memory_space<semaphore_mem>>
        %dma_start3A = arith.constant 0 : i32
        %dma_start3A_54 = tpu.memref_slice %arg3[%arg0, %dma_start3A] : memref<2x10000xf32, #tpu.memory_space<hbm>> -> memref<1x10000xf32, #tpu.memory_space<hbm>>
        %dma_start3A_55 = tpu.memref_squeeze %dma_start3A_54 : memref<1x10000xf32, #tpu.memory_space<hbm>> -> memref<10000xf32, #tpu.memory_space<hbm>>
        tpu.enqueue_dma source(%arg7 : memref<10000xf32, #tpu.memory_space<vmem_shared>>) target(%dma_start3A_55 : memref<10000xf32, #tpu.memory_space<hbm>>) target_semaphore(%run_scoped3A : memref<!tpu.dma_semaphore, #tpu.memory_space<semaphore_mem>>)
        %dma_wait3A_56 = arith.constant 0 : i32
        %dma_wait3A_57 = tpu.memref_slice %arg3[%arg0, %dma_wait3A_56] : memref<2x10000xf32, #tpu.memory_space<hbm>> -> memref<1x10000xf32, #tpu.memory_space<hbm>>
        %dma_wait3A_58 = tpu.memref_squeeze %dma_wait3A_57 : memref<1x10000xf32, #tpu.memory_space<hbm>> -> memref<10000xf32, #tpu.memory_space<hbm>>
        tpu.wait_dma2 semaphore(%run_scoped3A : memref<!tpu.dma_semaphore, #tpu.memory_space<semaphore_mem>>) src(%arg7 : memref<10000xf32, #tpu.memory_space<vmem_shared>>) dst(%dma_wait3A_58 : memref<10000xf32, #tpu.memory_space<hbm>>)
        tpu.yield
      }) : () -> ()
    } else {
    }
    return
  }
}

#map = affine_map<(d0, d1) -> (0, 0)>
#map1 = affine_map<(d0, d1) -> (0)>
#map2 = affine_map<(d0, d1) -> (0, 0, 0)>
module attributes {stable_mosaic.version = 14 : i64} {
  func.func @agg_kernel(%arg0: i32, %arg1: i32, %arg2: memref<10000x64xf32, #tpu.memory_space<hbm>>, %arg3: memref<320000xi32, #tpu.memory_space<hbm>>, %arg4: memref<320000xi32, #tpu.memory_space<hbm>>, %arg5: memref<2x10000x64xf32, #tpu.memory_space<hbm>>, %arg6: memref<10000xi32, #tpu.memory_space<vmem>>, %arg7: memref<10000xi32, #tpu.memory_space<vmem>>, %arg8: memref<80x64xf32, #tpu.memory_space<vmem>>, %arg9: memref<80x64xf32, #tpu.memory_space<vmem>>, %arg10: memref<80x64xf32, #tpu.memory_space<vmem>>, %arg11: memref<80x64xf32, #tpu.memory_space<vmem>>, %arg12: memref<80x64xf32, #tpu.memory_space<vmem>>, %arg13: memref<10000x64xf32, #tpu.memory_space<vmem_shared>>, %arg14: memref<!tpu.dma_semaphore, #tpu.memory_space<semaphore_mem>>, %arg15: memref<!tpu.dma_semaphore, #tpu.memory_space<semaphore_mem>>, %arg16: memref<!tpu.dma_semaphore, #tpu.memory_space<semaphore_mem>>, %arg17: memref<!tpu.dma_semaphore, #tpu.memory_space<semaphore_mem>>, %arg18: memref<!tpu.dma_semaphore, #tpu.memory_space<semaphore_mem>>, %arg19: memref<!tpu.dma_semaphore, #tpu.memory_space<semaphore_mem>>, %arg20: memref<!tpu.dma_semaphore, #tpu.memory_space<semaphore_mem>>, %arg21: memref<!tpu.dma_semaphore, #tpu.memory_space<semaphore_mem>>, %arg22: memref<!tpu.dma_semaphore, #tpu.memory_space<semaphore_mem>>, %arg23: memref<!tpu.dma_semaphore, #tpu.memory_space<semaphore_mem>>) attributes {dimension_semantics = [#tpu.dimension_semantics<core_parallel>, #tpu.dimension_semantics<subcore_parallel>], iteration_bounds = array<i64: 2, 16>, scalar_prefetch = 0 : i64, scratch_operands = 18 : i64, tpu.core_type = #tpu.core_type<sc_vector_subcore>, window_params = [{transform_indices = #map}, {transform_indices = #map1}, {transform_indices = #map1}, {transform_indices = #map2}]} {
    %mul3A = arith.constant 16 : i32
    %mul3A_0 = arith.muli %arg0, %mul3A : i32
    %add3A = arith.addi %mul3A_0, %arg1 : i32
    %broadcast_in_dim3A = arith.constant 0.000000e+00 : f32
    %broadcast_in_dim3A_1 = vector.broadcast %broadcast_in_dim3A : f32 to vector<16xf32>
    %scan3A = arith.constant 0 : i32
    %scan3A_2 = arith.constant 0 : i32
    %scan3A_3 = arith.constant 320 : i32
    %scan3A_4 = arith.addi %scan3A_2, %scan3A_3 : i32
    %scan3A_5 = arith.constant 1 : i32
    scf.for %scan3A_78 = %scan3A_2 to %scan3A_4 step %scan3A_5  : i32 {
      %jit3A = arith.constant 4 : i32
      %div3A = arith.divsi %scan3A_78, %jit3A : i32
      %sign3A = arith.constant 0 : i32
      %sign3A_79 = arith.cmpi sgt, %scan3A_78, %sign3A : i32
      %sign3A_80 = arith.extui %sign3A_79 : i1 to i32
      %sign3A_81 = arith.constant 0 : i32
      %sign3A_82 = arith.cmpi slt, %scan3A_78, %sign3A_81 : i32
      %sign3A_83 = arith.extui %sign3A_82 : i1 to i32
      %sign3A_84 = arith.subi %sign3A_80, %sign3A_83 : i32
      %sign3A_85 = arith.constant 0 : i32
      %sign3A_86 = arith.cmpi sgt, %jit3A, %sign3A_85 : i32
      %sign3A_87 = arith.extui %sign3A_86 : i1 to i32
      %sign3A_88 = arith.constant 0 : i32
      %sign3A_89 = arith.cmpi slt, %jit3A, %sign3A_88 : i32
      %sign3A_90 = arith.extui %sign3A_89 : i1 to i32
      %sign3A_91 = arith.subi %sign3A_87, %sign3A_90 : i32
      %ne3A = arith.cmpi ne, %sign3A_84, %sign3A_91 : i32
      %rem3A = arith.remsi %scan3A_78, %jit3A : i32
      %ne3A_92 = arith.constant 0 : i32
      %ne3A_93 = arith.cmpi ne, %rem3A, %ne3A_92 : i32
      %and3A = arith.andi %ne3A, %ne3A_93 : i1
      %sub3A = arith.constant 1 : i32
      %sub3A_94 = arith.subi %div3A, %sub3A : i32
      %select_n3A = arith.select %and3A, %sub3A_94, %div3A : i32
      %jit3A_95 = arith.constant 4 : i32
      %eq3A = arith.constant 0 : i32
      %eq3A_96 = arith.cmpi eq, %jit3A_95, %eq3A : i32
      %jit3A_97 = arith.constant 1 : i32
      %select_n3A_98 = arith.select %eq3A_96, %jit3A_97, %jit3A_95 : i32
      %rem3A_99 = arith.remsi %scan3A_78, %select_n3A_98 : i32
      %ne3A_100 = arith.constant 0 : i32
      %ne3A_101 = arith.cmpi ne, %rem3A_99, %ne3A_100 : i32
      %lt3A = arith.constant 0 : i32
      %lt3A_102 = arith.cmpi slt, %rem3A_99, %lt3A : i32
      %lt3A_103 = arith.constant 0 : i32
      %lt3A_104 = arith.cmpi slt, %select_n3A_98, %lt3A_103 : i32
      %ne3A_105 = arith.xori %lt3A_102, %lt3A_104 : i1
      %and3A_106 = arith.andi %ne3A_105, %ne3A_101 : i1
      %add3A_107 = arith.addi %rem3A_99, %select_n3A_98 : i32
      %select_n3A_108 = arith.select %and3A_106, %add3A_107, %rem3A_99 : i32
      %mul3A_109 = arith.constant 16 : i32
      %mul3A_110 = arith.muli %select_n3A_108, %mul3A_109 : i32
      %swap3A = arith.index_cast %select_n3A : i32 to index
      %swap3A_111 = arith.index_cast %mul3A_110 : i32 to index
      %swap3A_112 = tpu.vector_load %arg8[%swap3A, %swap3A_111] {strides = array<i32>} : memref<80x64xf32, #tpu.memory_space<vmem>>, vector<1x16xf32>,
      %swap3A_113 = vector.shape_cast %swap3A_112 : vector<1x16xf32> to vector<16xf32>
      %swap3A_114 = vector.shape_cast %broadcast_in_dim3A_1 : vector<16xf32> to vector<1x16xf32>
      tpu.vector_store %arg8[%swap3A, %swap3A_111], %swap3A_114 {strides = array<i32>} : memref<80x64xf32, #tpu.memory_space<vmem>>, vector<1x16xf32>,
    }
    %scan3A_6 = arith.constant 320 : i32
    %scan3A_7 = arith.constant 0 : i32
    %scan3A_8 = arith.constant 0 : i32
    %scan3A_9 = arith.constant 8 : i32
    %scan3A_10 = arith.addi %scan3A_8, %scan3A_9 : i32
    %scan3A_11 = arith.constant 1 : i32
    scf.for %scan3A_78 = %scan3A_8 to %scan3A_10 step %scan3A_11  : i32 {
      %mul3A_79 = arith.constant 16 : i32
      %mul3A_80 = arith.muli %scan3A_78, %mul3A_79 : i32
      %add3A_81 = arith.addi %arg1, %mul3A_80 : i32
      %lt3A = arith.constant 125 : i32
      %lt3A_82 = arith.cmpi slt, %add3A_81, %lt3A : i32
      %convert_element_type3A = arith.extui %lt3A_82 : i1 to i32
      %cond3A = arith.constant 0 : i32
      %cond3A_83 = arith.cmpi ne, %convert_element_type3A, %cond3A : i32
      scf.if %cond3A_83 {
        %mul3A_84 = arith.constant 80 : i32
        %mul3A_85 = arith.muli %add3A_81, %mul3A_84 : i32
        "tpu.region"() ({
          %run_scoped3A = tpu.sem_alloc : memref<!tpu.dma_semaphore, #tpu.memory_space<semaphore_mem>>
          %dma_start3A_86 = arith.constant 0 : i32
          %dma_start3A_87 = tpu.memref_slice %arg13[%mul3A_85, %dma_start3A_86] : memref<10000x64xf32, #tpu.memory_space<vmem_shared>> -> memref<80x64xf32, #tpu.memory_space<vmem_shared>>
          %dma_start3A_88 = arith.constant 0 : i32
          %dma_start3A_89 = tpu.memref_slice %arg13[%mul3A_85, %dma_start3A_88] : memref<10000x64xf32, #tpu.memory_space<vmem_shared>> -> memref<80x64xf32, #tpu.memory_space<vmem_shared>>
          tpu.enqueue_dma source(%arg8 : memref<80x64xf32, #tpu.memory_space<vmem>>) target(%dma_start3A_89 : memref<80x64xf32, #tpu.memory_space<vmem_shared>>) target_semaphore(%run_scoped3A : memref<!tpu.dma_semaphore, #tpu.memory_space<semaphore_mem>>)
          %dma_wait3A_90 = arith.constant 0 : i32
          %dma_wait3A_91 = tpu.memref_slice %arg13[%mul3A_85, %dma_wait3A_90] : memref<10000x64xf32, #tpu.memory_space<vmem_shared>> -> memref<80x64xf32, #tpu.memory_space<vmem_shared>>
          %dma_wait3A_92 = arith.constant 0 : i32
          %dma_wait3A_93 = tpu.memref_slice %arg13[%mul3A_85, %dma_wait3A_92] : memref<10000x64xf32, #tpu.memory_space<vmem_shared>> -> memref<80x64xf32, #tpu.memory_space<vmem_shared>>
          tpu.wait_dma2 semaphore(%run_scoped3A : memref<!tpu.dma_semaphore, #tpu.memory_space<semaphore_mem>>) src(%arg8 : memref<80x64xf32, #tpu.memory_space<vmem>>) dst(%dma_wait3A_93 : memref<80x64xf32, #tpu.memory_space<vmem_shared>>)
          tpu.yield
        }) : () -> ()
      } else {
      }
    }
    %scan3A_12 = arith.constant 8 : i32
    %mul3A_13 = arith.constant 10000 : i32
    %mul3A_14 = arith.muli %add3A, %mul3A_13 : i32
    "tpu.region"() ({
      %run_scoped3A = tpu.sem_alloc : memref<!tpu.dma_semaphore, #tpu.memory_space<semaphore_mem>>
      %dma_start3A_78 = tpu.memref_slice %arg3[%mul3A_14] : memref<320000xi32, #tpu.memory_space<hbm>> -> memref<10000xi32, #tpu.memory_space<hbm>>
      %dma_start3A_79 = tpu.memref_slice %arg3[%mul3A_14] : memref<320000xi32, #tpu.memory_space<hbm>> -> memref<10000xi32, #tpu.memory_space<hbm>>
      tpu.enqueue_dma source(%dma_start3A_79 : memref<10000xi32, #tpu.memory_space<hbm>>) target(%arg6 : memref<10000xi32, #tpu.memory_space<vmem>>) target_semaphore(%run_scoped3A : memref<!tpu.dma_semaphore, #tpu.memory_space<semaphore_mem>>)
      %dma_wait3A_80 = tpu.memref_slice %arg3[%mul3A_14] : memref<320000xi32, #tpu.memory_space<hbm>> -> memref<10000xi32, #tpu.memory_space<hbm>>
      %dma_wait3A_81 = tpu.memref_slice %arg3[%mul3A_14] : memref<320000xi32, #tpu.memory_space<hbm>> -> memref<10000xi32, #tpu.memory_space<hbm>>
      tpu.wait_dma2 semaphore(%run_scoped3A : memref<!tpu.dma_semaphore, #tpu.memory_space<semaphore_mem>>) src(%dma_wait3A_81 : memref<10000xi32, #tpu.memory_space<hbm>>) dst(%arg6 : memref<10000xi32, #tpu.memory_space<vmem>>)
      tpu.yield
    }) : () -> ()
    %mul3A_15 = arith.constant 10000 : i32
    %mul3A_16 = arith.muli %add3A, %mul3A_15 : i32
    "tpu.region"() ({
      %run_scoped3A = tpu.sem_alloc : memref<!tpu.dma_semaphore, #tpu.memory_space<semaphore_mem>>
      %dma_start3A_78 = tpu.memref_slice %arg4[%mul3A_16] : memref<320000xi32, #tpu.memory_space<hbm>> -> memref<10000xi32, #tpu.memory_space<hbm>>
      %dma_start3A_79 = tpu.memref_slice %arg4[%mul3A_16] : memref<320000xi32, #tpu.memory_space<hbm>> -> memref<10000xi32, #tpu.memory_space<hbm>>
      tpu.enqueue_dma source(%dma_start3A_79 : memref<10000xi32, #tpu.memory_space<hbm>>) target(%arg7 : memref<10000xi32, #tpu.memory_space<vmem>>) target_semaphore(%run_scoped3A : memref<!tpu.dma_semaphore, #tpu.memory_space<semaphore_mem>>)
      %dma_wait3A_80 = tpu.memref_slice %arg4[%mul3A_16] : memref<320000xi32, #tpu.memory_space<hbm>> -> memref<10000xi32, #tpu.memory_space<hbm>>
      %dma_wait3A_81 = tpu.memref_slice %arg4[%mul3A_16] : memref<320000xi32, #tpu.memory_space<hbm>> -> memref<10000xi32, #tpu.memory_space<hbm>>
      tpu.wait_dma2 semaphore(%run_scoped3A : memref<!tpu.dma_semaphore, #tpu.memory_space<semaphore_mem>>) src(%dma_wait3A_81 : memref<10000xi32, #tpu.memory_space<hbm>>) dst(%arg7 : memref<10000xi32, #tpu.memory_space<vmem>>)
      tpu.yield
    }) : () -> ()
    %barrier3A = arith.constant 0 : index
    tpu.barrier barrier_id(%barrier3A)
    %dma_start3A = arith.constant 0 : i32
    %dma_start3A_17 = tpu.memref_slice %arg6[%dma_start3A] : memref<10000xi32, #tpu.memory_space<vmem>> -> memref<80xi32, #tpu.memory_space<vmem>>
    %dma_start3A_18 = arith.constant 0 : i32
    %dma_start3A_19 = arith.constant 0 : i32
    %dma_start3A_20 = tpu.memref_slice %arg2[%dma_start3A_18, %dma_start3A_19] : memref<10000x64xf32, #tpu.memory_space<hbm>> -> memref<10000x64xf32, #tpu.memory_space<hbm>>
    tpu.enqueue_indirect_dma source(%dma_start3A_20 : memref<10000x64xf32, #tpu.memory_space<hbm>>) target(%arg8 : memref<80x64xf32, #tpu.memory_space<vmem>>) offsets(%dma_start3A_17 : memref<80xi32, #tpu.memory_space<vmem>>) semaphore(%arg14 : memref<!tpu.dma_semaphore, #tpu.memory_space<semaphore_mem>>)
    %dma_start3A_21 = arith.constant 80 : i32
    %dma_start3A_22 = tpu.memref_slice %arg6[%dma_start3A_21] : memref<10000xi32, #tpu.memory_space<vmem>> -> memref<80xi32, #tpu.memory_space<vmem>>
    %dma_start3A_23 = arith.constant 0 : i32
    %dma_start3A_24 = arith.constant 0 : i32
    %dma_start3A_25 = tpu.memref_slice %arg2[%dma_start3A_23, %dma_start3A_24] : memref<10000x64xf32, #tpu.memory_space<hbm>> -> memref<10000x64xf32, #tpu.memory_space<hbm>>
    tpu.enqueue_indirect_dma source(%dma_start3A_25 : memref<10000x64xf32, #tpu.memory_space<hbm>>) target(%arg9 : memref<80x64xf32, #tpu.memory_space<vmem>>) offsets(%dma_start3A_22 : memref<80xi32, #tpu.memory_space<vmem>>) semaphore(%arg15 : memref<!tpu.dma_semaphore, #tpu.memory_space<semaphore_mem>>)
    %dma_start3A_26 = arith.constant 160 : i32
    %dma_start3A_27 = tpu.memref_slice %arg6[%dma_start3A_26] : memref<10000xi32, #tpu.memory_space<vmem>> -> memref<80xi32, #tpu.memory_space<vmem>>
    %dma_start3A_28 = arith.constant 0 : i32
    %dma_start3A_29 = arith.constant 0 : i32
    %dma_start3A_30 = tpu.memref_slice %arg2[%dma_start3A_28, %dma_start3A_29] : memref<10000x64xf32, #tpu.memory_space<hbm>> -> memref<10000x64xf32, #tpu.memory_space<hbm>>
    tpu.enqueue_indirect_dma source(%dma_start3A_30 : memref<10000x64xf32, #tpu.memory_space<hbm>>) target(%arg10 : memref<80x64xf32, #tpu.memory_space<vmem>>) offsets(%dma_start3A_27 : memref<80xi32, #tpu.memory_space<vmem>>) semaphore(%arg16 : memref<!tpu.dma_semaphore, #tpu.memory_space<semaphore_mem>>)
    %dma_start3A_31 = arith.constant 240 : i32
    %dma_start3A_32 = tpu.memref_slice %arg6[%dma_start3A_31] : memref<10000xi32, #tpu.memory_space<vmem>> -> memref<80xi32, #tpu.memory_space<vmem>>
    %dma_start3A_33 = arith.constant 0 : i32
    %dma_start3A_34 = arith.constant 0 : i32
    %dma_start3A_35 = tpu.memref_slice %arg2[%dma_start3A_33, %dma_start3A_34] : memref<10000x64xf32, #tpu.memory_space<hbm>> -> memref<10000x64xf32, #tpu.memory_space<hbm>>
    tpu.enqueue_indirect_dma source(%dma_start3A_35 : memref<10000x64xf32, #tpu.memory_space<hbm>>) target(%arg11 : memref<80x64xf32, #tpu.memory_space<vmem>>) offsets(%dma_start3A_32 : memref<80xi32, #tpu.memory_space<vmem>>) semaphore(%arg17 : memref<!tpu.dma_semaphore, #tpu.memory_space<semaphore_mem>>)
    %dma_start3A_36 = arith.constant 320 : i32
    %dma_start3A_37 = tpu.memref_slice %arg6[%dma_start3A_36] : memref<10000xi32, #tpu.memory_space<vmem>> -> memref<80xi32, #tpu.memory_space<vmem>>
    %dma_start3A_38 = arith.constant 0 : i32
    %dma_start3A_39 = arith.constant 0 : i32
    %dma_start3A_40 = tpu.memref_slice %arg2[%dma_start3A_38, %dma_start3A_39] : memref<10000x64xf32, #tpu.memory_space<hbm>> -> memref<10000x64xf32, #tpu.memory_space<hbm>>
    tpu.enqueue_indirect_dma source(%dma_start3A_40 : memref<10000x64xf32, #tpu.memory_space<hbm>>) target(%arg12 : memref<80x64xf32, #tpu.memory_space<vmem>>) offsets(%dma_start3A_37 : memref<80xi32, #tpu.memory_space<vmem>>) semaphore(%arg18 : memref<!tpu.dma_semaphore, #tpu.memory_space<semaphore_mem>>)
    %scan3A_41 = arith.constant 0 : i32
    %scan3A_42 = arith.constant 0 : i32
    %scan3A_43 = arith.constant 25 : i32
    %scan3A_44 = arith.addi %scan3A_42, %scan3A_43 : i32
    %scan3A_45 = arith.constant 1 : i32
    scf.for %scan3A_78 = %scan3A_42 to %scan3A_44 step %scan3A_45  : i32 {
      %mul3A_79 = arith.constant 5 : i32
      %mul3A_80 = arith.muli %scan3A_78, %mul3A_79 : i32
      %add3A_81 = arith.constant 0 : i32
      %add3A_82 = arith.addi %mul3A_80, %add3A_81 : i32
      %dma_wait3A_83 = arith.constant 0 : i32
      %dma_wait3A_84 = tpu.memref_slice %arg6[%dma_wait3A_83] : memref<10000xi32, #tpu.memory_space<vmem>> -> memref<80xi32, #tpu.memory_space<vmem>>
      %dma_wait3A_85 = arith.constant 0 : i32
      %dma_wait3A_86 = arith.constant 0 : i32
      %dma_wait3A_87 = tpu.memref_slice %arg2[%dma_wait3A_85, %dma_wait3A_86] : memref<10000x64xf32, #tpu.memory_space<hbm>> -> memref<10000x64xf32, #tpu.memory_space<hbm>>
      tpu.wait_indirect_dma semaphore(%arg14 : memref<!tpu.dma_semaphore, #tpu.memory_space<semaphore_mem>>) src(%dma_wait3A_87 : memref<10000x64xf32, #tpu.memory_space<hbm>>) dst(%arg8 : memref<80x64xf32, #tpu.memory_space<vmem>>)
      %mul3A_88 = arith.constant 80 : i32
      %mul3A_89 = arith.muli %add3A_82, %mul3A_88 : i32
      %dma_start3A_90 = tpu.memref_slice %arg7[%mul3A_89] : memref<10000xi32, #tpu.memory_space<vmem>> -> memref<80xi32, #tpu.memory_space<vmem>>
      %dma_start3A_91 = arith.constant 0 : i32
      %dma_start3A_92 = arith.constant 0 : i32
      %dma_start3A_93 = tpu.memref_slice %arg13[%dma_start3A_91, %dma_start3A_92] : memref<10000x64xf32, #tpu.memory_space<vmem_shared>> -> memref<10000x64xf32, #tpu.memory_space<vmem_shared>>
      tpu.enqueue_indirect_dma source(%arg8 : memref<80x64xf32, #tpu.memory_space<vmem>>) target(%dma_start3A_93 : memref<10000x64xf32, #tpu.memory_space<vmem_shared>>) offsets(%dma_start3A_90 : memref<80xi32, #tpu.memory_space<vmem>>) semaphore(%arg19 : memref<!tpu.dma_semaphore, #tpu.memory_space<semaphore_mem>>) {add = true}
      %add3A_94 = arith.constant 5 : i32
      %add3A_95 = arith.addi %add3A_82, %add3A_94 : i32
      %lt3A = arith.constant 125 : i32
      %lt3A_96 = arith.cmpi slt, %add3A_95, %lt3A : i32
      %convert_element_type3A = arith.extui %lt3A_96 : i1 to i32
      %cond3A = arith.constant 0 : i32
      %cond3A_97 = arith.cmpi ne, %convert_element_type3A, %cond3A : i32
      scf.if %cond3A_97 {
        %dma_wait3A_186 = arith.constant 0 : i32
        %dma_wait3A_187 = tpu.memref_slice %arg7[%dma_wait3A_186] : memref<10000xi32, #tpu.memory_space<vmem>> -> memref<80xi32, #tpu.memory_space<vmem>>
        %dma_wait3A_188 = arith.constant 0 : i32
        %dma_wait3A_189 = arith.constant 0 : i32
        %dma_wait3A_190 = tpu.memref_slice %arg13[%dma_wait3A_188, %dma_wait3A_189] : memref<10000x64xf32, #tpu.memory_space<vmem_shared>> -> memref<10000x64xf32, #tpu.memory_space<vmem_shared>>
        tpu.wait_indirect_dma semaphore(%arg19 : memref<!tpu.dma_semaphore, #tpu.memory_space<semaphore_mem>>) src(%arg8 : memref<80x64xf32, #tpu.memory_space<vmem>>) dst(%dma_wait3A_190 : memref<10000x64xf32, #tpu.memory_space<vmem_shared>>)
        %add3A_191 = arith.constant 5 : i32
        %add3A_192 = arith.addi %add3A_82, %add3A_191 : i32
        %mul3A_193 = arith.constant 80 : i32
        %mul3A_194 = arith.muli %add3A_192, %mul3A_193 : i32
        %dma_start3A_195 = tpu.memref_slice %arg6[%mul3A_194] : memref<10000xi32, #tpu.memory_space<vmem>> -> memref<80xi32, #tpu.memory_space<vmem>>
        %dma_start3A_196 = arith.constant 0 : i32
        %dma_start3A_197 = arith.constant 0 : i32
        %dma_start3A_198 = tpu.memref_slice %arg2[%dma_start3A_196, %dma_start3A_197] : memref<10000x64xf32, #tpu.memory_space<hbm>> -> memref<10000x64xf32, #tpu.memory_space<hbm>>
        tpu.enqueue_indirect_dma source(%dma_start3A_198 : memref<10000x64xf32, #tpu.memory_space<hbm>>) target(%arg8 : memref<80x64xf32, #tpu.memory_space<vmem>>) offsets(%dma_start3A_195 : memref<80xi32, #tpu.memory_space<vmem>>) semaphore(%arg14 : memref<!tpu.dma_semaphore, #tpu.memory_space<semaphore_mem>>)
      } else {
      }
      %mul3A_98 = arith.constant 5 : i32
      %mul3A_99 = arith.muli %scan3A_78, %mul3A_98 : i32
      %add3A_100 = arith.constant 1 : i32
      %add3A_101 = arith.addi %mul3A_99, %add3A_100 : i32
      %dma_wait3A_102 = arith.constant 0 : i32
      %dma_wait3A_103 = tpu.memref_slice %arg6[%dma_wait3A_102] : memref<10000xi32, #tpu.memory_space<vmem>> -> memref<80xi32, #tpu.memory_space<vmem>>
      %dma_wait3A_104 = arith.constant 0 : i32
      %dma_wait3A_105 = arith.constant 0 : i32
      %dma_wait3A_106 = tpu.memref_slice %arg2[%dma_wait3A_104, %dma_wait3A_105] : memref<10000x64xf32, #tpu.memory_space<hbm>> -> memref<10000x64xf32, #tpu.memory_space<hbm>>
      tpu.wait_indirect_dma semaphore(%arg15 : memref<!tpu.dma_semaphore, #tpu.memory_space<semaphore_mem>>) src(%dma_wait3A_106 : memref<10000x64xf32, #tpu.memory_space<hbm>>) dst(%arg9 : memref<80x64xf32, #tpu.memory_space<vmem>>)
      %mul3A_107 = arith.constant 80 : i32
      %mul3A_108 = arith.muli %add3A_101, %mul3A_107 : i32
      %dma_start3A_109 = tpu.memref_slice %arg7[%mul3A_108] : memref<10000xi32, #tpu.memory_space<vmem>> -> memref<80xi32, #tpu.memory_space<vmem>>
      %dma_start3A_110 = arith.constant 0 : i32
      %dma_start3A_111 = arith.constant 0 : i32
      %dma_start3A_112 = tpu.memref_slice %arg13[%dma_start3A_110, %dma_start3A_111] : memref<10000x64xf32, #tpu.memory_space<vmem_shared>> -> memref<10000x64xf32, #tpu.memory_space<vmem_shared>>
      tpu.enqueue_indirect_dma source(%arg9 : memref<80x64xf32, #tpu.memory_space<vmem>>) target(%dma_start3A_112 : memref<10000x64xf32, #tpu.memory_space<vmem_shared>>) offsets(%dma_start3A_109 : memref<80xi32, #tpu.memory_space<vmem>>) semaphore(%arg20 : memref<!tpu.dma_semaphore, #tpu.memory_space<semaphore_mem>>) {add = true}
      %add3A_113 = arith.constant 5 : i32
      %add3A_114 = arith.addi %add3A_101, %add3A_113 : i32
      %lt3A_115 = arith.constant 125 : i32
      %lt3A_116 = arith.cmpi slt, %add3A_114, %lt3A_115 : i32
      %convert_element_type3A_117 = arith.extui %lt3A_116 : i1 to i32
      %cond3A_118 = arith.constant 0 : i32
      %cond3A_119 = arith.cmpi ne, %convert_element_type3A_117, %cond3A_118 : i32
      scf.if %cond3A_119 {
        %dma_wait3A_186 = arith.constant 0 : i32
        %dma_wait3A_187 = tpu.memref_slice %arg7[%dma_wait3A_186] : memref<10000xi32, #tpu.memory_space<vmem>> -> memref<80xi32, #tpu.memory_space<vmem>>
        %dma_wait3A_188 = arith.constant 0 : i32
        %dma_wait3A_189 = arith.constant 0 : i32
        %dma_wait3A_190 = tpu.memref_slice %arg13[%dma_wait3A_188, %dma_wait3A_189] : memref<10000x64xf32, #tpu.memory_space<vmem_shared>> -> memref<10000x64xf32, #tpu.memory_space<vmem_shared>>
        tpu.wait_indirect_dma semaphore(%arg20 : memref<!tpu.dma_semaphore, #tpu.memory_space<semaphore_mem>>) src(%arg9 : memref<80x64xf32, #tpu.memory_space<vmem>>) dst(%dma_wait3A_190 : memref<10000x64xf32, #tpu.memory_space<vmem_shared>>)
        %add3A_191 = arith.constant 5 : i32
        %add3A_192 = arith.addi %add3A_101, %add3A_191 : i32
        %mul3A_193 = arith.constant 80 : i32
        %mul3A_194 = arith.muli %add3A_192, %mul3A_193 : i32
        %dma_start3A_195 = tpu.memref_slice %arg6[%mul3A_194] : memref<10000xi32, #tpu.memory_space<vmem>> -> memref<80xi32, #tpu.memory_space<vmem>>
        %dma_start3A_196 = arith.constant 0 : i32
        %dma_start3A_197 = arith.constant 0 : i32
        %dma_start3A_198 = tpu.memref_slice %arg2[%dma_start3A_196, %dma_start3A_197] : memref<10000x64xf32, #tpu.memory_space<hbm>> -> memref<10000x64xf32, #tpu.memory_space<hbm>>
        tpu.enqueue_indirect_dma source(%dma_start3A_198 : memref<10000x64xf32, #tpu.memory_space<hbm>>) target(%arg9 : memref<80x64xf32, #tpu.memory_space<vmem>>) offsets(%dma_start3A_195 : memref<80xi32, #tpu.memory_space<vmem>>) semaphore(%arg15 : memref<!tpu.dma_semaphore, #tpu.memory_space<semaphore_mem>>)
      } else {
      }
      %mul3A_120 = arith.constant 5 : i32
      %mul3A_121 = arith.muli %scan3A_78, %mul3A_120 : i32
      %add3A_122 = arith.constant 2 : i32
      %add3A_123 = arith.addi %mul3A_121, %add3A_122 : i32
      %dma_wait3A_124 = arith.constant 0 : i32
      %dma_wait3A_125 = tpu.memref_slice %arg6[%dma_wait3A_124] : memref<10000xi32, #tpu.memory_space<vmem>> -> memref<80xi32, #tpu.memory_space<vmem>>
      %dma_wait3A_126 = arith.constant 0 : i32
      %dma_wait3A_127 = arith.constant 0 : i32
      %dma_wait3A_128 = tpu.memref_slice %arg2[%dma_wait3A_126, %dma_wait3A_127] : memref<10000x64xf32, #tpu.memory_space<hbm>> -> memref<10000x64xf32, #tpu.memory_space<hbm>>
      tpu.wait_indirect_dma semaphore(%arg16 : memref<!tpu.dma_semaphore, #tpu.memory_space<semaphore_mem>>) src(%dma_wait3A_128 : memref<10000x64xf32, #tpu.memory_space<hbm>>) dst(%arg10 : memref<80x64xf32, #tpu.memory_space<vmem>>)
      %mul3A_129 = arith.constant 80 : i32
      %mul3A_130 = arith.muli %add3A_123, %mul3A_129 : i32
      %dma_start3A_131 = tpu.memref_slice %arg7[%mul3A_130] : memref<10000xi32, #tpu.memory_space<vmem>> -> memref<80xi32, #tpu.memory_space<vmem>>
      %dma_start3A_132 = arith.constant 0 : i32
      %dma_start3A_133 = arith.constant 0 : i32
      %dma_start3A_134 = tpu.memref_slice %arg13[%dma_start3A_132, %dma_start3A_133] : memref<10000x64xf32, #tpu.memory_space<vmem_shared>> -> memref<10000x64xf32, #tpu.memory_space<vmem_shared>>
      tpu.enqueue_indirect_dma source(%arg10 : memref<80x64xf32, #tpu.memory_space<vmem>>) target(%dma_start3A_134 : memref<10000x64xf32, #tpu.memory_space<vmem_shared>>) offsets(%dma_start3A_131 : memref<80xi32, #tpu.memory_space<vmem>>) semaphore(%arg21 : memref<!tpu.dma_semaphore, #tpu.memory_space<semaphore_mem>>) {add = true}
      %add3A_135 = arith.constant 5 : i32
      %add3A_136 = arith.addi %add3A_123, %add3A_135 : i32
      %lt3A_137 = arith.constant 125 : i32
      %lt3A_138 = arith.cmpi slt, %add3A_136, %lt3A_137 : i32
      %convert_element_type3A_139 = arith.extui %lt3A_138 : i1 to i32
      %cond3A_140 = arith.constant 0 : i32
      %cond3A_141 = arith.cmpi ne, %convert_element_type3A_139, %cond3A_140 : i32
      scf.if %cond3A_141 {
        %dma_wait3A_186 = arith.constant 0 : i32
        %dma_wait3A_187 = tpu.memref_slice %arg7[%dma_wait3A_186] : memref<10000xi32, #tpu.memory_space<vmem>> -> memref<80xi32, #tpu.memory_space<vmem>>
        %dma_wait3A_188 = arith.constant 0 : i32
        %dma_wait3A_189 = arith.constant 0 : i32
        %dma_wait3A_190 = tpu.memref_slice %arg13[%dma_wait3A_188, %dma_wait3A_189] : memref<10000x64xf32, #tpu.memory_space<vmem_shared>> -> memref<10000x64xf32, #tpu.memory_space<vmem_shared>>
        tpu.wait_indirect_dma semaphore(%arg21 : memref<!tpu.dma_semaphore, #tpu.memory_space<semaphore_mem>>) src(%arg10 : memref<80x64xf32, #tpu.memory_space<vmem>>) dst(%dma_wait3A_190 : memref<10000x64xf32, #tpu.memory_space<vmem_shared>>)
        %add3A_191 = arith.constant 5 : i32
        %add3A_192 = arith.addi %add3A_123, %add3A_191 : i32
        %mul3A_193 = arith.constant 80 : i32
        %mul3A_194 = arith.muli %add3A_192, %mul3A_193 : i32
        %dma_start3A_195 = tpu.memref_slice %arg6[%mul3A_194] : memref<10000xi32, #tpu.memory_space<vmem>> -> memref<80xi32, #tpu.memory_space<vmem>>
        %dma_start3A_196 = arith.constant 0 : i32
        %dma_start3A_197 = arith.constant 0 : i32
        %dma_start3A_198 = tpu.memref_slice %arg2[%dma_start3A_196, %dma_start3A_197] : memref<10000x64xf32, #tpu.memory_space<hbm>> -> memref<10000x64xf32, #tpu.memory_space<hbm>>
        tpu.enqueue_indirect_dma source(%dma_start3A_198 : memref<10000x64xf32, #tpu.memory_space<hbm>>) target(%arg10 : memref<80x64xf32, #tpu.memory_space<vmem>>) offsets(%dma_start3A_195 : memref<80xi32, #tpu.memory_space<vmem>>) semaphore(%arg16 : memref<!tpu.dma_semaphore, #tpu.memory_space<semaphore_mem>>)
      } else {
      }
      %mul3A_142 = arith.constant 5 : i32
      %mul3A_143 = arith.muli %scan3A_78, %mul3A_142 : i32
      %add3A_144 = arith.constant 3 : i32
      %add3A_145 = arith.addi %mul3A_143, %add3A_144 : i32
      %dma_wait3A_146 = arith.constant 0 : i32
      %dma_wait3A_147 = tpu.memref_slice %arg6[%dma_wait3A_146] : memref<10000xi32, #tpu.memory_space<vmem>> -> memref<80xi32, #tpu.memory_space<vmem>>
      %dma_wait3A_148 = arith.constant 0 : i32
      %dma_wait3A_149 = arith.constant 0 : i32
      %dma_wait3A_150 = tpu.memref_slice %arg2[%dma_wait3A_148, %dma_wait3A_149] : memref<10000x64xf32, #tpu.memory_space<hbm>> -> memref<10000x64xf32, #tpu.memory_space<hbm>>
      tpu.wait_indirect_dma semaphore(%arg17 : memref<!tpu.dma_semaphore, #tpu.memory_space<semaphore_mem>>) src(%dma_wait3A_150 : memref<10000x64xf32, #tpu.memory_space<hbm>>) dst(%arg11 : memref<80x64xf32, #tpu.memory_space<vmem>>)
      %mul3A_151 = arith.constant 80 : i32
      %mul3A_152 = arith.muli %add3A_145, %mul3A_151 : i32
      %dma_start3A_153 = tpu.memref_slice %arg7[%mul3A_152] : memref<10000xi32, #tpu.memory_space<vmem>> -> memref<80xi32, #tpu.memory_space<vmem>>
      %dma_start3A_154 = arith.constant 0 : i32
      %dma_start3A_155 = arith.constant 0 : i32
      %dma_start3A_156 = tpu.memref_slice %arg13[%dma_start3A_154, %dma_start3A_155] : memref<10000x64xf32, #tpu.memory_space<vmem_shared>> -> memref<10000x64xf32, #tpu.memory_space<vmem_shared>>
      tpu.enqueue_indirect_dma source(%arg11 : memref<80x64xf32, #tpu.memory_space<vmem>>) target(%dma_start3A_156 : memref<10000x64xf32, #tpu.memory_space<vmem_shared>>) offsets(%dma_start3A_153 : memref<80xi32, #tpu.memory_space<vmem>>) semaphore(%arg22 : memref<!tpu.dma_semaphore, #tpu.memory_space<semaphore_mem>>) {add = true}
      %add3A_157 = arith.constant 5 : i32
      %add3A_158 = arith.addi %add3A_145, %add3A_157 : i32
      %lt3A_159 = arith.constant 125 : i32
      %lt3A_160 = arith.cmpi slt, %add3A_158, %lt3A_159 : i32
      %convert_element_type3A_161 = arith.extui %lt3A_160 : i1 to i32
      %cond3A_162 = arith.constant 0 : i32
      %cond3A_163 = arith.cmpi ne, %convert_element_type3A_161, %cond3A_162 : i32
      scf.if %cond3A_163 {
        %dma_wait3A_186 = arith.constant 0 : i32
        %dma_wait3A_187 = tpu.memref_slice %arg7[%dma_wait3A_186] : memref<10000xi32, #tpu.memory_space<vmem>> -> memref<80xi32, #tpu.memory_space<vmem>>
        %dma_wait3A_188 = arith.constant 0 : i32
        %dma_wait3A_189 = arith.constant 0 : i32
        %dma_wait3A_190 = tpu.memref_slice %arg13[%dma_wait3A_188, %dma_wait3A_189] : memref<10000x64xf32, #tpu.memory_space<vmem_shared>> -> memref<10000x64xf32, #tpu.memory_space<vmem_shared>>
        tpu.wait_indirect_dma semaphore(%arg22 : memref<!tpu.dma_semaphore, #tpu.memory_space<semaphore_mem>>) src(%arg11 : memref<80x64xf32, #tpu.memory_space<vmem>>) dst(%dma_wait3A_190 : memref<10000x64xf32, #tpu.memory_space<vmem_shared>>)
        %add3A_191 = arith.constant 5 : i32
        %add3A_192 = arith.addi %add3A_145, %add3A_191 : i32
        %mul3A_193 = arith.constant 80 : i32
        %mul3A_194 = arith.muli %add3A_192, %mul3A_193 : i32
        %dma_start3A_195 = tpu.memref_slice %arg6[%mul3A_194] : memref<10000xi32, #tpu.memory_space<vmem>> -> memref<80xi32, #tpu.memory_space<vmem>>
        %dma_start3A_196 = arith.constant 0 : i32
        %dma_start3A_197 = arith.constant 0 : i32
        %dma_start3A_198 = tpu.memref_slice %arg2[%dma_start3A_196, %dma_start3A_197] : memref<10000x64xf32, #tpu.memory_space<hbm>> -> memref<10000x64xf32, #tpu.memory_space<hbm>>
        tpu.enqueue_indirect_dma source(%dma_start3A_198 : memref<10000x64xf32, #tpu.memory_space<hbm>>) target(%arg11 : memref<80x64xf32, #tpu.memory_space<vmem>>) offsets(%dma_start3A_195 : memref<80xi32, #tpu.memory_space<vmem>>) semaphore(%arg17 : memref<!tpu.dma_semaphore, #tpu.memory_space<semaphore_mem>>)
      } else {
      }
      %mul3A_164 = arith.constant 5 : i32
      %mul3A_165 = arith.muli %scan3A_78, %mul3A_164 : i32
      %add3A_166 = arith.constant 4 : i32
      %add3A_167 = arith.addi %mul3A_165, %add3A_166 : i32
      %dma_wait3A_168 = arith.constant 0 : i32
      %dma_wait3A_169 = tpu.memref_slice %arg6[%dma_wait3A_168] : memref<10000xi32, #tpu.memory_space<vmem>> -> memref<80xi32, #tpu.memory_space<vmem>>
      %dma_wait3A_170 = arith.constant 0 : i32
      %dma_wait3A_171 = arith.constant 0 : i32
      %dma_wait3A_172 = tpu.memref_slice %arg2[%dma_wait3A_170, %dma_wait3A_171] : memref<10000x64xf32, #tpu.memory_space<hbm>> -> memref<10000x64xf32, #tpu.memory_space<hbm>>
      tpu.wait_indirect_dma semaphore(%arg18 : memref<!tpu.dma_semaphore, #tpu.memory_space<semaphore_mem>>) src(%dma_wait3A_172 : memref<10000x64xf32, #tpu.memory_space<hbm>>) dst(%arg12 : memref<80x64xf32, #tpu.memory_space<vmem>>)
      %mul3A_173 = arith.constant 80 : i32
      %mul3A_174 = arith.muli %add3A_167, %mul3A_173 : i32
      %dma_start3A_175 = tpu.memref_slice %arg7[%mul3A_174] : memref<10000xi32, #tpu.memory_space<vmem>> -> memref<80xi32, #tpu.memory_space<vmem>>
      %dma_start3A_176 = arith.constant 0 : i32
      %dma_start3A_177 = arith.constant 0 : i32
      %dma_start3A_178 = tpu.memref_slice %arg13[%dma_start3A_176, %dma_start3A_177] : memref<10000x64xf32, #tpu.memory_space<vmem_shared>> -> memref<10000x64xf32, #tpu.memory_space<vmem_shared>>
      tpu.enqueue_indirect_dma source(%arg12 : memref<80x64xf32, #tpu.memory_space<vmem>>) target(%dma_start3A_178 : memref<10000x64xf32, #tpu.memory_space<vmem_shared>>) offsets(%dma_start3A_175 : memref<80xi32, #tpu.memory_space<vmem>>) semaphore(%arg23 : memref<!tpu.dma_semaphore, #tpu.memory_space<semaphore_mem>>) {add = true}
      %add3A_179 = arith.constant 5 : i32
      %add3A_180 = arith.addi %add3A_167, %add3A_179 : i32
      %lt3A_181 = arith.constant 125 : i32
      %lt3A_182 = arith.cmpi slt, %add3A_180, %lt3A_181 : i32
      %convert_element_type3A_183 = arith.extui %lt3A_182 : i1 to i32
      %cond3A_184 = arith.constant 0 : i32
      %cond3A_185 = arith.cmpi ne, %convert_element_type3A_183, %cond3A_184 : i32
      scf.if %cond3A_185 {
        %dma_wait3A_186 = arith.constant 0 : i32
        %dma_wait3A_187 = tpu.memref_slice %arg7[%dma_wait3A_186] : memref<10000xi32, #tpu.memory_space<vmem>> -> memref<80xi32, #tpu.memory_space<vmem>>
        %dma_wait3A_188 = arith.constant 0 : i32
        %dma_wait3A_189 = arith.constant 0 : i32
        %dma_wait3A_190 = tpu.memref_slice %arg13[%dma_wait3A_188, %dma_wait3A_189] : memref<10000x64xf32, #tpu.memory_space<vmem_shared>> -> memref<10000x64xf32, #tpu.memory_space<vmem_shared>>
        tpu.wait_indirect_dma semaphore(%arg23 : memref<!tpu.dma_semaphore, #tpu.memory_space<semaphore_mem>>) src(%arg12 : memref<80x64xf32, #tpu.memory_space<vmem>>) dst(%dma_wait3A_190 : memref<10000x64xf32, #tpu.memory_space<vmem_shared>>)
        %add3A_191 = arith.constant 5 : i32
        %add3A_192 = arith.addi %add3A_167, %add3A_191 : i32
        %mul3A_193 = arith.constant 80 : i32
        %mul3A_194 = arith.muli %add3A_192, %mul3A_193 : i32
        %dma_start3A_195 = tpu.memref_slice %arg6[%mul3A_194] : memref<10000xi32, #tpu.memory_space<vmem>> -> memref<80xi32, #tpu.memory_space<vmem>>
        %dma_start3A_196 = arith.constant 0 : i32
        %dma_start3A_197 = arith.constant 0 : i32
        %dma_start3A_198 = tpu.memref_slice %arg2[%dma_start3A_196, %dma_start3A_197] : memref<10000x64xf32, #tpu.memory_space<hbm>> -> memref<10000x64xf32, #tpu.memory_space<hbm>>
        tpu.enqueue_indirect_dma source(%dma_start3A_198 : memref<10000x64xf32, #tpu.memory_space<hbm>>) target(%arg12 : memref<80x64xf32, #tpu.memory_space<vmem>>) offsets(%dma_start3A_195 : memref<80xi32, #tpu.memory_space<vmem>>) semaphore(%arg18 : memref<!tpu.dma_semaphore, #tpu.memory_space<semaphore_mem>>)
      } else {
      }
    }
    %scan3A_46 = arith.constant 25 : i32
    %dma_wait3A = arith.constant 0 : i32
    %dma_wait3A_47 = tpu.memref_slice %arg7[%dma_wait3A] : memref<10000xi32, #tpu.memory_space<vmem>> -> memref<80xi32, #tpu.memory_space<vmem>>
    %dma_wait3A_48 = arith.constant 0 : i32
    %dma_wait3A_49 = arith.constant 0 : i32
    %dma_wait3A_50 = tpu.memref_slice %arg13[%dma_wait3A_48, %dma_wait3A_49] : memref<10000x64xf32, #tpu.memory_space<vmem_shared>> -> memref<10000x64xf32, #tpu.memory_space<vmem_shared>>
    tpu.wait_indirect_dma semaphore(%arg19 : memref<!tpu.dma_semaphore, #tpu.memory_space<semaphore_mem>>) src(%arg8 : memref<80x64xf32, #tpu.memory_space<vmem>>) dst(%dma_wait3A_50 : memref<10000x64xf32, #tpu.memory_space<vmem_shared>>)
    %dma_wait3A_51 = arith.constant 0 : i32
    %dma_wait3A_52 = tpu.memref_slice %arg7[%dma_wait3A_51] : memref<10000xi32, #tpu.memory_space<vmem>> -> memref<80xi32, #tpu.memory_space<vmem>>
    %dma_wait3A_53 = arith.constant 0 : i32
    %dma_wait3A_54 = arith.constant 0 : i32
    %dma_wait3A_55 = tpu.memref_slice %arg13[%dma_wait3A_53, %dma_wait3A_54] : memref<10000x64xf32, #tpu.memory_space<vmem_shared>> -> memref<10000x64xf32, #tpu.memory_space<vmem_shared>>
    tpu.wait_indirect_dma semaphore(%arg20 : memref<!tpu.dma_semaphore, #tpu.memory_space<semaphore_mem>>) src(%arg9 : memref<80x64xf32, #tpu.memory_space<vmem>>) dst(%dma_wait3A_55 : memref<10000x64xf32, #tpu.memory_space<vmem_shared>>)
    %dma_wait3A_56 = arith.constant 0 : i32
    %dma_wait3A_57 = tpu.memref_slice %arg7[%dma_wait3A_56] : memref<10000xi32, #tpu.memory_space<vmem>> -> memref<80xi32, #tpu.memory_space<vmem>>
    %dma_wait3A_58 = arith.constant 0 : i32
    %dma_wait3A_59 = arith.constant 0 : i32
    %dma_wait3A_60 = tpu.memref_slice %arg13[%dma_wait3A_58, %dma_wait3A_59] : memref<10000x64xf32, #tpu.memory_space<vmem_shared>> -> memref<10000x64xf32, #tpu.memory_space<vmem_shared>>
    tpu.wait_indirect_dma semaphore(%arg21 : memref<!tpu.dma_semaphore, #tpu.memory_space<semaphore_mem>>) src(%arg10 : memref<80x64xf32, #tpu.memory_space<vmem>>) dst(%dma_wait3A_60 : memref<10000x64xf32, #tpu.memory_space<vmem_shared>>)
    %dma_wait3A_61 = arith.constant 0 : i32
    %dma_wait3A_62 = tpu.memref_slice %arg7[%dma_wait3A_61] : memref<10000xi32, #tpu.memory_space<vmem>> -> memref<80xi32, #tpu.memory_space<vmem>>
    %dma_wait3A_63 = arith.constant 0 : i32
    %dma_wait3A_64 = arith.constant 0 : i32
    %dma_wait3A_65 = tpu.memref_slice %arg13[%dma_wait3A_63, %dma_wait3A_64] : memref<10000x64xf32, #tpu.memory_space<vmem_shared>> -> memref<10000x64xf32, #tpu.memory_space<vmem_shared>>
    tpu.wait_indirect_dma semaphore(%arg22 : memref<!tpu.dma_semaphore, #tpu.memory_space<semaphore_mem>>) src(%arg11 : memref<80x64xf32, #tpu.memory_space<vmem>>) dst(%dma_wait3A_65 : memref<10000x64xf32, #tpu.memory_space<vmem_shared>>)
    %dma_wait3A_66 = arith.constant 0 : i32
    %dma_wait3A_67 = tpu.memref_slice %arg7[%dma_wait3A_66] : memref<10000xi32, #tpu.memory_space<vmem>> -> memref<80xi32, #tpu.memory_space<vmem>>
    %dma_wait3A_68 = arith.constant 0 : i32
    %dma_wait3A_69 = arith.constant 0 : i32
    %dma_wait3A_70 = tpu.memref_slice %arg13[%dma_wait3A_68, %dma_wait3A_69] : memref<10000x64xf32, #tpu.memory_space<vmem_shared>> -> memref<10000x64xf32, #tpu.memory_space<vmem_shared>>
    tpu.wait_indirect_dma semaphore(%arg23 : memref<!tpu.dma_semaphore, #tpu.memory_space<semaphore_mem>>) src(%arg12 : memref<80x64xf32, #tpu.memory_space<vmem>>) dst(%dma_wait3A_70 : memref<10000x64xf32, #tpu.memory_space<vmem_shared>>)
    %barrier3A_71 = arith.constant 0 : index
    tpu.barrier barrier_id(%barrier3A_71)
    %scan3A_72 = arith.constant 0 : i32
    %scan3A_73 = arith.constant 0 : i32
    %scan3A_74 = arith.constant 8 : i32
    %scan3A_75 = arith.addi %scan3A_73, %scan3A_74 : i32
    %scan3A_76 = arith.constant 1 : i32
    scf.for %scan3A_78 = %scan3A_73 to %scan3A_75 step %scan3A_76  : i32 {
      %mul3A_79 = arith.constant 16 : i32
      %mul3A_80 = arith.muli %scan3A_78, %mul3A_79 : i32
      %add3A_81 = arith.addi %arg1, %mul3A_80 : i32
      %lt3A = arith.constant 125 : i32
      %lt3A_82 = arith.cmpi slt, %add3A_81, %lt3A : i32
      %convert_element_type3A = arith.extui %lt3A_82 : i1 to i32
      %cond3A = arith.constant 0 : i32
      %cond3A_83 = arith.cmpi ne, %convert_element_type3A, %cond3A : i32
      scf.if %cond3A_83 {
        %mul3A_84 = arith.constant 80 : i32
        %mul3A_85 = arith.muli %add3A_81, %mul3A_84 : i32
        "tpu.region"() ({
          %run_scoped3A = tpu.sem_alloc : memref<!tpu.dma_semaphore, #tpu.memory_space<semaphore_mem>>
          %dma_start3A_86 = arith.constant 0 : i32
          %dma_start3A_87 = tpu.memref_slice %arg5[%arg0, %mul3A_85, %dma_start3A_86] : memref<2x10000x64xf32, #tpu.memory_space<hbm>> -> memref<1x80x64xf32, #tpu.memory_space<hbm>>
          %dma_start3A_88 = tpu.memref_squeeze %dma_start3A_87 : memref<1x80x64xf32, #tpu.memory_space<hbm>> -> memref<80x64xf32, #tpu.memory_space<hbm>>
          %dma_start3A_89 = arith.constant 0 : i32
          %dma_start3A_90 = tpu.memref_slice %arg13[%mul3A_85, %dma_start3A_89] : memref<10000x64xf32, #tpu.memory_space<vmem_shared>> -> memref<80x64xf32, #tpu.memory_space<vmem_shared>>
          tpu.enqueue_dma source(%dma_start3A_90 : memref<80x64xf32, #tpu.memory_space<vmem_shared>>) target(%dma_start3A_88 : memref<80x64xf32, #tpu.memory_space<hbm>>) target_semaphore(%run_scoped3A : memref<!tpu.dma_semaphore, #tpu.memory_space<semaphore_mem>>)
          %dma_wait3A_91 = arith.constant 0 : i32
          %dma_wait3A_92 = tpu.memref_slice %arg5[%arg0, %mul3A_85, %dma_wait3A_91] : memref<2x10000x64xf32, #tpu.memory_space<hbm>> -> memref<1x80x64xf32, #tpu.memory_space<hbm>>
          %dma_wait3A_93 = tpu.memref_squeeze %dma_wait3A_92 : memref<1x80x64xf32, #tpu.memory_space<hbm>> -> memref<80x64xf32, #tpu.memory_space<hbm>>
          %dma_wait3A_94 = arith.constant 0 : i32
          %dma_wait3A_95 = tpu.memref_slice %arg13[%mul3A_85, %dma_wait3A_94] : memref<10000x64xf32, #tpu.memory_space<vmem_shared>> -> memref<80x64xf32, #tpu.memory_space<vmem_shared>>
          tpu.wait_dma2 semaphore(%run_scoped3A : memref<!tpu.dma_semaphore, #tpu.memory_space<semaphore_mem>>) src(%dma_wait3A_95 : memref<80x64xf32, #tpu.memory_space<vmem_shared>>) dst(%dma_wait3A_93 : memref<80x64xf32, #tpu.memory_space<hbm>>)
          tpu.yield
        }) : () -> ()
      } else {
      }
    }
    %scan3A_77 = arith.constant 8 : i32
    return
  }
}

module attributes {stable_mosaic.version = 14 : i64} {
  func.func @body(%arg0: i32, %arg1: memref<2000x128xf32, #tpu.memory_space<vmem>>, %arg2: memref<128x128xf32, #tpu.memory_space<vmem>>, %arg3: memref<2000x1xf32, #tpu.memory_space<vmem>>, %arg4: memref<2000x1xf32, #tpu.memory_space<vmem>>, %arg5: memref<2000x1xf32, #tpu.memory_space<vmem>>, %arg6: memref<2000x128xf32, #tpu.memory_space<vmem>>) attributes {dimension_semantics = [#tpu.dimension_semantics<arbitrary>], iteration_bounds = array<i64: 5>, scalar_prefetch = 0 : i64, scratch_operands = 0 : i64, tpu.core_type = #tpu.core_type<tc>, window_params = [{transform_indices = @transform_0, window_bounds = array<i64: 2000, 128>}, {pipeline_mode = #tpu.pipeline_mode<synchronous>, transform_indices = @transform_1, window_bounds = array<i64: 128, 128>}, {transform_indices = @transform_2, window_bounds = array<i64: 2000, 1>}, {transform_indices = @transform_3, window_bounds = array<i64: 2000, 1>}, {transform_indices = @transform_4, window_bounds = array<i64: 2000, 1>}, {transform_indices = @transform_5, window_bounds = array<i64: 2000, 128>}]} {
    %get3A = arith.constant 0 : index
    %get3A_0 = arith.constant 0 : index
    %get3A_1 = vector.load %arg3[%get3A, %get3A_0] : memref<2000x1xf32, #tpu.memory_space<vmem>>, vector<2000x1xf32>
    %get3A_2 = arith.constant 0 : index
    %get3A_3 = arith.constant 0 : index
    %get3A_4 = vector.load %arg4[%get3A_2, %get3A_3] : memref<2000x1xf32, #tpu.memory_space<vmem>>, vector<2000x1xf32>
    %add3A = arith.addf %get3A_1, %get3A_4 : vector<2000x1xf32>
    %add3A_5 = arith.constant 1.000000e+00 : f32
    %add3A_6 = vector.broadcast %add3A_5 : f32 to vector<2000x1xf32>
    %add3A_7 = arith.addf %add3A, %add3A_6 : vector<2000x1xf32>
    %rsqrt3A = math.rsqrt %add3A_7 : vector<2000x1xf32>
    %swap3A = arith.constant 0 : index
    %swap3A_8 = arith.constant 0 : index
    %swap3A_9 = vector.load %arg5[%swap3A, %swap3A_8] : memref<2000x1xf32, #tpu.memory_space<vmem>>, vector<2000x1xf32>
    tpu.vector_store %arg5[%swap3A, %swap3A_8], %rsqrt3A {strides = array<i32>} : memref<2000x1xf32, #tpu.memory_space<vmem>>, vector<2000x1xf32>,
    %get3A_10 = arith.constant 0 : index
    %get3A_11 = arith.constant 0 : index
    %get3A_12 = vector.load %arg1[%get3A_10, %get3A_11] : memref<2000x128xf32, #tpu.memory_space<vmem>>, vector<2000x128xf32>
    %get3A_13 = arith.constant 0 : index
    %get3A_14 = arith.constant 0 : index
    %get3A_15 = vector.load %arg2[%get3A_13, %get3A_14] : memref<128x128xf32, #tpu.memory_space<vmem>>, vector<128x128xf32>
    %dot_general3A = arith.constant dense<0.000000e+00> : vector<2000x128xf32>
    %dot_general3A_16 = tpu.matmul %get3A_12, %get3A_15, %dot_general3A {dimension_numbers = #tpu.dot_dimension_numbers<[1], [0], [0], [1], [0, 0, 1, 1], [], []>, precision = #tpu.contract_precision<fp32>, transpose_lhs_hint = false} : vector<2000x128xf32>, vector<128x128xf32>, vector<2000x128xf32> -> vector<2000x128xf32>
    %mul3A = vector.broadcast %rsqrt3A : vector<2000x1xf32> to vector<2000x128xf32>
    %mul3A_17 = arith.mulf %dot_general3A_16, %mul3A : vector<2000x128xf32>
    %swap3A_18 = arith.constant 0 : index
    %swap3A_19 = arith.constant 0 : index
    %swap3A_20 = vector.load %arg6[%swap3A_18, %swap3A_19] : memref<2000x128xf32, #tpu.memory_space<vmem>>, vector<2000x128xf32>
    tpu.vector_store %arg6[%swap3A_18, %swap3A_19], %mul3A_17 {strides = array<i32>} : memref<2000x128xf32, #tpu.memory_space<vmem>>, vector<2000x128xf32>,
    return
  }
  func.func @transform_0(%arg0: i32) -> (i32, i32) {
    %c0_i32 = arith.constant 0 : i32
    %c0_i32_0 = arith.constant 0 : i32
    return %arg0, %c0_i32 : i32, i32
  }
  func.func @transform_1(%arg0: i32) -> (i32, i32) {
    %c0_i32 = arith.constant 0 : i32
    %c0_i32_0 = arith.constant 0 : i32
    %c0_i32_1 = arith.constant 0 : i32
    return %c0_i32, %c0_i32_0 : i32, i32
  }
  func.func @transform_2(%arg0: i32) -> (i32, i32) {
    %c0_i32 = arith.constant 0 : i32
    %c0_i32_0 = arith.constant 0 : i32
    return %arg0, %c0_i32 : i32, i32
  }
  func.func @transform_3(%arg0: i32) -> (i32, i32) {
    %c0_i32 = arith.constant 0 : i32
    %c0_i32_0 = arith.constant 0 : i32
    return %arg0, %c0_i32 : i32, i32
  }
  func.func @transform_4(%arg0: i32) -> (i32, i32) {
    %c0_i32 = arith.constant 0 : i32
    %c0_i32_0 = arith.constant 0 : i32
    return %arg0, %c0_i32 : i32, i32
  }
  func.func @transform_5(%arg0: i32) -> (i32, i32) {
    %c0_i32 = arith.constant 0 : i32
    %c0_i32_0 = arith.constant 0 : i32
    return %arg0, %c0_i32 : i32, i32
  }
}

module attributes {stable_mosaic.version = 14 : i64} {
  func.func @body(%arg0: i32, %arg1: memref<2x2000x128xf32, #tpu.memory_space<vmem>>, %arg2: memref<2000x128xf32, #tpu.memory_space<vmem>>, %arg3: memref<2000x1xf32, #tpu.memory_space<vmem>>, %arg4: memref<1x128xf32, #tpu.memory_space<vmem>>, %arg5: memref<128x64xf32, #tpu.memory_space<vmem>>, %arg6: memref<2000x64xf32, #tpu.memory_space<vmem>>) attributes {dimension_semantics = [#tpu.dimension_semantics<arbitrary>], iteration_bounds = array<i64: 5>, scalar_prefetch = 0 : i64, scratch_operands = 0 : i64, tpu.core_type = #tpu.core_type<tc>, window_params = [{transform_indices = @transform_0, window_bounds = array<i64: 2, 2000, 128>}, {transform_indices = @transform_1, window_bounds = array<i64: 2000, 128>}, {transform_indices = @transform_2, window_bounds = array<i64: 2000, 1>}, {pipeline_mode = #tpu.pipeline_mode<synchronous>, transform_indices = @transform_3, window_bounds = array<i64: 1, 128>}, {pipeline_mode = #tpu.pipeline_mode<synchronous>, transform_indices = @transform_4, window_bounds = array<i64: 128, 64>}, {transform_indices = @transform_5, window_bounds = array<i64: 2000, 64>}]} {
    %get3A = arith.constant 0 : index
    %get3A_0 = arith.constant 0 : index
    %get3A_1 = vector.load %arg3[%get3A, %get3A_0] : memref<2000x1xf32, #tpu.memory_space<vmem>>, vector<2000x1xf32>
    %get3A_2 = arith.constant 0 : index
    %get3A_3 = arith.constant 0 : index
    %get3A_4 = arith.constant 0 : index
    %get3A_5 = vector.load %arg1[%get3A_2, %get3A_3, %get3A_4] : memref<2x2000x128xf32, #tpu.memory_space<vmem>>, vector<1x2000x128xf32>
    %get3A_6 = vector.shape_cast %get3A_5 : vector<1x2000x128xf32> to vector<2000x128xf32>
    %get3A_7 = arith.constant 1 : index
    %get3A_8 = arith.constant 0 : index
    %get3A_9 = arith.constant 0 : index
    %get3A_10 = vector.load %arg1[%get3A_7, %get3A_8, %get3A_9] : memref<2x2000x128xf32, #tpu.memory_space<vmem>>, vector<1x2000x128xf32>
    %get3A_11 = vector.shape_cast %get3A_10 : vector<1x2000x128xf32> to vector<2000x128xf32>
    %add3A = arith.addf %get3A_6, %get3A_11 : vector<2000x128xf32>
    %get3A_12 = arith.constant 0 : index
    %get3A_13 = arith.constant 0 : index
    %get3A_14 = vector.load %arg2[%get3A_12, %get3A_13] : memref<2000x128xf32, #tpu.memory_space<vmem>>, vector<2000x128xf32>
    %add3A_15 = arith.addf %add3A, %get3A_14 : vector<2000x128xf32>
    %mul3A = vector.broadcast %get3A_1 : vector<2000x1xf32> to vector<2000x128xf32>
    %mul3A_16 = arith.mulf %mul3A, %add3A_15 : vector<2000x128xf32>
    %get3A_17 = arith.constant 0 : index
    %get3A_18 = arith.constant 0 : index
    %get3A_19 = vector.load %arg4[%get3A_17, %get3A_18] : memref<1x128xf32, #tpu.memory_space<vmem>>, vector<1x128xf32>
    %add3A_20 = vector.broadcast %get3A_19 : vector<1x128xf32> to vector<2000x128xf32>
    %add3A_21 = arith.addf %mul3A_16, %add3A_20 : vector<2000x128xf32>
    %max3A = arith.constant 0.000000e+00 : f32
    %max3A_22 = vector.broadcast %max3A : f32 to vector<2000x128xf32>
    %max3A_23 = arith.maximumf %add3A_21, %max3A_22 : vector<2000x128xf32>
    %get3A_24 = arith.constant 0 : index
    %get3A_25 = arith.constant 0 : index
    %get3A_26 = vector.load %arg3[%get3A_24, %get3A_25] : memref<2000x1xf32, #tpu.memory_space<vmem>>, vector<2000x1xf32>
    %get3A_27 = arith.constant 0 : index
    %get3A_28 = arith.constant 0 : index
    %get3A_29 = vector.load %arg5[%get3A_27, %get3A_28] : memref<128x64xf32, #tpu.memory_space<vmem>>, vector<128x64xf32>
    %dot_general3A = arith.constant dense<0.000000e+00> : vector<2000x64xf32>
    %dot_general3A_30 = tpu.matmul %max3A_23, %get3A_29, %dot_general3A {dimension_numbers = #tpu.dot_dimension_numbers<[1], [0], [0], [1], [0, 0, 1, 1], [], []>, precision = #tpu.contract_precision<fp32>, transpose_lhs_hint = false} : vector<2000x128xf32>, vector<128x64xf32>, vector<2000x64xf32> -> vector<2000x64xf32>
    %mul3A_31 = vector.broadcast %get3A_26 : vector<2000x1xf32> to vector<2000x64xf32>
    %mul3A_32 = arith.mulf %mul3A_31, %dot_general3A_30 : vector<2000x64xf32>
    %swap3A = arith.constant 0 : index
    %swap3A_33 = arith.constant 0 : index
    %swap3A_34 = vector.load %arg6[%swap3A, %swap3A_33] : memref<2000x64xf32, #tpu.memory_space<vmem>>, vector<2000x64xf32>
    tpu.vector_store %arg6[%swap3A, %swap3A_33], %mul3A_32 {strides = array<i32>} : memref<2000x64xf32, #tpu.memory_space<vmem>>, vector<2000x64xf32>,
    return
  }
  func.func @transform_0(%arg0: i32) -> (i32, i32, i32) {
    %c0_i32 = arith.constant 0 : i32
    %c0_i32_0 = arith.constant 0 : i32
    %c0_i32_1 = arith.constant 0 : i32
    return %c0_i32, %arg0, %c0_i32_0 : i32, i32, i32
  }
  func.func @transform_1(%arg0: i32) -> (i32, i32) {
    %c0_i32 = arith.constant 0 : i32
    %c0_i32_0 = arith.constant 0 : i32
    return %arg0, %c0_i32 : i32, i32
  }
  func.func @transform_2(%arg0: i32) -> (i32, i32) {
    %c0_i32 = arith.constant 0 : i32
    %c0_i32_0 = arith.constant 0 : i32
    return %arg0, %c0_i32 : i32, i32
  }
  func.func @transform_3(%arg0: i32) -> (i32, i32) {
    %c0_i32 = arith.constant 0 : i32
    %c0_i32_0 = arith.constant 0 : i32
    %c0_i32_1 = arith.constant 0 : i32
    return %c0_i32, %c0_i32_0 : i32, i32
  }
  func.func @transform_4(%arg0: i32) -> (i32, i32) {
    %c0_i32 = arith.constant 0 : i32
    %c0_i32_0 = arith.constant 0 : i32
    %c0_i32_1 = arith.constant 0 : i32
    return %c0_i32, %c0_i32_0 : i32, i32
  }
  func.func @transform_5(%arg0: i32) -> (i32, i32) {
    %c0_i32 = arith.constant 0 : i32
    %c0_i32_0 = arith.constant 0 : i32
    return %arg0, %c0_i32 : i32, i32
  }
}

module attributes {stable_mosaic.version = 14 : i64} {
  func.func @body(%arg0: i32, %arg1: memref<2x2000x64xf32, #tpu.memory_space<vmem>>, %arg2: memref<2000x64xf32, #tpu.memory_space<vmem>>, %arg3: memref<2000x1xf32, #tpu.memory_space<vmem>>, %arg4: memref<1x64xf32, #tpu.memory_space<vmem>>, %arg5: memref<2000x64xf32, #tpu.memory_space<vmem>>) attributes {dimension_semantics = [#tpu.dimension_semantics<arbitrary>], iteration_bounds = array<i64: 5>, scalar_prefetch = 0 : i64, scratch_operands = 0 : i64, tpu.core_type = #tpu.core_type<tc>, window_params = [{transform_indices = @transform_0, window_bounds = array<i64: 2, 2000, 64>}, {transform_indices = @transform_1, window_bounds = array<i64: 2000, 64>}, {transform_indices = @transform_2, window_bounds = array<i64: 2000, 1>}, {pipeline_mode = #tpu.pipeline_mode<synchronous>, transform_indices = @transform_3, window_bounds = array<i64: 1, 64>}, {transform_indices = @transform_4, window_bounds = array<i64: 2000, 64>}]} {
    %get3A = arith.constant 0 : index
    %get3A_0 = arith.constant 0 : index
    %get3A_1 = vector.load %arg3[%get3A, %get3A_0] : memref<2000x1xf32, #tpu.memory_space<vmem>>, vector<2000x1xf32>
    %get3A_2 = arith.constant 0 : index
    %get3A_3 = arith.constant 0 : index
    %get3A_4 = arith.constant 0 : index
    %get3A_5 = vector.load %arg1[%get3A_2, %get3A_3, %get3A_4] : memref<2x2000x64xf32, #tpu.memory_space<vmem>>, vector<1x2000x64xf32>
    %get3A_6 = vector.shape_cast %get3A_5 : vector<1x2000x64xf32> to vector<2000x64xf32>
    %get3A_7 = arith.constant 1 : index
    %get3A_8 = arith.constant 0 : index
    %get3A_9 = arith.constant 0 : index
    %get3A_10 = vector.load %arg1[%get3A_7, %get3A_8, %get3A_9] : memref<2x2000x64xf32, #tpu.memory_space<vmem>>, vector<1x2000x64xf32>
    %get3A_11 = vector.shape_cast %get3A_10 : vector<1x2000x64xf32> to vector<2000x64xf32>
    %add3A = arith.addf %get3A_6, %get3A_11 : vector<2000x64xf32>
    %get3A_12 = arith.constant 0 : index
    %get3A_13 = arith.constant 0 : index
    %get3A_14 = vector.load %arg2[%get3A_12, %get3A_13] : memref<2000x64xf32, #tpu.memory_space<vmem>>, vector<2000x64xf32>
    %add3A_15 = arith.addf %add3A, %get3A_14 : vector<2000x64xf32>
    %mul3A = vector.broadcast %get3A_1 : vector<2000x1xf32> to vector<2000x64xf32>
    %mul3A_16 = arith.mulf %mul3A, %add3A_15 : vector<2000x64xf32>
    %get3A_17 = arith.constant 0 : index
    %get3A_18 = arith.constant 0 : index
    %get3A_19 = vector.load %arg4[%get3A_17, %get3A_18] : memref<1x64xf32, #tpu.memory_space<vmem>>, vector<1x64xf32>
    %add3A_20 = vector.broadcast %get3A_19 : vector<1x64xf32> to vector<2000x64xf32>
    %add3A_21 = arith.addf %mul3A_16, %add3A_20 : vector<2000x64xf32>
    %reduce_max3A = arith.constant dense<0xFF800000> : vector<2000xf32>
    %reduce_max3A_22 = vector.multi_reduction <maximumf>, %add3A_21, %reduce_max3A [1] : vector<2000x64xf32> to vector<2000xf32>
    %broadcast_in_dim3A = vector.shape_cast %reduce_max3A_22 : vector<2000xf32> to vector<2000x1xf32>
    %sub3A = vector.broadcast %broadcast_in_dim3A : vector<2000x1xf32> to vector<2000x64xf32>
    %sub3A_23 = arith.subf %add3A_21, %sub3A : vector<2000x64xf32>
    %exp3A = math.exp %sub3A_23 : vector<2000x64xf32>
    %reduce_sum3A = arith.constant dense<0.000000e+00> : vector<2000xf32>
    %reduce_sum3A_24 = vector.multi_reduction <add>, %exp3A, %reduce_sum3A [1] : vector<2000x64xf32> to vector<2000xf32>
    %broadcast_in_dim3A_25 = vector.shape_cast %reduce_sum3A_24 : vector<2000xf32> to vector<2000x1xf32>
    %log3A = math.log %broadcast_in_dim3A_25 : vector<2000x1xf32>
    %sub3A_26 = vector.broadcast %log3A : vector<2000x1xf32> to vector<2000x64xf32>
    %sub3A_27 = arith.subf %sub3A_23, %sub3A_26 : vector<2000x64xf32>
    %swap3A = arith.constant 0 : index
    %swap3A_28 = arith.constant 0 : index
    %swap3A_29 = vector.load %arg5[%swap3A, %swap3A_28] : memref<2000x64xf32, #tpu.memory_space<vmem>>, vector<2000x64xf32>
    tpu.vector_store %arg5[%swap3A, %swap3A_28], %sub3A_27 {strides = array<i32>} : memref<2000x64xf32, #tpu.memory_space<vmem>>, vector<2000x64xf32>,
    return
  }
  func.func @transform_0(%arg0: i32) -> (i32, i32, i32) {
    %c0_i32 = arith.constant 0 : i32
    %c0_i32_0 = arith.constant 0 : i32
    %c0_i32_1 = arith.constant 0 : i32
    return %c0_i32, %arg0, %c0_i32_0 : i32, i32, i32
  }
  func.func @transform_1(%arg0: i32) -> (i32, i32) {
    %c0_i32 = arith.constant 0 : i32
    %c0_i32_0 = arith.constant 0 : i32
    return %arg0, %c0_i32 : i32, i32
  }
  func.func @transform_2(%arg0: i32) -> (i32, i32) {
    %c0_i32 = arith.constant 0 : i32
    %c0_i32_0 = arith.constant 0 : i32
    return %arg0, %c0_i32 : i32, i32
  }
  func.func @transform_3(%arg0: i32) -> (i32, i32) {
    %c0_i32 = arith.constant 0 : i32
    %c0_i32_0 = arith.constant 0 : i32
    %c0_i32_1 = arith.constant 0 : i32
    return %c0_i32, %c0_i32_0 : i32, i32
  }
  func.func @transform_4(%arg0: i32) -> (i32, i32) {
    %c0_i32 = arith.constant 0 : i32
    %c0_i32_0 = arith.constant 0 : i32
    return %arg0, %c0_i32 : i32, i32
  }
}

</mosaic_0001>

<sc_bundles>
// kernel: kernel.11.cloned.1.call-start
scs
__scs_entry_jumppad:
0x0: {  	(pc) =	sbr.rel $0x88, $3  }
0x1: {  	(tag) =	ssettag $0x0;
	lr =	simm.s32 $0x1  }
0x2: {  	[smem:$0x3F9B] =	sst lr;
	_ =	strace $0xD0000000  }
0x3: {  	_ = 	snop  }
0x4: {  	_ = 	snop  }
0x5: {  	_ = 	snop  }
0x6: {  	_ = 	snop  }
0x7: {  	_ = 	snop  }
__scs_overlays_trampoline_lowered:
0x8: {  	[smem:$0x3FAA] =	sst s0  }
0x9: {  	[smem:$0x3FAB] =	sst s1  }
0xa: {  	[smem:$0x3FAC] =	sst s2  }
0xb: {  	[smem:$0x3FAD] =	sst s3  }
0xc: {  	[smem:$0x3FAE] =	sst s4  }
0xd: {  	[smem:$0x3FAF] =	sst s5  }
0xe: {  	[smem:$0x3FB0] =	sst s6  }
0xf: {  	[smem:$0x3FB1] =	sst s7  }
0x10: {  	[smem:$0x3FB2] =	sst s8  }
0x11: {  	[smem:$0x3FB3] =	sst s9;
	s0 =	simm.s32 @!p0 $0x0  }
0x12: {  	s1 =	sld [smem:$0x3F99];
	s0 =	simm.s32 @p0 $0x1  }
0x13: {  	[smem:$0x3FB4] =	sst s0;
	s0 =	simm.s32 @!p1 $0x0  }
0x14: {  	s2 =	sld [smem:$0x3F98];
	s0 =	simm.s32 @p1 $0x1  }
0x15: {  	[smem:$0x3FB5] =	sst s0;
	s0 =	simm.s32 @!p2 $0x0  }
0x16: {  	s3 =	sld [smem:$0x3FDB];
	s0 =	simm.s32 @p2 $0x1  }
0x17: {  	s4 =	simm.s32 $0x1BF5;
	[smem:$0x3FB7] =	sst s0  }
0x18: {  	s0 =	sld [smem:$0x3F9A];
	_ =	swait.ge [sflag:s4], $0x0  }
0x19: {  	s7 =	sld [smem:$0x3F9B]  }
0x1a: {  	s8 =	sadd.s32 $0xFFFFE003, lr  }
0x1b: {  	s9 =	sadd.s32 $0xFFFFFEF7, lr;
	s5 =	simm.s32 $0xFFFFFFFF;
	p2 =	slt.u32 s8, $0xFFFFF086  }
0x1c: {  	p1 =	slt.u32 s9, $0xF7A;
	s5 =	simm.s32 @!p2 $0x0  }
0x1d: {  	s5 =	simm.s32 @p1 $0x1;
	p0 =	seq.s32 s7, s2  }
0x1e: {  	s7 =	smul.u32 @!p0 $0xF7A, s2;
	p2 =	seq.s32 @!p0 s5, $0x0  }
0x1f: {  	s9 =	smul.u32 $0xF7A, s1;
	s8 =	simm.s32 @!p0 $0x1BF5;
	p2 =	por !p2, p0  }
0x20: {  	[sflag:s8] =	ssyncset.s32 @!p0 $0xFFFFF086;
	s6 =	sadd.s32 @!p0 s3, s7;
	s7 =	simm.s32 @!p0 $0x108  }
0x21: {  	s3 =	sadd.s32 s3, s9;
	s6 =	sadd.s32 @!p0 $0x88, s6;
	s7 =	simm.s32 @p2 $0x1082  }
0x22: {  	[simem:s7], [sflag:s8] =	dma.local @!p0 [hbm:s6], $0xF7A  }
0x23: {  	s9 =	sor.u32 $0xD0000000, s2;
	s6 =	simm.s32 $0x108;
	_ =	swait.ge @!p0 [sflag:s8], $0x0  }
0x24: {  	s3 =	sadd.s32 $0x88, s3;
	s6 =	simm.s32 @!p1 $0x1082;
	[sflag:s4] =	ssyncset.s32 $0xFFFFF086  }
0x25: {  	[simem:s6], [sflag:s4] =	dma.local [hbm:s3], $0xF7A  }
0x26: {  	[smem:$0x3F9B] =	sst s1;
	(tag) =	ssettag s2;
	_ =	strace s9  }
0x27: {  	s1 =	sld [smem:$0x3FAB]  }
0x28: {  	s2 =	sld [smem:$0x3FAC]  }
0x29: {  	s4 =	sld [smem:$0x3FAE]  }
0x2a: {  	p0 =	seq.s32 s5, $0x0;
	s5 =	sld [smem:$0x3FAF]  }
0x2b: {  	s6 =	sld [smem:$0x3FB0]  }
0x2c: {  	s7 =	sld [smem:$0x3FB1]  }
0x2d: {  	s3 =	simm.s32 $0x108;
	s8 =	sld [smem:$0x3FB2]  }
0x2e: {  	s3 =	simm.s32 @!p0 $0x1082;
	s9 =	sld [smem:$0x3FB3]  }
0x2f: {  	lr =	sadd.s32 s0, s3;
	s0 =	sld [smem:$0x3FAA]  }
0x30: {  	s3 =	sld [smem:$0x3FAD]  }
0x31: {  	[smem:$0x3FB6] =	sst s10  }
0x32: {  	s10 =	sld [smem:$0x3FB4];
	_ =	sdelay $0x3  }
0x33: {  	p0 =	seq.s32 s10, $0x1;
	s10 =	sld [smem:$0x3FB6];
	_ =	sdelay $0x3  }
0x34: {  	[smem:$0x3FB6] =	sst s10  }
0x35: {  	s10 =	sld [smem:$0x3FB5];
	_ =	sdelay $0x3  }
0x36: {  	p1 =	seq.s32 s10, $0x1;
	s10 =	sld [smem:$0x3FB6];
	_ =	sdelay $0x3  }
0x37: {  	[smem:$0x3FB6] =	sst s10  }
0x38: {  	s10 =	sld [smem:$0x3FB7]  }
0x39: {  	_ = 	snop;
	(pc) =	sbr.ind lr, $3  }
0x3a: {  	_ = 	snop  }
0x3b: {  	_ = 	snop  }
0x3c: {  	p2 =	seq.s32 s10, $0x1;
	s10 =	sld [smem:$0x3FB6]  }
0x3d: {  	_ =	shalt  }
0x3e: {  	_ =	shalt  }
0x3f: {  	_ =	shalt  }
0x40: {  	_ =	shalt  }
0x41: {  	_ =	shalt  }
0x42: {  	_ =	shalt  }
0x43: {  	_ =	shalt  }
0x44: {  	_ =	shalt  }
0x45: {  	_ =	shalt  }
0x46: {  	_ =	shalt  }
0x47: {  	_ =	shalt  }
0x48: {  	_ =	shalt  }
0x49: {  	_ =	shalt  }
0x4a: {  	_ =	shalt  }
0x4b: {  	_ =	shalt  }
0x4c: {  	_ =	shalt  }
0x4d: {  	_ =	shalt  }
0x4e: {  	_ =	shalt  }
0x4f: {  	_ =	shalt  }
0x50: {  	_ =	shalt  }
0x51: {  	_ =	shalt  }
0x52: {  	_ =	shalt  }
0x53: {  	_ =	shalt  }
0x54: {  	_ =	shalt  }
0x55: {  	_ =	shalt  }
0x56: {  	_ =	shalt  }
0x57: {  	_ =	shalt  }
0x58: {  	_ =	shalt  }
0x59: {  	_ =	shalt  }
0x5a: {  	_ =	shalt  }
0x5b: {  	_ =	shalt  }
0x5c: {  	_ =	shalt  }
0x5d: {  	_ =	shalt  }
0x5e: {  	_ =	shalt  }
0x5f: {  	_ =	shalt  }
0x60: {  	_ =	shalt  }
0x61: {  	_ =	shalt  }
0x62: {  	_ =	shalt  }
0x63: {  	_ =	shalt  }
0x64: {  	_ =	shalt  }
0x65: {  	_ =	shalt  }
0x66: {  	_ =	shalt  }
0x67: {  	_ =	shalt  }
0x68: {  	_ =	shalt  }
0x69: {  	_ =	shalt  }
0x6a: {  	_ =	shalt  }
0x6b: {  	_ =	shalt  }
0x6c: {  	_ =	shalt  }
0x6d: {  	_ =	shalt  }
0x6e: {  	_ =	shalt  }
0x6f: {  	_ =	shalt  }
0x70: {  	_ =	shalt  }
0x71: {  	_ =	shalt  }
0x72: {  	_ =	shalt  }
0x73: {  	_ =	shalt  }
0x74: {  	_ =	shalt  }
0x75: {  	_ =	shalt  }
0x76: {  	_ =	shalt  }
0x77: {  	_ =	shalt  }
0x78: {  	_ =	shalt  }
0x79: {  	_ =	shalt  }
0x7a: {  	_ =	shalt  }
0x7b: {  	_ =	shalt  }
0x7c: {  	_ =	shalt  }
0x7d: {  	_ =	shalt  }
0x7e: {  	_ =	shalt  }
0x7f: {  	_ =	shalt  }
0x80: {  	_ =	shalt  }
0x81: {  	_ =	shalt  }
0x82: {  	_ =	shalt  }
0x83: {  	_ =	shalt  }
0x84: {  	_ =	shalt  }
0x85: {  	_ =	shalt  }
0x86: {  	_ =	shalt  }
0x87: {  	_ =	shalt  }
.Lfunc_end0:
.L_simem_size_0:
called_computation.1_lowered:
.L_overlay_start_0:
0x88: {  	s2 =	sld [smem:$0x3FD9]  }
0x89: {  	s3 =	sld [smem:$0x3FFE];
	_ =	sdelay $0x1  }
0x8a: {  	s1 =	srdreg.scid  }
0x8b: {  	s0 =	sand.u32 $0x1, s1  }
0x8c: {  	s16 =	sshll.u32 s0, $0xA;
	s2 =	sadd.s32 s3, s2  }
0x8d: {  	s2 =	sadd.s32 s2, s16  }
0x8e: {  	[smem:$0x3FC2] =	sst s2  }
0x8f: {  	_ = 	snop  }
0x90: {  	(tm) =	ssettm $0x1  }
0x91: {  	s17 =	sld [smem:$0x3FFB];
	_ =	sdelay $0x3  }
0x92: {  	_ =	strace s17  }
0x93: {  	s2 =	sld [smem:$0x3FFC];
	_ =	sdelay $0x3  }
0x94: {  	_ =	strace s2  }
0x95: {  	s2 =	sld [smem:$0x3FFD];
	_ =	sdelay $0x3  }
0x96: {  	_ =	strace s2  }
0x97: {  	_ =	strace $0x8FFFFFFF  }
0x98: {  	s18 =	sld [smem:$0x3FDB];
	_ =	sdelay $0x1  }
0x99: {  	s19 =	simm.s32 $_scs_section_size  }
0x9a: {  	s4 =	simm.s32 $_size__tile_overlayer_lowered;
	s5 =	simm.s32 $_tile_overlayer_lowered  }
0x9b: {  	s22 =	simm.s32 $0x1BFF;
	s21 =	sshll.u32 s5, $0x1;
	s2 =	sadd.s32 s19, s18  }
0x9c: {  	s6 =	simm.s32 $0x0;
	s20 =	sshll.u32 s4, $0x1;
	s4 =	sadd.s32 s21, s2  }
0x9d: {  	[timem:s6], [sflag:s22] =	dma.local [hbm:s4], s20  }
0x9e: {  	_ =	swait.ge [sflag:s22], s20  }
0x9f: {  	s3 =	ssub.s32 $0x0, s20;
	[sflag:s22] =	ssyncset.done $0x0  }
0xa0: {  	[sflag:s22] =	ssyncadd.s32 s3;
	_ =	sdelay $0x1  }
0xa1: {  	s23 =	simm.s32 $0x1B8B  }
0xa2: {  	_ =	swait.ge [sflag:s23], $0x1  }
0xa3: {  	[sflag:s23] =	ssyncset.done $0x0  }
0xa4: {  	s25 =	simm.s32 $0x1B8E;
	s24 =	sld [smem:$0x3FFE];
	[sflag:s23] =	ssyncadd.s32 $0xFFFFFFFF  }
0xa5: {  	s26 =	simm.s32 $execute0_lowered;
	[smem:$0x3FD2] =	sst s25  }
0xa6: {  	s4 =	sshll.u32 s26, $0x1;
	_ =	strace $0x80000049;
	[dreg:$0x1] =	wrdreg $0xFFFFFFFF  }
0xa7: {  	s28 =	simm.s32 $_size_execute0_lowered;
	s2 =	sadd.s32 s2, s4;
	[dreg:$0x0] =	wrdreg $0x0  }
0xa8: {  	s4 =	sshll.u32 s28, $0x1;
	[dreg:$0x2] =	wrdreg s2  }
0xa9: {  	[dreg:$0x3] =	wrdreg s4  }
0xaa: {  	[dreg:$0x4] =	wrdreg $0xC0  }
0xab: {  	_ =	task [dreg:s6], $0x5FFFF  }
0xac: {  	[dreg:$0x1] =	wrdreg $0xFFFFFFFF  }
0xad: {  	[dreg:$0x0] =	wrdreg $0x60  }
0xae: {  	[dreg:$0x2] =	wrdreg s24  }
0xaf: {  	[dreg:$0x3] =	wrdreg $0x7E000  }
0xb0: {  	[dreg:$0x4] =	wrdreg $0x9  }
0xb1: {  	_ =	task.clear_ibuf [dreg:s6], $0x5FFFF;
	_ =	strace $0x90000049  }
0xb2: {  	s29 =	simm.s32 $0x9;
	_ =	strace $0x8000004B  }
0xb3: {  	_ =	swait.ge [sflag:s29], $0x1  }
0xb4: {  	[sflag:s29] =	ssyncadd.s32 $0xFFFFFFFF  }
0xb5: {  	_ =	strace $0x9000004B  }
0xb6: {  	_ =	sfence  }
0xb7: {  	s30 =	sld [smem:$0x0];
	_ =	sdelay $0x2  }
0xb8: {  	s31 =	sshll.u32 s1, $0xD;
	s1 =	sshrl.u32 s1, $0x2  }
0xb9: {  	s3 =	sand.u32 $0x4000, s31;
	s1 =	sadd.s32 s1, s30  }
0xba: {  	s0 =	sor.u32 s3, s0;
	s1 =	sshll.u32 s1, $0x11  }
0xbb: {  	s0 =	sor.u32 s1, s0  }
0xbc: {  	s0 =	sadd.s32 $0x8F2B, s0  }
0xbd: {  	[sflag:s0] =	ssyncadd.remote.s32 $0x1  }
0xbe: {  	_ =	sfence.sel $0xFFFF  }
0xbf: {  	[dreg:$0x0] =	wrdreg $0xFFFFFFFF;
	(pc) =	sbr.abs _section_cstart, $3  }
0xc0: {  	[dreg:$0x1] =	wrdreg $0xFFFFFFFF  }
0xc1: {  	_ =	task.clear_ibuf [dreg:s6], $0x2FFFF;
	_ =	strace $0x9FFFFFFF  }
0xc2: {  	(tm) =	ssettm $0x7FFFFFFF  }
0xc3: {  	_ =	shalt  }
tec
execute0_lowered:
.L_overlay_start_1:
0x0: {  	(tag) =	ssettag $0x1  }
0x1: {  	s9 =	rddreg [dreg:$0x0]  }
0x2: {  	s1 =	rddreg [dreg:$0x1];
	s2 =	simm.s32 $0x0;
	s0 =	srdreg.scid  }
0x3: {  	s24 =	stileid.u32;
	s29 =	simm.s32 $0x180;
	s31 =	simm.s32 $0x200  }
0x4: {  	s28 =	simm.s32 $0x8;
	s30 =	simm.s32 $0x4;
	s14 =	smul.u32 $0x2800, s24  }
0x5: {  	[smem:$0x7FF] =	sst s2;
	s12 =	sand.u32 $0x1, s0;
	s15 =	smul.u32 $0x2710, s24  }
0x6: {  	s25 =	sadd.s32 $0x1C00, s9;
	s26 =	sadd.s32 $0xBA00, s9;
	s13 =	smul.u32 $0x138800, s12  }
0x7: {  	s11 =	sor.u32 $0x10, s24;
	s10 =	sor.u32 $0x20, s24;
	s19 =	smul.u32 $0x27100, s12  }
0x8: {  	s8 =	sor.u32 $0x30, s24;
	s7 =	sor.u32 $0x40, s24;
	s16 =	smul.u32 $0x2800, s11  }
0x9: {  	s6 =	sor.u32 $0x50, s24;
	s4 =	sor.u32 $0x60, s24;
	s17 =	smul.u32 $0x2800, s10  }
0xa: {  	_ =	strace $0x8000004A;
	s0 =	ssub.s32 $0x2, s12;
	s20 =	smul.u32 $0x2800, s8  }
0xb: {  	s12 =	sshll.u32 s12, $0x4;
	s10 =	smul.u32 $0xA000, s10;
	s3 =	sshrl.u32 s0, $0x1  }
0xc: {  	s12 =	sor.u32 s24, s12;
	s5 =	ssub.s32 s0, s3;
	s3 =	sor.u32 $0x70, s24  }
0xd: {  	s0 =	sadd.s32 s15, s19;
	s14 =	sadd.s32 s13, s14;
	s16 =	sadd.s32 s13, s16  }
0xe: {  	s17 =	sadd.s32 s13, s17;
	s15 =	sadd.s32 s13, s20;
	s12 =	smul.u32 $0x2710, s12  }
0xf: {  	s18 =	sadd.s32 $0x230, s0;
	s20 =	sadd.s32 $0x190, s0;
	s23 =	sadd.s32 $0x140, s0  }
0x10: {  	s14 =	sshrl.u32 s14, $0x3;
	s16 =	sshrl.u32 s16, $0x3;
	s15 =	sshrl.u32 s15, $0x3  }
0x11: {  	s5 =	smax.u32 s5, $0x1;
	p0 =	sgt.u32 s3, $0x7C;
	s18 =	sshrl.u32 s18, $0x3  }
0x12: {  	s21 =	sshrl.u32 s20, $0x3;
	[dreg:$0x1f] =	wrdreg s5;
	s19 =	sadd.s32 s18, s26  }
0x13: {  	s20 =	smul.u32 $0x2800, s7;
	s18 =	sadd.s32 s18, s25;
	[dreg:$0x3] =	wrdreg s19  }
0x14: {  	s12 =	sshrl.u32 s12, $0x3;
	s22 =	sadd.s32 s21, s26;
	[dreg:$0x4] =	wrdreg s18  }
0x15: {  	s7 =	smul.u32 $0xA000, s7;
	s21 =	sadd.s32 s21, s25;
	[dreg:$0x5] =	wrdreg s22  }
0x16: {  	s22 =	sshrl.u32 s23, $0x3;
	[dreg:$0x6] =	wrdreg s21;
	s21 =	smul.u32 $0x2800, s6  }
0x17: {  	s19 =	smul.u32 $0x2800, s4;
	s20 =	sadd.s32 s13, s20;
	s23 =	sadd.s32 s22, s26  }
0x18: {  	s6 =	smul.u32 $0xA000, s6;
	s22 =	sadd.s32 s22, s25;
	[dreg:$0x7] =	wrdreg s23  }
0x19: {  	s4 =	smul.u32 $0xA000, s4;
	s7 =	sshrl.u32 s7, $0x2;
	[dreg:$0x8] =	wrdreg s22  }
0x1a: {  	s23 =	sadd.s32 $0xF0, s0;
	s22 =	smul.u32 $0x2800, s3;
	s21 =	sadd.s32 s13, s21  }
0x1b: {  	s19 =	sadd.s32 s13, s19;
	s4 =	sshrl.u32 s4, $0x2;
	s18 =	sshrl.u32 s23, $0x3  }
0x1c: {  	s3 =	smul.u32 $0xA000, s3;
	s4 =	sadd.s32 s4, s1;
	s23 =	sadd.s32 s18, s26  }
0x1d: {  	s13 =	sadd.s32 s13, s22;
	s22 =	sadd.s32 $0x3CA00, s9;
	[smem:$0x7F7] =	sst s4  }
0x1e: {  	s3 =	sshrl.u32 s3, $0x2;
	[dreg:$0x9] =	wrdreg s23;
	s14 =	sadd.s32 s22, s14  }
0x1f: {  	s23 =	sshrl.u32 s17, $0x3;
	s3 =	sadd.s32 s3, s1;
	[dreg:$0xd] =	wrdreg s14  }
0x20: {  	s17 =	smov.u32 s25;
	s14 =	sadd.s32 s22, s16;
	[smem:$0x7F8] =	sst s3  }
0x21: {  	s13 =	sshrl.u32 s13, $0x3;
	s16 =	sadd.s32 s22, s15;
	[dreg:$0xe] =	wrdreg s14  }
0x22: {  	s15 =	sshrl.u32 s21, $0x3;
	s13 =	sadd.s32 s22, s13;
	[dreg:$0x10] =	wrdreg s16  }
0x23: {  	s21 =	sadd.s32 $0xA0, s0;
	s0 =	sadd.s32 $0x1E0, s0;
	[dreg:$0x14] =	wrdreg s13  }
0x24: {  	s3 =	simm.s32 $0x500;
	s14 =	sadd.s32 s22, s23;
	[smem:$0x7F9] =	sst s0  }
0x25: {  	s23 =	sshrl.u32 s20, $0x3;
	s13 =	sadd.s32 s26, s12;
	[dreg:$0xf] =	wrdreg s14  }
0x26: {  	s16 =	sshrl.u32 s19, $0x3;
	s14 =	sadd.s32 s22, s23;
	[dreg:$0x1a] =	wrdreg s13  }
0x27: {  	s20 =	smov.u32 s26;
	s19 =	sadd.s32 s22, s16;
	[dreg:$0x11] =	wrdreg s14  }
0x28: {  	s0 =	simm.s32 $0x6;
	s23 =	sadd.s32 s18, s25;
	[dreg:$0x13] =	wrdreg s19  }
0x29: {  	s18 =	sadd.s32 $0xA, s12;
	s14 =	sadd.s32 s22, s15;
	[dreg:$0xa] =	wrdreg s23  }
0x2a: {  	s13 =	simm.s32 $0x1;
	s19 =	sadd.s32 s25, s18;
	[dreg:$0x12] =	wrdreg s14  }
0x2b: {  	s23 =	sadd.s32 s25, s12;
	s14 =	sshrl.u32 s21, $0x3;
	[dreg:$0x15] =	wrdreg s19  }
0x2c: {  	[dreg:$0x19] =	wrdreg s23;
	s19 =	smul.u32 $0xA000, s24;
	s24 =	sadd.s32 s7, s1  }
0x2d: {  	s21 =	sadd.s32 $0x4C4, s12;
	s15 =	sadd.s32 s14, s26;
	[smem:$0x7F5] =	sst s24  }
0x2e: {  	s23 =	sshrl.u32 s10, $0x2;
	s16 =	sadd.s32 s14, s25;
	[dreg:$0xb] =	wrdreg s15  }
0x2f: {  	s14 =	sadd.s32 $0x15800, s9;
	s9 =	sadd.s32 s26, s18;
	[dreg:$0xc] =	wrdreg s16  }
0x30: {  	s7 =	simm.s32 $0x5;
	s22 =	sadd.s32 s25, s21;
	[dreg:$0x16] =	wrdreg s9  }
0x31: {  	s24 =	simm.s32 $0x400;
	[dreg:$0x17] =	wrdreg s22;
	s9 =	sadd.s32 s26, s21  }
0x32: {  	s15 =	sadd.s32 $0x4CE, s12;
	s12 =	sadd.s32 $0x4D8, s12;
	s21 =	smul.u32 $0xA000, s8  }
0x33: {  	s22 =	sshrl.u32 s19, $0x2;
	s8 =	simm.s32 $0x600;
	s19 =	simm.s32 $0x2E00  }
0x34: {  	[dreg:$0x18] =	wrdreg s9;
	s9 =	smul.u32 $0xA000, s11;
	s16 =	sadd.s32 s25, s15  }
0x35: {  	s11 =	sadd.s32 s26, s15;
	s18 =	sadd.s32 s25, s12;
	[dreg:$0x1b] =	wrdreg s16  }
0x36: {  	s12 =	sadd.s32 s26, s12;
	s26 =	sshrl.u32 s6, $0x2;
	[dreg:$0x1c] =	wrdreg s11  }
0x37: {  	s15 =	simm.s32 $0x50;
	s6 =	simm.s32 $0x5600;
	[dreg:$0x1d] =	wrdreg s18  }
0x38: {  	[dreg:$0x1e] =	wrdreg s12;
	s12 =	sadd.s32 s22, s1;
	s5 =	sshrl.u32 s21, $0x2  }
0x39: {  	s21 =	sadd.s32 s23, s1;
	s18 =	simm.s32 $0x2;
	[smem:$0x7FA] =	sst s12  }
0x3a: {  	s25 =	sadd.s32 s5, s1;
	s5 =	sadd.s32 s26, s1;
	[smem:$0x7FC] =	sst s21  }
0x3b: {  	s22 =	simm.s32 $0x7;
	s9 =	sshrl.u32 s9, $0x2;
	[smem:$0x7F6] =	sst s5  }
0x3c: {  	s23 =	simm.s32 $0x3;
	s16 =	sadd.s32 s9, s1;
	[smem:$0x7FD] =	sst s25  }
0x3d: {  	v0 =	vimm.f32 $0.0e+00;
	s26 =	simm.s32 $0x100;
	s9 =	simm.s32 $0x0;
	[smem:$0x7FB] =	sst s16  }
.LBB2_1:
0x3e: {  	s4 =	sand.u32 $0xFE00, s2  }
0x3f: {  	[smem:$0x7F4] =	sst s9;
	s5 =	sand.u32 $0x70, s2;
	s10 =	sshrl.u32 s4, $0x2  }
0x40: {  	s4 =	simm.s32 $0x40;
	s10 =	sor.u32 s5, s10;
	s5 =	simm.s32 $0x0  }
.LBB2_2:
0x41: {  	p1 =	sne.s32 s4, $0x9FC0  }
0x42: {  	[tilespmem:s10+$0x600] =	vst v0;
	s5 =	sadd.s32 $0x10, s5;
	s10 =	smov.u32 s4;
	s4 =	sadd.s32 $0x40, s4  }
.Ltmp0:
0x43: {  	(pc) =	sbr.rel @p1 .LBB2_2-.Ltmp0, $4  }
0x44: {  	_ = 	snop  }
0x45: {  	s10 =	sand.u32 $0xFE00, s10  }
0x46: {  	s11 =	sand.u32 $0x70, s5;
	s10 =	sshrl.u32 s10, $0x2  }
0x47: {  	s10 =	sor.u32 s11, s10  }
0x48: {  	[tilespmem:s10+$0x600] =	vst v0;
	s5 =	simm.s32 $0xD  }
0x49: {  	[spmem:s12] =	stream.linear.scatter [tilespmem:s8], [sflag:$0xD], $0x2800, $0x38;
	[tilespmem:$0x1B680] =	vst v63  }
0x4a: {  	_ =	swait.ge [sflag:s5], $0x2800  }
0x4b: {  	[sflag:s5] =	ssyncset.done $0x0  }
0x4c: {  	[sflag:s5] =	ssyncadd.s32 $0xFFFFD800  }
0x4d: {  	[spmem:s16] =	stream.linear.scatter [tilespmem:s8], [sflag:$0xD], $0x2800, $0x38;
	[tilespmem:$0x1B680] =	vst v63  }
0x4e: {  	_ =	swait.ge [sflag:s5], $0x2800  }
0x4f: {  	[sflag:s5] =	ssyncset.done $0x0  }
0x50: {  	[sflag:s5] =	ssyncadd.s32 $0xFFFFD800  }
0x51: {  	[spmem:s21] =	stream.linear.scatter [tilespmem:s8], [sflag:$0xD], $0x2800, $0x38;
	[tilespmem:$0x1B680] =	vst v63  }
0x52: {  	_ =	swait.ge [sflag:s5], $0x2800  }
0x53: {  	[sflag:s5] =	ssyncset.done $0x0  }
0x54: {  	[sflag:s5] =	ssyncadd.s32 $0xFFFFD800  }
0x55: {  	[spmem:s25] =	stream.linear.scatter [tilespmem:s8], [sflag:$0xD], $0x2800, $0x38;
	[tilespmem:$0x1B680] =	vst v63  }
0x56: {  	_ =	swait.ge [sflag:s5], $0x2800  }
0x57: {  	s4 =	sld [smem:$0x7F5]  }
0x58: {  	[sflag:s5] =	ssyncset.done $0x0  }
0x59: {  	[sflag:s5] =	ssyncadd.s32 $0xFFFFD800  }
0x5a: {  	[spmem:s4] =	stream.linear.scatter [tilespmem:s8], [sflag:$0xD], $0x2800, $0x38;
	[tilespmem:$0x1B680] =	vst v63  }
0x5b: {  	_ =	swait.ge [sflag:s5], $0x2800  }
0x5c: {  	s25 =	sld [smem:$0x7F6]  }
0x5d: {  	[sflag:s5] =	ssyncset.done $0x0  }
0x5e: {  	[sflag:s5] =	ssyncadd.s32 $0xFFFFD800  }
0x5f: {  	[spmem:s25] =	stream.linear.scatter [tilespmem:s8], [sflag:$0xD], $0x2800, $0x38;
	[tilespmem:$0x1B680] =	vst v63  }
0x60: {  	_ =	swait.ge [sflag:s5], $0x2800  }
0x61: {  	s9 =	sld [smem:$0x7F7]  }
0x62: {  	[sflag:s5] =	ssyncset.done $0x0  }
0x63: {  	[sflag:s5] =	ssyncadd.s32 $0xFFFFD800  }
0x64: {  	[spmem:s9] =	stream.linear.scatter [tilespmem:s8], [sflag:$0xD], $0x2800, $0x38;
	[tilespmem:$0x1B680] =	vst v63  }
0x65: {  	_ =	swait.ge [sflag:s5], $0x2800  }
0x66: {  	[sflag:s5] =	ssyncset.done $0x0  }
0x67: {  	[sflag:s5] =	ssyncadd.s32 $0xFFFFD800;
	s5 =	sld [smem:$0x7F8];
	_ =	sdelay $0x1  }
0x68: {  	s4 =	simm.s32 @!p0 $0x600  }
0x69: {  	[spmem:s5] =	stream.linear.scatter @!p0 [tilespmem:s4], [sflag:$0xD], $0x2800, $0x38;
	[tilespmem:$0x1B680] =	vst v63  }
0x6a: {  	s4 =	simm.s32 @!p0 $0xD  }
0x6b: {  	_ =	swait.ge @!p0 [sflag:s4], $0x2800  }
0x6c: {  	[sflag:s4] =	ssyncset.done @!p0 $0x0  }
0x6d: {  	[sflag:s4] =	ssyncadd.s32 @!p0 $0xFFFFD800  }
0x6e: {  	[bflag:$0x0] =	sbarrier.arrive $0xFFFF  }
0x6f: {  	s10 =	simm.s32 $0x0;
	s12 =	rddreg [dreg:$0x19]  }
0x70: {  	[tilespmem:s10], [sflag:$0x1] =	stream.linear.gather [hbm4b:s12+s10], $0x50, $0x38;
	[tilespmem:$0x1B680] =	vst v63  }
0x71: {  	p1 =	por $0x1, $0x1;
	s16 =	rddreg [dreg:$0x1a];
	s12 =	simm.s32 $0x300  }
0x72: {  	[tilespmem:s12], [sflag:$0x1] =	stream.linear.gather [hbm4b:s16+s10], $0x50, $0x38;
	[tilespmem:$0x1B680] =	vst v63  }
0x73: {  	p1 =	por p1, p1;
	s21 =	rddreg [dreg:$0x15];
	s16 =	simm.s32 $0x80  }
0x74: {  	[tilespmem:s16], [sflag:$0x2] =	stream.linear.gather [hbm4b:s21+s10], $0x50, $0x38;
	[tilespmem:$0x1B680] =	vst v63  }
0x75: {  	s11 =	simm.s32 $0x380;
	s4 =	simm.s32 @!p1 $0xA;
	s25 =	rddreg [dreg:$0x16]  }
0x76: {  	[tilespmem:s11], [sflag:$0x2] =	stream.linear.gather [hbm4b:s25+s10], $0x50, $0x38;
	[tilespmem:$0x1B680] =	vst v63  }
0x77: {  	_ =	swait.ge @!p1 [sflag:s4], $0x2800  }
0x78: {  	[sflag:s4] =	ssyncset.done @!p1 $0x0  }
0x79: {  	[sflag:s4] =	ssyncadd.s32 @!p1 $0xFFFFD800  }
0x7a: {  	_ =	swait.ge [sflag:s13], $0x50  }
0x7b: {  	[sflag:s13] =	ssyncset.done $0x0  }
0x7c: {  	[sflag:s13] =	ssyncadd.s32 $0xFFFFFFB0  }
0x7d: {  	_ =	swait.ge [sflag:s13], $0x50  }
0x7e: {  	[sflag:s13] =	ssyncset.done $0x0  }
0x7f: {  	s5 =	rddreg [dreg:$0xc];
	[sflag:s13] =	ssyncadd.s32 $0xFFFFFFB0  }
0x80: {  	[tilespmem:s8], [sflag:$0x7] =	stream.indirect.gather [hbm4b:s14+s15], $0x80, s2, s15, $0xb8;
	[tilespmem:$0x1B680] =	vst v63  }
0x81: {  	s9 =	rddreg [dreg:$0xb];
	s4 =	sadd.s32 $0x0, s5  }
0x82: {  	[tilespmem:s26], [sflag:$0x3] =	stream.linear.gather [hbm4b:s4+s2], $0x50, $0x38;
	[tilespmem:$0x1B680] =	vst v63  }
0x83: {  	s10 =	sadd.s32 $0x0, s9;
	s5 =	simm.s32 @!p1 $0x9  }
0x84: {  	[tilespmem:s24], [sflag:$0x3] =	stream.linear.gather [hbm4b:s10+s2], $0x50, $0x38;
	[tilespmem:$0x1B680] =	vst v63  }
0x85: {  	_ =	swait.ge @!p1 [sflag:s5], $0x2800  }
0x86: {  	s4 =	simm.s32 @!p1 $0x5600;
	[sflag:s5] =	ssyncset.done @!p1 $0x0  }
0x87: {  	s10 =	simm.s32 @!p1 $0x580;
	[sflag:s5] =	ssyncadd.s32 @!p1 $0xFFFFD800;
	s5 =	simm.s32 @!p1 $0x50  }
0x88: {  	[spmem:s1] =	stream.indirect.scatter.add.f32 @!p1 [tilespmem:s4], [sflag:$0xC], $0x80, s10, s5, $0xb8;
	[tilespmem:$0x1B680] =	vst v63  }
0x89: {  	s4 =	simm.s32 @!p1 $0xB  }
0x8a: {  	_ =	swait.ge @!p1 [sflag:s4], $0x2800  }
0x8b: {  	[sflag:s4] =	ssyncset.done @!p1 $0x0  }
0x8c: {  	[sflag:s4] =	ssyncadd.s32 @!p1 $0xFFFFD800  }
0x8d: {  	_ =	swait.ge [sflag:s18], $0x50  }
0x8e: {  	[sflag:s18] =	ssyncset.done $0x0  }
0x8f: {  	[sflag:s18] =	ssyncadd.s32 $0xFFFFFFB0  }
0x90: {  	_ =	swait.ge [sflag:s18], $0x50  }
0x91: {  	[sflag:s18] =	ssyncset.done $0x0  }
0x92: {  	s21 =	rddreg [dreg:$0xa];
	[sflag:s18] =	ssyncadd.s32 $0xFFFFFFB0  }
0x93: {  	[tilespmem:s19], [sflag:$0x8] =	stream.indirect.gather [hbm4b:s14+s15], $0x80, s16, s15, $0xb8;
	[tilespmem:$0x1B680] =	vst v63  }
0x94: {  	s25 =	rddreg [dreg:$0x9];
	s4 =	sadd.s32 $0x0, s21  }
0x95: {  	[tilespmem:s29], [sflag:$0x4] =	stream.linear.gather [hbm4b:s4+s2], $0x50, $0x38;
	[tilespmem:$0x1B680] =	vst v63  }
0x96: {  	s10 =	simm.s32 $0x480;
	s9 =	sadd.s32 $0x0, s25  }
0x97: {  	[tilespmem:s10], [sflag:$0x4] =	stream.linear.gather [hbm4b:s9+s2], $0x50, $0x38;
	[tilespmem:$0x1B680] =	vst v63  }
0x98: {  	_ =	swait.ge [sflag:s22], $0x2800  }
0x99: {  	[sflag:s22] =	ssyncset.done $0x0  }
0x9a: {  	s4 =	simm.s32 @!p1 $0xC;
	[sflag:s22] =	ssyncadd.s32 $0xFFFFD800  }
0x9b: {  	[spmem:s1] =	stream.indirect.scatter.add.f32 [tilespmem:s8], [sflag:$0xA], $0x80, s12, s15, $0xb8;
	[tilespmem:$0x1B680] =	vst v63  }
0x9c: {  	_ =	swait.ge @!p1 [sflag:s4], $0x2800  }
0x9d: {  	[sflag:s4] =	ssyncset.done @!p1 $0x0  }
0x9e: {  	[sflag:s4] =	ssyncadd.s32 @!p1 $0xFFFFD800  }
0x9f: {  	_ =	swait.ge [sflag:s23], $0x50  }
0xa0: {  	[sflag:s23] =	ssyncset.done $0x0  }
0xa1: {  	[sflag:s23] =	ssyncadd.s32 $0xFFFFFFB0  }
0xa2: {  	_ =	swait.ge [sflag:s23], $0x50  }
0xa3: {  	[sflag:s23] =	ssyncset.done $0x0  }
0xa4: {  	s21 =	rddreg [dreg:$0x8];
	[sflag:s23] =	ssyncadd.s32 $0xFFFFFFB0  }
0xa5: {  	[tilespmem:s6], [sflag:$0x9] =	stream.indirect.gather [hbm4b:s14+s15], $0x80, s26, s15, $0xb8;
	[tilespmem:$0x1B680] =	vst v63  }
0xa6: {  	s25 =	rddreg [dreg:$0x7];
	s4 =	sadd.s32 $0x0, s21  }
0xa7: {  	[tilespmem:s31], [sflag:$0x5] =	stream.linear.gather [hbm4b:s4+s2], $0x50, $0x38;
	[tilespmem:$0x1B680] =	vst v63  }
0xa8: {  	s26 =	sadd.s32 $0x0, s25  }
0xa9: {  	[tilespmem:s3], [sflag:$0x5] =	stream.linear.gather [hbm4b:s26+s2], $0x50, $0x38;
	[tilespmem:$0x1B680] =	vst v63  }
0xaa: {  	_ =	swait.ge [sflag:s28], $0x2800  }
0xab: {  	[sflag:s28] =	ssyncset.done $0x0  }
0xac: {  	s5 =	simm.s32 $0xA;
	[sflag:s28] =	ssyncadd.s32 $0xFFFFD800  }
0xad: {  	[spmem:s1] =	stream.indirect.scatter.add.f32 [tilespmem:s19], [sflag:$0xB], $0x80, s11, s15, $0xb8;
	[tilespmem:$0x1B680] =	vst v63  }
0xae: {  	_ =	swait.ge [sflag:s5], $0x2800  }
0xaf: {  	[sflag:s5] =	ssyncset.done $0x0  }
0xb0: {  	[sflag:s5] =	ssyncadd.s32 $0xFFFFD800  }
0xb1: {  	_ =	swait.ge [sflag:s30], $0x50  }
0xb2: {  	[sflag:s30] =	ssyncset.done $0x0  }
0xb3: {  	[sflag:s30] =	ssyncadd.s32 $0xFFFFFFB0  }
0xb4: {  	_ =	swait.ge [sflag:s30], $0x50  }
0xb5: {  	[sflag:s30] =	ssyncset.done $0x0  }
0xb6: {  	s9 =	rddreg [dreg:$0x6];
	[sflag:s30] =	ssyncadd.s32 $0xFFFFFFB0  }
0xb7: {  	[tilespmem:s8], [sflag:$0x7] =	stream.indirect.gather [hbm4b:s14+s15], $0x80, s29, s15, $0xb8;
	[tilespmem:$0x1B680] =	vst v63  }
0xb8: {  	s11 =	rddreg [dreg:$0x5];
	s4 =	sadd.s32 $0x0, s9;
	s9 =	simm.s32 $0x280  }
0xb9: {  	[tilespmem:s9], [sflag:$0x6] =	stream.linear.gather [hbm4b:s4+s2], $0x50, $0x38;
	[tilespmem:$0x1B680] =	vst v63  }
0xba: {  	s25 =	simm.s32 $0x580;
	s26 =	simm.s32 $0x9;
	s21 =	sadd.s32 $0x0, s11  }
0xbb: {  	[tilespmem:s25], [sflag:$0x6] =	stream.linear.gather [hbm4b:s21+s2], $0x50, $0x38;
	[tilespmem:$0x1B680] =	vst v63  }
0xbc: {  	_ =	swait.ge [sflag:s26], $0x2800  }
0xbd: {  	[sflag:s26] =	ssyncset.done $0x0  }
0xbe: {  	s29 =	simm.s32 $0xB;
	[sflag:s26] =	ssyncadd.s32 $0xFFFFD800  }
0xbf: {  	[spmem:s1] =	stream.indirect.scatter.add.f32 [tilespmem:s6], [sflag:$0xC], $0x80, s24, s15, $0xb8;
	[tilespmem:$0x1B680] =	vst v63  }
0xc0: {  	_ =	swait.ge [sflag:s29], $0x2800  }
0xc1: {  	[sflag:s29] =	ssyncset.done $0x0  }
0xc2: {  	[sflag:s29] =	ssyncadd.s32 $0xFFFFD800  }
0xc3: {  	_ =	swait.ge [sflag:s7], $0x50  }
0xc4: {  	[sflag:s7] =	ssyncset.done $0x0  }
0xc5: {  	[sflag:s7] =	ssyncadd.s32 $0xFFFFFFB0  }
0xc6: {  	_ =	swait.ge [sflag:s7], $0x50  }
0xc7: {  	[sflag:s7] =	ssyncset.done $0x0;
	s11 =	sld [smem:$0x7F9]  }
0xc8: {  	[sflag:s7] =	ssyncadd.s32 $0xFFFFFFB0  }
0xc9: {  	[tilespmem:s19], [sflag:$0x8] =	stream.indirect.gather [hbm4b:s14+s15], $0x80, s31, s15, $0xb8;
	[tilespmem:$0x1B680] =	vst v63  }
0xca: {  	s3 =	sshrl.u32 s11, $0x3  }
0xcb: {  	s21 =	sadd.s32 s17, s3  }
0xcc: {  	[tilespmem:s2], [sflag:$0x1] =	stream.linear.gather [hbm4b:s21+s2], $0x50, $0x38;
	[tilespmem:$0x1B680] =	vst v63  }
0xcd: {  	s4 =	sadd.s32 s20, s3  }
0xce: {  	[tilespmem:s12], [sflag:$0x1] =	stream.linear.gather [hbm4b:s4+s2], $0x50, $0x38;
	[tilespmem:$0x1B680] =	vst v63  }
0xcf: {  	_ =	swait.ge [sflag:s22], $0x2800  }
0xd0: {  	[sflag:s22] =	ssyncset.done $0x0  }
0xd1: {  	s24 =	simm.s32 $0xC;
	[sflag:s22] =	ssyncadd.s32 $0xFFFFD800  }
0xd2: {  	[spmem:s1] =	stream.indirect.scatter.add.f32 [tilespmem:s8], [sflag:$0xA], $0x80, s10, s15, $0xb8;
	[tilespmem:$0x1B680] =	vst v63  }
0xd3: {  	_ =	swait.ge [sflag:s24], $0x2800  }
0xd4: {  	[sflag:s24] =	ssyncset.done $0x0  }
0xd5: {  	[sflag:s24] =	ssyncadd.s32 $0xFFFFD800  }
0xd6: {  	_ =	swait.ge [sflag:s0], $0x50  }
0xd7: {  	[sflag:s0] =	ssyncset.done $0x0  }
0xd8: {  	[sflag:s0] =	ssyncadd.s32 $0xFFFFFFB0  }
0xd9: {  	_ =	swait.ge [sflag:s0], $0x50  }
0xda: {  	[sflag:s0] =	ssyncset.done $0x0  }
0xdb: {  	s25 =	rddreg [dreg:$0x4];
	[sflag:s0] =	ssyncadd.s32 $0xFFFFFFB0  }
0xdc: {  	[tilespmem:s6], [sflag:$0x9] =	stream.indirect.gather [hbm4b:s14+s15], $0x80, s9, s15, $0xb8;
	[tilespmem:$0x1B680] =	vst v63  }
0xdd: {  	s26 =	rddreg [dreg:$0x3];
	s4 =	sadd.s32 $0x0, s25  }
0xde: {  	[tilespmem:s16], [sflag:$0x2] =	stream.linear.gather [hbm4b:s4+s2], $0x50, $0x38;
	[tilespmem:$0x1B680] =	vst v63  }
0xdf: {  	p6 =	por $0x0, $0x0;
	s29 =	simm.s32 $0x380;
	s31 =	sadd.s32 $0x0, s26  }
0xe0: {  	[tilespmem:s29], [sflag:$0x2] =	stream.linear.gather [hbm4b:s31+s2], $0x50, $0x38;
	[tilespmem:$0x1B680] =	vst v63  }
0xe1: {  	p1 =	por p6, p6;
	_ =	swait.ge [sflag:s28], $0x2800  }
0xe2: {  	s5 =	sadd.s32 $0x1E0, s11;
	s10 =	simm.s32 $0x78;
	[sflag:s28] =	ssyncset.done $0x0  }
0xe3: {  	s6 =	simm.s32 $0x5600;
	s4 =	simm.s32 $0x3C;
	[sflag:s28] =	ssyncadd.s32 $0xFFFFD800  }
.LBB2_4:
0xe4: {  	s3 =	simm.s32 $0x500;
	s12 =	simm.s32 @!p1 $0xA  }
0xe5: {  	[spmem:s1] =	stream.indirect.scatter.add.f32 [tilespmem:s19], [sflag:$0xB], $0x80, s3, s15, $0xb8;
	[tilespmem:$0x1B680] =	vst v63  }
0xe6: {  	_ =	swait.ge @!p1 [sflag:s12], $0x2800  }
0xe7: {  	[sflag:s12] =	ssyncset.done @!p1 $0x0  }
0xe8: {  	[sflag:s12] =	ssyncadd.s32 @!p1 $0xFFFFD800  }
0xe9: {  	_ =	swait.ge [sflag:s13], $0x50  }
0xea: {  	[sflag:s13] =	ssyncset.done $0x0  }
0xeb: {  	[sflag:s13] =	ssyncadd.s32 $0xFFFFFFB0  }
0xec: {  	_ =	swait.ge [sflag:s13], $0x50  }
0xed: {  	[sflag:s13] =	ssyncset.done $0x0  }
0xee: {  	s31 =	rddreg [dreg:$0xc];
	[sflag:s13] =	ssyncadd.s32 $0xFFFFFFB0  }
0xef: {  	[tilespmem:s8], [sflag:$0x7] =	stream.indirect.gather [hbm4b:s14+s15], $0x80, s2, s15, $0xb8;
	[tilespmem:$0x1B680] =	vst v63  }
0xf0: {  	s24 =	simm.s32 $0x100;
	s16 =	rddreg [dreg:$0xb];
	s12 =	sadd.s32 s4, s31  }
0xf1: {  	[tilespmem:s24], [sflag:$0x3] =	stream.linear.gather [hbm4b:s12+s2], $0x50, $0x38;
	[tilespmem:$0x1B680] =	vst v63  }
0xf2: {  	s29 =	simm.s32 $0x400;
	s9 =	sadd.s32 s4, s16;
	s16 =	simm.s32 @!p1 $0x9  }
0xf3: {  	[tilespmem:s29], [sflag:$0x3] =	stream.linear.gather [hbm4b:s9+s2], $0x50, $0x38;
	[tilespmem:$0x1B680] =	vst v63  }
0xf4: {  	s21 =	smov.u32 s17;
	_ =	swait.ge @!p1 [sflag:s16], $0x2800  }
0xf5: {  	s17 =	simm.s32 @!p1 $0xB;
	s25 =	simm.s32 @!p1 $0x580;
	[sflag:s16] =	ssyncset.done @!p1 $0x0  }
0xf6: {  	s12 =	simm.s32 @!p1 $0x5600;
	[sflag:s16] =	ssyncadd.s32 @!p1 $0xFFFFD800;
	s16 =	simm.s32 @!p1 $0x50  }
0xf7: {  	[spmem:s1] =	stream.indirect.scatter.add.f32 @!p1 [tilespmem:s12], [sflag:$0xC], $0x80, s25, s16, $0xb8;
	[tilespmem:$0x1B680] =	vst v63  }
0xf8: {  	_ =	swait.ge @!p1 [sflag:s17], $0x2800  }
0xf9: {  	[sflag:s17] =	ssyncset.done @!p1 $0x0  }
0xfa: {  	[sflag:s17] =	ssyncadd.s32 @!p1 $0xFFFFD800  }
0xfb: {  	_ =	swait.ge [sflag:s18], $0x50  }
0xfc: {  	[sflag:s18] =	ssyncset.done $0x0  }
0xfd: {  	[sflag:s18] =	ssyncadd.s32 $0xFFFFFFB0  }
0xfe: {  	_ =	swait.ge [sflag:s18], $0x50  }
0xff: {  	[sflag:s18] =	ssyncset.done $0x0  }
0x100: {  	s25 =	simm.s32 $0x80;
	s16 =	rddreg [dreg:$0xa];
	[sflag:s18] =	ssyncadd.s32 $0xFFFFFFB0  }
0x101: {  	[tilespmem:s19], [sflag:$0x8] =	stream.indirect.gather [hbm4b:s14+s15], $0x80, s25, s15, $0xb8;
	[tilespmem:$0x1B680] =	vst v63  }
0x102: {  	s9 =	simm.s32 $0x180;
	s31 =	rddreg [dreg:$0x9];
	s12 =	sadd.s32 s4, s16  }
0x103: {  	[tilespmem:s9], [sflag:$0x4] =	stream.linear.gather [hbm4b:s12+s2], $0x50, $0x38;
	[tilespmem:$0x1B680] =	vst v63  }
0x104: {  	s19 =	sadd.s32 s4, s31;
	s31 =	simm.s32 $0x480  }
0x105: {  	[tilespmem:s31], [sflag:$0x4] =	stream.linear.gather [hbm4b:s19+s2], $0x50, $0x38;
	[tilespmem:$0x1B680] =	vst v63  }
0x106: {  	_ =	swait.ge [sflag:s22], $0x2800  }
0x107: {  	s17 =	smov.u32 s21;
	[sflag:s22] =	ssyncset.done $0x0  }
0x108: {  	s21 =	simm.s32 $0x300;
	s12 =	simm.s32 @!p1 $0xC;
	[sflag:s22] =	ssyncadd.s32 $0xFFFFD800  }
0x109: {  	[spmem:s1] =	stream.indirect.scatter.add.f32 [tilespmem:s8], [sflag:$0xA], $0x80, s21, s15, $0xb8;
	[tilespmem:$0x1B680] =	vst v63  }
0x10a: {  	_ =	swait.ge @!p1 [sflag:s12], $0x2800  }
0x10b: {  	[sflag:s12] =	ssyncset.done @!p1 $0x0  }
0x10c: {  	[sflag:s12] =	ssyncadd.s32 @!p1 $0xFFFFD800  }
0x10d: {  	_ =	swait.ge [sflag:s23], $0x50  }
0x10e: {  	[sflag:s23] =	ssyncset.done $0x0  }
0x10f: {  	[sflag:s23] =	ssyncadd.s32 $0xFFFFFFB0  }
0x110: {  	_ =	swait.ge [sflag:s23], $0x50  }
0x111: {  	[sflag:s23] =	ssyncset.done $0x0  }
0x112: {  	s8 =	rddreg [dreg:$0x8];
	[sflag:s23] =	ssyncadd.s32 $0xFFFFFFB0  }
0x113: {  	[tilespmem:s6], [sflag:$0x9] =	stream.indirect.gather [hbm4b:s14+s15], $0x80, s24, s15, $0xb8;
	[tilespmem:$0x1B680] =	vst v63  }
0x114: {  	s16 =	rddreg [dreg:$0x7];
	s12 =	sadd.s32 s4, s8;
	s8 =	simm.s32 $0x200  }
0x115: {  	[tilespmem:s8], [sflag:$0x5] =	stream.linear.gather [hbm4b:s12+s2], $0x50, $0x38;
	[tilespmem:$0x1B680] =	vst v63  }
0x116: {  	s16 =	sadd.s32 s4, s16  }
0x117: {  	[tilespmem:s3], [sflag:$0x5] =	stream.linear.gather [hbm4b:s16+s2], $0x50, $0x38;
	[tilespmem:$0x1B680] =	vst v63  }
0x118: {  	_ =	swait.ge [sflag:s28], $0x2800  }
0x119: {  	[sflag:s28] =	ssyncset.done $0x0  }
0x11a: {  	s26 =	simm.s32 $0x380;
	s24 =	simm.s32 $0x2E00;
	[sflag:s28] =	ssyncadd.s32 $0xFFFFD800  }
0x11b: {  	[spmem:s1] =	stream.indirect.scatter.add.f32 [tilespmem:s24], [sflag:$0xB], $0x80, s26, s15, $0xb8;
	[tilespmem:$0x1B680] =	vst v63  }
0x11c: {  	s26 =	simm.s32 $0xA  }
0x11d: {  	_ =	swait.ge [sflag:s26], $0x2800  }
0x11e: {  	[sflag:s26] =	ssyncset.done $0x0  }
0x11f: {  	[sflag:s26] =	ssyncadd.s32 $0xFFFFD800  }
0x120: {  	_ =	swait.ge [sflag:s30], $0x50  }
0x121: {  	[sflag:s30] =	ssyncset.done $0x0  }
0x122: {  	[sflag:s30] =	ssyncadd.s32 $0xFFFFFFB0  }
0x123: {  	_ =	swait.ge [sflag:s30], $0x50  }
0x124: {  	[sflag:s30] =	ssyncset.done $0x0  }
0x125: {  	s19 =	simm.s32 $0x600;
	s24 =	rddreg [dreg:$0x6];
	[sflag:s30] =	ssyncadd.s32 $0xFFFFFFB0  }
0x126: {  	[tilespmem:s19], [sflag:$0x7] =	stream.indirect.gather [hbm4b:s14+s15], $0x80, s9, s15, $0xb8;
	[tilespmem:$0x1B680] =	vst v63  }
0x127: {  	s3 =	rddreg [dreg:$0x5];
	s12 =	sadd.s32 s4, s24;
	s9 =	simm.s32 $0x280  }
0x128: {  	[tilespmem:s9], [sflag:$0x6] =	stream.linear.gather [hbm4b:s12+s2], $0x50, $0x38;
	[tilespmem:$0x1B680] =	vst v63  }
0x129: {  	s16 =	sadd.s32 s4, s3;
	s24 =	simm.s32 $0x580  }
0x12a: {  	[tilespmem:s24], [sflag:$0x6] =	stream.linear.gather [hbm4b:s16+s2], $0x50, $0x38;
	[tilespmem:$0x1B680] =	vst v63  }
0x12b: {  	s16 =	simm.s32 $0x9  }
0x12c: {  	_ =	swait.ge [sflag:s16], $0x2800  }
0x12d: {  	[sflag:s16] =	ssyncset.done $0x0  }
0x12e: {  	s24 =	simm.s32 $0xB;
	[sflag:s16] =	ssyncadd.s32 $0xFFFFD800  }
0x12f: {  	[spmem:s1] =	stream.indirect.scatter.add.f32 [tilespmem:s6], [sflag:$0xC], $0x80, s29, s15, $0xb8;
	[tilespmem:$0x1B680] =	vst v63  }
0x130: {  	_ =	swait.ge [sflag:s24], $0x2800  }
0x131: {  	[sflag:s24] =	ssyncset.done $0x0  }
0x132: {  	[sflag:s24] =	ssyncadd.s32 $0xFFFFD800  }
0x133: {  	_ =	swait.ge [sflag:s7], $0x50  }
0x134: {  	[sflag:s7] =	ssyncset.done $0x0  }
0x135: {  	[sflag:s7] =	ssyncadd.s32 $0xFFFFFFB0  }
0x136: {  	_ =	swait.ge [sflag:s7], $0x50  }
0x137: {  	[sflag:s7] =	ssyncset.done $0x0  }
0x138: {  	s19 =	simm.s32 $0x2E00;
	s29 =	sshrl.u32 s5, $0x3;
	[sflag:s7] =	ssyncadd.s32 $0xFFFFFFB0  }
0x139: {  	[tilespmem:s19], [sflag:$0x8] =	stream.indirect.gather [hbm4b:s14+s15], $0x80, s8, s15, $0xb8;
	[tilespmem:$0x1B680] =	vst v63  }
0x13a: {  	s3 =	sadd.s32 s17, s29  }
0x13b: {  	[tilespmem:s2], [sflag:$0x1] =	stream.linear.gather [hbm4b:s3+s2], $0x50, $0x38;
	[tilespmem:$0x1B680] =	vst v63  }
0x13c: {  	s12 =	sadd.s32 s20, s29  }
0x13d: {  	[tilespmem:s21], [sflag:$0x1] =	stream.linear.gather [hbm4b:s12+s2], $0x50, $0x38;
	[tilespmem:$0x1B680] =	vst v63  }
0x13e: {  	_ =	swait.ge [sflag:s22], $0x2800  }
0x13f: {  	[sflag:s22] =	ssyncset.done $0x0  }
0x140: {  	s16 =	simm.s32 $0xC;
	s8 =	simm.s32 $0x600;
	[sflag:s22] =	ssyncadd.s32 $0xFFFFD800  }
0x141: {  	[spmem:s1] =	stream.indirect.scatter.add.f32 [tilespmem:s8], [sflag:$0xA], $0x80, s31, s15, $0xb8;
	[tilespmem:$0x1B680] =	vst v63  }
0x142: {  	_ =	swait.ge [sflag:s16], $0x2800  }
0x143: {  	[sflag:s16] =	ssyncset.done $0x0  }
0x144: {  	[sflag:s16] =	ssyncadd.s32 $0xFFFFD800  }
0x145: {  	_ =	swait.ge [sflag:s0], $0x50  }
0x146: {  	[sflag:s0] =	ssyncset.done $0x0  }
0x147: {  	[sflag:s0] =	ssyncadd.s32 $0xFFFFFFB0  }
0x148: {  	_ =	swait.ge [sflag:s0], $0x50  }
0x149: {  	s11 =	smov.u32 s10;
	[sflag:s0] =	ssyncset.done $0x0  }
0x14a: {  	s10 =	sadd.s32 $0x3C, s10;
	s24 =	rddreg [dreg:$0x4];
	[sflag:s0] =	ssyncadd.s32 $0xFFFFFFB0  }
0x14b: {  	[tilespmem:s6], [sflag:$0x9] =	stream.indirect.gather [hbm4b:s14+s15], $0x80, s9, s15, $0xb8;
	[tilespmem:$0x1B680] =	vst v63  }
0x14c: {  	p2 =	sne.s32 s10, $0x4B0;
	s29 =	rddreg [dreg:$0x3];
	s12 =	sadd.s32 s4, s24  }
0x14d: {  	[tilespmem:s25], [sflag:$0x2] =	stream.linear.gather [hbm4b:s12+s2], $0x50, $0x38;
	[tilespmem:$0x1B680] =	vst v63  }
.Ltmp1:
0x14e: {  	s16 =	simm.s32 $0x380;
	s31 =	sadd.s32 s4, s29;
	(pc) =	sbr.rel @p2 .LBB2_4-.Ltmp1, $4  }
0x14f: {  	[tilespmem:s16], [sflag:$0x2] =	stream.linear.gather [hbm4b:s31+s2], $0x50, $0x38;
	[tilespmem:$0x1B680] =	vst v63  }
0x150: {  	p3 =	seq.s32 s11, $0x0;
	_ =	swait.ge [sflag:s28], $0x2800  }
0x151: {  	p1 =	por p3, p3;
	[sflag:s28] =	ssyncset.done $0x0  }
0x152: {  	s5 =	sadd.s32 $0x1E0, s5;
	s4 =	smov.u32 s11;
	[sflag:s28] =	ssyncadd.s32 $0xFFFFD800  }
0x153: {  	s3 =	simm.s32 $0x500;
	s10 =	simm.s32 @!p1 $0xA  }
0x154: {  	[spmem:s1] =	stream.indirect.scatter.add.f32 [tilespmem:s19], [sflag:$0xB], $0x80, s3, s15, $0xb8;
	[tilespmem:$0x1B680] =	vst v63  }
0x155: {  	_ =	swait.ge @!p1 [sflag:s10], $0x2800  }
0x156: {  	[sflag:s10] =	ssyncset.done @!p1 $0x0  }
0x157: {  	[sflag:s10] =	ssyncadd.s32 @!p1 $0xFFFFD800  }
0x158: {  	_ =	swait.ge [sflag:s13], $0x50  }
0x159: {  	[sflag:s13] =	ssyncset.done $0x0  }
0x15a: {  	[sflag:s13] =	ssyncadd.s32 $0xFFFFFFB0  }
0x15b: {  	_ =	swait.ge [sflag:s13], $0x50  }
0x15c: {  	[sflag:s13] =	ssyncset.done $0x0  }
0x15d: {  	s24 =	rddreg [dreg:$0xc];
	[sflag:s13] =	ssyncadd.s32 $0xFFFFFFB0  }
0x15e: {  	[tilespmem:s8], [sflag:$0x7] =	stream.indirect.gather [hbm4b:s14+s15], $0x80, s2, s15, $0xb8;
	[tilespmem:$0x1B680] =	vst v63  }
0x15f: {  	s9 =	simm.s32 $0x100;
	s11 =	rddreg [dreg:$0xb];
	s10 =	sadd.s32 s4, s24  }
0x160: {  	[tilespmem:s9], [sflag:$0x3] =	stream.linear.gather [hbm4b:s10+s2], $0x50, $0x38;
	[tilespmem:$0x1B680] =	vst v63  }
0x161: {  	s12 =	simm.s32 $0x400;
	s9 =	sadd.s32 s4, s11;
	s11 =	simm.s32 @!p1 $0x9  }
0x162: {  	[tilespmem:s12], [sflag:$0x3] =	stream.linear.gather [hbm4b:s9+s2], $0x50, $0x38;
	[tilespmem:$0x1B680] =	vst v63  }
0x163: {  	_ =	swait.ge @!p1 [sflag:s11], $0x2800  }
0x164: {  	s10 =	simm.s32 @!p1 $0x5600;
	[sflag:s11] =	ssyncset.done @!p1 $0x0  }
0x165: {  	s12 =	simm.s32 @!p1 $0x580;
	[sflag:s11] =	ssyncadd.s32 @!p1 $0xFFFFD800;
	s11 =	simm.s32 @!p1 $0x50  }
0x166: {  	[spmem:s1] =	stream.indirect.scatter.add.f32 @!p1 [tilespmem:s10], [sflag:$0xC], $0x80, s12, s11, $0xb8;
	[tilespmem:$0x1B680] =	vst v63  }
0x167: {  	s10 =	simm.s32 @!p1 $0xB  }
0x168: {  	_ =	swait.ge @!p1 [sflag:s10], $0x2800  }
0x169: {  	[sflag:s10] =	ssyncset.done @!p1 $0x0  }
0x16a: {  	[sflag:s10] =	ssyncadd.s32 @!p1 $0xFFFFD800  }
0x16b: {  	_ =	swait.ge [sflag:s18], $0x50  }
0x16c: {  	[sflag:s18] =	ssyncset.done $0x0  }
0x16d: {  	[sflag:s18] =	ssyncadd.s32 $0xFFFFFFB0  }
0x16e: {  	_ =	swait.ge [sflag:s18], $0x50  }
0x16f: {  	[sflag:s18] =	ssyncset.done $0x0  }
0x170: {  	s11 =	rddreg [dreg:$0xa];
	[sflag:s18] =	ssyncadd.s32 $0xFFFFFFB0  }
0x171: {  	[tilespmem:s19], [sflag:$0x8] =	stream.indirect.gather [hbm4b:s14+s15], $0x80, s25, s15, $0xb8;
	[tilespmem:$0x1B680] =	vst v63  }
0x172: {  	s31 =	simm.s32 $0x180;
	s12 =	rddreg [dreg:$0x9];
	s10 =	sadd.s32 s4, s11  }
0x173: {  	[tilespmem:s31], [sflag:$0x4] =	stream.linear.gather [hbm4b:s10+s2], $0x50, $0x38;
	[tilespmem:$0x1B680] =	vst v63  }
0x174: {  	s9 =	sadd.s32 s4, s12;
	s11 =	simm.s32 $0x480  }
0x175: {  	[tilespmem:s11], [sflag:$0x4] =	stream.linear.gather [hbm4b:s9+s2], $0x50, $0x38;
	[tilespmem:$0x1B680] =	vst v63  }
0x176: {  	_ =	swait.ge [sflag:s22], $0x2800  }
0x177: {  	[sflag:s22] =	ssyncset.done $0x0  }
0x178: {  	s10 =	simm.s32 @!p1 $0xC;
	[sflag:s22] =	ssyncadd.s32 $0xFFFFD800  }
0x179: {  	[spmem:s1] =	stream.indirect.scatter.add.f32 [tilespmem:s8], [sflag:$0xA], $0x80, s21, s15, $0xb8;
	[tilespmem:$0x1B680] =	vst v63  }
0x17a: {  	_ =	swait.ge @!p1 [sflag:s10], $0x2800  }
0x17b: {  	[sflag:s10] =	ssyncset.done @!p1 $0x0  }
0x17c: {  	[sflag:s10] =	ssyncadd.s32 @!p1 $0xFFFFD800  }
0x17d: {  	_ =	swait.ge [sflag:s23], $0x50  }
0x17e: {  	[sflag:s23] =	ssyncset.done $0x0  }
0x17f: {  	[sflag:s23] =	ssyncadd.s32 $0xFFFFFFB0  }
0x180: {  	_ =	swait.ge [sflag:s23], $0x50  }
0x181: {  	[sflag:s23] =	ssyncset.done $0x0  }
0x182: {  	s24 =	simm.s32 $0x100;
	s12 =	rddreg [dreg:$0x8];
	[sflag:s23] =	ssyncadd.s32 $0xFFFFFFB0  }
0x183: {  	[tilespmem:s6], [sflag:$0x9] =	stream.indirect.gather [hbm4b:s14+s15], $0x80, s24, s15, $0xb8;
	[tilespmem:$0x1B680] =	vst v63  }
0x184: {  	s9 =	rddreg [dreg:$0x7];
	s10 =	sadd.s32 s4, s12;
	s12 =	simm.s32 $0x200  }
0x185: {  	[tilespmem:s12], [sflag:$0x5] =	stream.linear.gather [hbm4b:s10+s2], $0x50, $0x38;
	[tilespmem:$0x1B680] =	vst v63  }
0x186: {  	s3 =	simm.s32 $0x500;
	s9 =	sadd.s32 s4, s9  }
0x187: {  	[tilespmem:s3], [sflag:$0x5] =	stream.linear.gather [hbm4b:s9+s2], $0x50, $0x38;
	[tilespmem:$0x1B680] =	vst v63  }
0x188: {  	_ =	swait.ge [sflag:s28], $0x2800  }
0x189: {  	[sflag:s28] =	ssyncset.done $0x0  }
0x18a: {  	[sflag:s28] =	ssyncadd.s32 $0xFFFFD800  }
0x18b: {  	[spmem:s1] =	stream.indirect.scatter.add.f32 [tilespmem:s19], [sflag:$0xB], $0x80, s16, s15, $0xb8;
	[tilespmem:$0x1B680] =	vst v63  }
0x18c: {  	_ =	swait.ge [sflag:s26], $0x2800  }
0x18d: {  	[sflag:s26] =	ssyncset.done $0x0  }
0x18e: {  	[sflag:s26] =	ssyncadd.s32 $0xFFFFD800  }
0x18f: {  	_ =	swait.ge [sflag:s30], $0x50  }
0x190: {  	[sflag:s30] =	ssyncset.done $0x0  }
0x191: {  	[sflag:s30] =	ssyncadd.s32 $0xFFFFFFB0  }
0x192: {  	_ =	swait.ge [sflag:s30], $0x50  }
0x193: {  	[sflag:s30] =	ssyncset.done $0x0  }
0x194: {  	s11 =	rddreg [dreg:$0x6];
	[sflag:s30] =	ssyncadd.s32 $0xFFFFFFB0  }
0x195: {  	[tilespmem:s8], [sflag:$0x7] =	stream.indirect.gather [hbm4b:s14+s15], $0x80, s31, s15, $0xb8;
	[tilespmem:$0x1B680] =	vst v63  }
0x196: {  	s3 =	simm.s32 $0x280;
	s24 =	rddreg [dreg:$0x5];
	s10 =	sadd.s32 s4, s11  }
0x197: {  	[tilespmem:s3], [sflag:$0x6] =	stream.linear.gather [hbm4b:s10+s2], $0x50, $0x38;
	[tilespmem:$0x1B680] =	vst v63  }
0x198: {  	s9 =	sadd.s32 s4, s24;
	s24 =	simm.s32 $0x580  }
0x199: {  	[tilespmem:s24], [sflag:$0x6] =	stream.linear.gather [hbm4b:s9+s2], $0x50, $0x38;
	[tilespmem:$0x1B680] =	vst v63  }
0x19a: {  	s9 =	simm.s32 $0x9  }
0x19b: {  	_ =	swait.ge [sflag:s9], $0x2800  }
0x19c: {  	[sflag:s9] =	ssyncset.done $0x0  }
0x19d: {  	s11 =	simm.s32 $0x400;
	[sflag:s9] =	ssyncadd.s32 $0xFFFFD800  }
0x19e: {  	[spmem:s1] =	stream.indirect.scatter.add.f32 [tilespmem:s6], [sflag:$0xC], $0x80, s11, s15, $0xb8;
	[tilespmem:$0x1B680] =	vst v63  }
0x19f: {  	s11 =	simm.s32 $0xB  }
0x1a0: {  	_ =	swait.ge [sflag:s11], $0x2800  }
0x1a1: {  	[sflag:s11] =	ssyncset.done $0x0  }
0x1a2: {  	[sflag:s11] =	ssyncadd.s32 $0xFFFFD800  }
0x1a3: {  	_ =	swait.ge [sflag:s7], $0x50  }
0x1a4: {  	[sflag:s7] =	ssyncset.done $0x0  }
0x1a5: {  	[sflag:s7] =	ssyncadd.s32 $0xFFFFFFB0  }
0x1a6: {  	_ =	swait.ge [sflag:s7], $0x50  }
0x1a7: {  	[sflag:s7] =	ssyncset.done $0x0  }
0x1a8: {  	s5 =	sshrl.u32 s5, $0x3;
	[sflag:s7] =	ssyncadd.s32 $0xFFFFFFB0  }
0x1a9: {  	[tilespmem:s19], [sflag:$0x8] =	stream.indirect.gather [hbm4b:s14+s15], $0x80, s12, s15, $0xb8;
	[tilespmem:$0x1B680] =	vst v63  }
0x1aa: {  	s10 =	sadd.s32 s17, s5  }
0x1ab: {  	[tilespmem:s2], [sflag:$0x1] =	stream.linear.gather [hbm4b:s10+s2], $0x50, $0x38;
	[tilespmem:$0x1B680] =	vst v63  }
0x1ac: {  	s5 =	sadd.s32 s20, s5  }
0x1ad: {  	[tilespmem:s21], [sflag:$0x1] =	stream.linear.gather [hbm4b:s5+s2], $0x50, $0x38;
	[tilespmem:$0x1B680] =	vst v63  }
0x1ae: {  	_ =	swait.ge [sflag:s22], $0x2800  }
0x1af: {  	[sflag:s22] =	ssyncset.done $0x0  }
0x1b0: {  	s29 =	simm.s32 $0x480;
	[sflag:s22] =	ssyncadd.s32 $0xFFFFD800  }
0x1b1: {  	[spmem:s1] =	stream.indirect.scatter.add.f32 [tilespmem:s8], [sflag:$0xA], $0x80, s29, s15, $0xb8;
	[tilespmem:$0x1B680] =	vst v63  }
0x1b2: {  	s29 =	simm.s32 $0xC  }
0x1b3: {  	_ =	swait.ge [sflag:s29], $0x2800  }
0x1b4: {  	[sflag:s29] =	ssyncset.done $0x0  }
0x1b5: {  	[sflag:s29] =	ssyncadd.s32 $0xFFFFD800  }
0x1b6: {  	_ =	swait.ge [sflag:s0], $0x50  }
0x1b7: {  	[sflag:s0] =	ssyncset.done $0x0  }
0x1b8: {  	[sflag:s0] =	ssyncadd.s32 $0xFFFFFFB0  }
0x1b9: {  	_ =	swait.ge [sflag:s0], $0x50  }
0x1ba: {  	[sflag:s0] =	ssyncset.done $0x0  }
0x1bb: {  	s5 =	rddreg [dreg:$0x4];
	[sflag:s0] =	ssyncadd.s32 $0xFFFFFFB0  }
0x1bc: {  	[tilespmem:s6], [sflag:$0x9] =	stream.indirect.gather [hbm4b:s14+s15], $0x80, s3, s15, $0xb8;
	[tilespmem:$0x1B680] =	vst v63  }
0x1bd: {  	s10 =	rddreg [dreg:$0x3];
	s5 =	sadd.s32 s4, s5  }
0x1be: {  	[tilespmem:s25], [sflag:$0x2] =	stream.linear.gather [hbm4b:s5+s2], $0x50, $0x38;
	[tilespmem:$0x1B680] =	vst v63  }
0x1bf: {  	s3 =	sadd.s32 s4, s10  }
0x1c0: {  	[tilespmem:s16], [sflag:$0x2] =	stream.linear.gather [hbm4b:s3+s2], $0x50, $0x38;
	[tilespmem:$0x1B680] =	vst v63  }
0x1c1: {  	_ =	swait.ge [sflag:s28], $0x2800  }
0x1c2: {  	[sflag:s28] =	ssyncset.done $0x0  }
0x1c3: {  	s3 =	simm.s32 $0x500;
	[sflag:s28] =	ssyncadd.s32 $0xFFFFD800  }
0x1c4: {  	[spmem:s1] =	stream.indirect.scatter.add.f32 [tilespmem:s19], [sflag:$0xB], $0x80, s3, s15, $0xb8;
	[tilespmem:$0x1B680] =	vst v63  }
0x1c5: {  	_ =	swait.ge [sflag:s26], $0x2800  }
0x1c6: {  	[sflag:s26] =	ssyncset.done $0x0  }
0x1c7: {  	[sflag:s26] =	ssyncadd.s32 $0xFFFFD800  }
0x1c8: {  	_ =	swait.ge [sflag:s13], $0x50  }
0x1c9: {  	[sflag:s13] =	ssyncset.done $0x0  }
0x1ca: {  	[sflag:s13] =	ssyncadd.s32 $0xFFFFFFB0  }
0x1cb: {  	_ =	swait.ge [sflag:s13], $0x50  }
0x1cc: {  	[sflag:s13] =	ssyncset.done $0x0  }
0x1cd: {  	[sflag:s13] =	ssyncadd.s32 $0xFFFFFFB0  }
0x1ce: {  	[tilespmem:s8], [sflag:$0x7] =	stream.indirect.gather [hbm4b:s14+s15], $0x80, s2, s15, $0xb8;
	[tilespmem:$0x1B680] =	vst v63  }
0x1cf: {  	s10 =	simm.s32 $0x100;
	s5 =	rddreg [dreg:$0x17]  }
0x1d0: {  	[tilespmem:s10], [sflag:$0x3] =	stream.linear.gather [hbm4b:s5+s2], $0x50, $0x38;
	[tilespmem:$0x1B680] =	vst v63  }
0x1d1: {  	s4 =	rddreg [dreg:$0x18];
	s5 =	simm.s32 $0x400  }
0x1d2: {  	[tilespmem:s5], [sflag:$0x3] =	stream.linear.gather [hbm4b:s4+s2], $0x50, $0x38;
	[tilespmem:$0x1B680] =	vst v63  }
0x1d3: {  	_ =	swait.ge [sflag:s9], $0x2800  }
0x1d4: {  	[sflag:s9] =	ssyncset.done $0x0  }
0x1d5: {  	[sflag:s9] =	ssyncadd.s32 $0xFFFFD800  }
0x1d6: {  	[spmem:s1] =	stream.indirect.scatter.add.f32 [tilespmem:s6], [sflag:$0xC], $0x80, s24, s15, $0xb8;
	[tilespmem:$0x1B680] =	vst v63  }
0x1d7: {  	_ =	swait.ge [sflag:s11], $0x2800  }
0x1d8: {  	[sflag:s11] =	ssyncset.done $0x0  }
0x1d9: {  	[sflag:s11] =	ssyncadd.s32 $0xFFFFD800  }
0x1da: {  	_ =	swait.ge [sflag:s18], $0x50  }
0x1db: {  	[sflag:s18] =	ssyncset.done $0x0  }
0x1dc: {  	[sflag:s18] =	ssyncadd.s32 $0xFFFFFFB0  }
0x1dd: {  	_ =	swait.ge [sflag:s18], $0x50  }
0x1de: {  	[sflag:s18] =	ssyncset.done $0x0  }
0x1df: {  	[sflag:s18] =	ssyncadd.s32 $0xFFFFFFB0  }
0x1e0: {  	[tilespmem:s19], [sflag:$0x8] =	stream.indirect.gather [hbm4b:s14+s15], $0x80, s25, s15, $0xb8;
	[tilespmem:$0x1B680] =	vst v63  }
0x1e1: {  	s24 =	rddreg [dreg:$0x1b]  }
0x1e2: {  	[tilespmem:s31], [sflag:$0x4] =	stream.linear.gather [hbm4b:s24+s2], $0x50, $0x38;
	[tilespmem:$0x1B680] =	vst v63  }
0x1e3: {  	s25 =	rddreg [dreg:$0x1c];
	s24 =	simm.s32 $0x480  }
0x1e4: {  	[tilespmem:s24], [sflag:$0x4] =	stream.linear.gather [hbm4b:s25+s2], $0x50, $0x38;
	[tilespmem:$0x1B680] =	vst v63  }
0x1e5: {  	_ =	swait.ge [sflag:s22], $0x2800  }
0x1e6: {  	[sflag:s22] =	ssyncset.done $0x0  }
0x1e7: {  	[sflag:s22] =	ssyncadd.s32 $0xFFFFD800  }
0x1e8: {  	[spmem:s1] =	stream.indirect.scatter.add.f32 [tilespmem:s8], [sflag:$0xA], $0x80, s21, s15, $0xb8;
	[tilespmem:$0x1B680] =	vst v63  }
0x1e9: {  	_ =	swait.ge [sflag:s29], $0x2800  }
0x1ea: {  	[sflag:s29] =	ssyncset.done $0x0  }
0x1eb: {  	[sflag:s29] =	ssyncadd.s32 $0xFFFFD800  }
0x1ec: {  	_ =	swait.ge [sflag:s23], $0x50  }
0x1ed: {  	[sflag:s23] =	ssyncset.done $0x0  }
0x1ee: {  	[sflag:s23] =	ssyncadd.s32 $0xFFFFFFB0  }
0x1ef: {  	_ =	swait.ge [sflag:s23], $0x50  }
0x1f0: {  	[sflag:s23] =	ssyncset.done $0x0  }
0x1f1: {  	[sflag:s23] =	ssyncadd.s32 $0xFFFFFFB0  }
0x1f2: {  	[tilespmem:s6], [sflag:$0x9] =	stream.indirect.gather [hbm4b:s14+s15], $0x80, s10, s15, $0xb8;
	[tilespmem:$0x1B680] =	vst v63  }
0x1f3: {  	s21 =	rddreg [dreg:$0x1d]  }
0x1f4: {  	[tilespmem:s12], [sflag:$0x5] =	stream.linear.gather [hbm4b:s21+s2], $0x50, $0x38;
	[tilespmem:$0x1B680] =	vst v63  }
0x1f5: {  	s25 =	rddreg [dreg:$0x1e]  }
0x1f6: {  	[tilespmem:s3], [sflag:$0x5] =	stream.linear.gather [hbm4b:s25+s2], $0x50, $0x38;
	[tilespmem:$0x1B680] =	vst v63  }
0x1f7: {  	_ =	swait.ge [sflag:s28], $0x2800  }
0x1f8: {  	[sflag:s28] =	ssyncset.done $0x0  }
0x1f9: {  	[sflag:s28] =	ssyncadd.s32 $0xFFFFD800  }
0x1fa: {  	[spmem:s1] =	stream.indirect.scatter.add.f32 [tilespmem:s19], [sflag:$0xB], $0x80, s16, s15, $0xb8;
	[tilespmem:$0x1B680] =	vst v63  }
0x1fb: {  	_ =	swait.ge [sflag:s26], $0x2800  }
0x1fc: {  	[sflag:s26] =	ssyncset.done $0x0  }
0x1fd: {  	[sflag:s26] =	ssyncadd.s32 $0xFFFFD800  }
0x1fe: {  	_ =	swait.ge [sflag:s30], $0x50  }
0x1ff: {  	[sflag:s30] =	ssyncset.done $0x0  }
0x200: {  	[sflag:s30] =	ssyncadd.s32 $0xFFFFFFB0  }
0x201: {  	_ =	swait.ge [sflag:s30], $0x50  }
0x202: {  	[sflag:s30] =	ssyncset.done $0x0  }
0x203: {  	[sflag:s30] =	ssyncadd.s32 $0xFFFFFFB0  }
0x204: {  	[tilespmem:s8], [sflag:$0x7] =	stream.indirect.gather [hbm4b:s14+s15], $0x80, s31, s15, $0xb8;
	[tilespmem:$0x1B680] =	vst v63  }
0x205: {  	_ =	swait.ge [sflag:s9], $0x2800  }
0x206: {  	[sflag:s9] =	ssyncset.done $0x0  }
0x207: {  	[sflag:s9] =	ssyncadd.s32 $0xFFFFD800  }
0x208: {  	[spmem:s1] =	stream.indirect.scatter.add.f32 [tilespmem:s6], [sflag:$0xC], $0x80, s5, s15, $0xb8;
	[tilespmem:$0x1B680] =	vst v63  }
0x209: {  	_ =	swait.ge [sflag:s11], $0x2800  }
0x20a: {  	[sflag:s11] =	ssyncset.done $0x0  }
0x20b: {  	[sflag:s11] =	ssyncadd.s32 $0xFFFFD800  }
0x20c: {  	_ =	swait.ge [sflag:s7], $0x50  }
0x20d: {  	[sflag:s7] =	ssyncset.done $0x0  }
0x20e: {  	[sflag:s7] =	ssyncadd.s32 $0xFFFFFFB0  }
0x20f: {  	_ =	swait.ge [sflag:s7], $0x50  }
0x210: {  	[sflag:s7] =	ssyncset.done $0x0  }
0x211: {  	[sflag:s7] =	ssyncadd.s32 $0xFFFFFFB0  }
0x212: {  	[tilespmem:s19], [sflag:$0x8] =	stream.indirect.gather [hbm4b:s14+s15], $0x80, s12, s15, $0xb8;
	[tilespmem:$0x1B680] =	vst v63  }
0x213: {  	_ =	swait.ge [sflag:s22], $0x2800  }
0x214: {  	[sflag:s22] =	ssyncset.done $0x0  }
0x215: {  	[sflag:s22] =	ssyncadd.s32 $0xFFFFD800  }
0x216: {  	[spmem:s1] =	stream.indirect.scatter.add.f32 [tilespmem:s8], [sflag:$0xA], $0x80, s24, s15, $0xb8;
	[tilespmem:$0x1B680] =	vst v63  }
0x217: {  	_ =	swait.ge [sflag:s28], $0x2800  }
0x218: {  	[sflag:s28] =	ssyncset.done $0x0  }
0x219: {  	s10 =	simm.s32 $0x500;
	[sflag:s28] =	ssyncadd.s32 $0xFFFFD800  }
0x21a: {  	[spmem:s1] =	stream.indirect.scatter.add.f32 [tilespmem:s19], [sflag:$0xB], $0x80, s10, s15, $0xb8;
	[tilespmem:$0x1B680] =	vst v63  }
0x21b: {  	_ =	swait.ge [sflag:s26], $0x2800  }
0x21c: {  	[sflag:s26] =	ssyncset.done $0x0  }
0x21d: {  	[sflag:s26] =	ssyncadd.s32 $0xFFFFD800  }
0x21e: {  	_ =	swait.ge [sflag:s11], $0x2800  }
0x21f: {  	[sflag:s11] =	ssyncset.done $0x0  }
0x220: {  	[sflag:s11] =	ssyncadd.s32 $0xFFFFD800  }
0x221: {  	_ =	swait.ge [sflag:s29], $0x2800  }
0x222: {  	[sflag:s29] =	ssyncset.done $0x0  }
0x223: {  	[sflag:s29] =	ssyncadd.s32 $0xFFFFD800  }
0x224: {  	s12 =	stileid.u32;
	[bflag:$0x0] =	sbarrier.arrive $0xFFFF  }
0x225: {  	s4 =	sshll.u32 s12, $0x6;
	s12 =	sld [smem:$0x7FA];
	_ =	sdelay $0x1  }
0x226: {  	s4 =	sor.u32 $0x1C0D, s4  }
0x227: {  	s11 =	simm.s32 $0xD;
	s21 =	rddreg [dreg:$0xd];
	s16 =	sshrl.u32 s12, $0x3  }
0x228: {  	[hbm:s21], [sflag:s4] =	dma.local [spmem:s16], $0x500  }
0x229: {  	_ =	swait.ge [sflag:s11], $0x500  }
0x22a: {  	s16 =	sld [smem:$0x7FB];
	_ =	sdelay $0x1  }
0x22b: {  	[sflag:s11] =	ssyncset.done $0x0  }
0x22c: {  	s25 =	rddreg [dreg:$0xe];
	[sflag:s11] =	ssyncadd.s32 $0xFFFFFB00;
	s24 =	sshrl.u32 s16, $0x3  }
0x22d: {  	[hbm:s25], [sflag:s4] =	dma.local [spmem:s24], $0x500  }
0x22e: {  	_ =	swait.ge [sflag:s11], $0x500  }
0x22f: {  	s21 =	sld [smem:$0x7FC];
	_ =	sdelay $0x1  }
0x230: {  	[sflag:s11] =	ssyncset.done $0x0  }
0x231: {  	s3 =	rddreg [dreg:$0xf];
	[sflag:s11] =	ssyncadd.s32 $0xFFFFFB00;
	s26 =	sshrl.u32 s21, $0x3  }
0x232: {  	[hbm:s3], [sflag:s4] =	dma.local [spmem:s26], $0x500  }
0x233: {  	_ =	swait.ge [sflag:s11], $0x500  }
0x234: {  	s25 =	sld [smem:$0x7FD];
	_ =	sdelay $0x1  }
0x235: {  	[sflag:s11] =	ssyncset.done $0x0  }
0x236: {  	s9 =	rddreg [dreg:$0x10];
	[sflag:s11] =	ssyncadd.s32 $0xFFFFFB00;
	s6 =	sshrl.u32 s25, $0x3  }
0x237: {  	[hbm:s9], [sflag:s4] =	dma.local [spmem:s6], $0x500  }
0x238: {  	_ =	swait.ge [sflag:s11], $0x500  }
0x239: {  	s10 =	sld [smem:$0x7F5];
	_ =	sdelay $0x1  }
0x23a: {  	[sflag:s11] =	ssyncset.done $0x0  }
0x23b: {  	s24 =	rddreg [dreg:$0x11];
	[sflag:s11] =	ssyncadd.s32 $0xFFFFFB00;
	s5 =	sshrl.u32 s10, $0x3  }
0x23c: {  	[hbm:s24], [sflag:s4] =	dma.local [spmem:s5], $0x500  }
0x23d: {  	_ =	swait.ge [sflag:s11], $0x500  }
0x23e: {  	s26 =	sld [smem:$0x7F6];
	_ =	sdelay $0x1  }
0x23f: {  	[sflag:s11] =	ssyncset.done $0x0  }
0x240: {  	s3 =	rddreg [dreg:$0x12];
	[sflag:s11] =	ssyncadd.s32 $0xFFFFFB00;
	s5 =	sshrl.u32 s26, $0x3  }
0x241: {  	[hbm:s3], [sflag:s4] =	dma.local [spmem:s5], $0x500  }
0x242: {  	_ =	swait.ge [sflag:s11], $0x500  }
0x243: {  	s6 =	sld [smem:$0x7F7];
	_ =	sdelay $0x1  }
0x244: {  	[sflag:s11] =	ssyncset.done $0x0  }
0x245: {  	s9 =	rddreg [dreg:$0x13];
	[sflag:s11] =	ssyncadd.s32 $0xFFFFFB00;
	s5 =	sshrl.u32 s6, $0x3  }
0x246: {  	[hbm:s9], [sflag:s4] =	dma.local [spmem:s5], $0x500  }
0x247: {  	_ =	swait.ge [sflag:s11], $0x500  }
0x248: {  	s5 =	sld [smem:$0x7F8];
	_ =	sdelay $0x1  }
0x249: {  	[sflag:s11] =	ssyncset.done $0x0  }
0x24a: {  	s10 =	rddreg [dreg:$0x14];
	[sflag:s11] =	ssyncadd.s32 $0xFFFFFB00;
	s5 =	sshrl.u32 @!p0 s5, $0x3  }
0x24b: {  	[hbm:s10], [sflag:s4] =	dma.local @!p0 [spmem:s5], $0x500  }
0x24c: {  	s4 =	simm.s32 @!p0 $0xD  }
0x24d: {  	_ =	swait.ge @!p0 [sflag:s4], $0x500  }
0x24e: {  	s24 =	sld [smem:$0x7F4];
	_ =	sdelay $0x2  }
0x24f: {  	s26 =	rddreg [dreg:$0x1f];
	s9 =	sadd.s32 $0x1, s24  }
0x250: {  	p1 =	sne.s32 s9, s26  }
.Ltmp2:
0x251: {  	_ = 	snop;
	(pc) =	sbr.rel @p1 .LBB2_1-.Ltmp2, $4  }
0x252: {  	_ = 	snop  }
0x253: {  	s31 =	simm.s32 $0x200;
	s29 =	simm.s32 $0x180  }
0x254: {  	s3 =	simm.s32 $0x500;
	s6 =	simm.s32 $0x5600;
	[sflag:s4] =	ssyncset.done @!p0 $0x0  }
0x255: {  	[sflag:s4] =	ssyncadd.s32 @!p0 $0xFFFFFB00;
	s24 =	simm.s32 $0x400;
	s26 =	simm.s32 $0x100  }
0x256: {  	_ =	sfence.sel $0x180000  }
0x257: {  	[bflag:$0x0] =	sbarrier.arrive $0xFFFF  }
0x258: {  	_ =	strace $0x9000004A  }
0x259: {  	s0 =	stileid.u32;
	[bflag:$0x2] =	sbarrier.arrive $0xFFFF  }
0x25a: {  	p0 =	sne.s32 s0, $0x0;
	s0 =	rddreg [dreg:$0x2]  }
0x25b: {  	s0 =	sadd.s32 @!p0 $0x100000, s0  }
0x25c: {  	[sflag:s0] =	ssyncadd.tile.s32 @!p0 $0x1;
	_ =	shalt  }
.Lfunc_end2:
_tile_overlayer_lowered:
.L_overlay_start_2:
0x25d: {  	(tag) =	ssettag $0x2  }
0x25e: {  	s0 =	rddreg [dreg:$0x0];
	s2 =	stileid.u32  }
0x25f: {  	s1 =	rddreg [dreg:$0x1];
	p0 =	sne.s32 s2, $0x0  }
0x260: {  	s3 =	rddreg [dreg:$0x2];
	[bflag:$0x3] =	sbarrier.arrive $0xFFFF;
	s2 =	simm.s32 @!p0 $0x1C0D  }
0x261: {  	[timem:s3], [sflag:s2] =	dma.local @!p0 [hbm:s0], s1  }
0x262: {  	s0 =	simm.s32 @!p0 $0xD  }
0x263: {  	_ =	swait.ge @!p0 [sflag:s0], s1  }
0x264: {  	s1 =	ssub.s32 @!p0 $0x0, s1;
	[sflag:s0] =	ssyncset.done @!p0 $0x0  }
0x265: {  	[sflag:s0] =	ssyncadd.s32 @!p0 s1  }
0x266: {  	[bflag:$0x3] =	sbarrier.arrive $0xFFFF  }
0x267: {  	_ =	shalt  }

// kernel: kernel.14.cloned.1.call-start
scs
__scs_entry_jumppad:
0x0: {  	(pc) =	sbr.rel $0x88, $3  }
0x1: {  	(tag) =	ssettag $0x0;
	lr =	simm.s32 $0x1  }
0x2: {  	[smem:$0x3F9B] =	sst lr;
	_ =	strace $0xD0000000  }
0x3: {  	_ = 	snop  }
0x4: {  	_ = 	snop  }
0x5: {  	_ = 	snop  }
0x6: {  	_ = 	snop  }
0x7: {  	_ = 	snop  }
__scs_overlays_trampoline_lowered:
0x8: {  	[smem:$0x3FAA] =	sst s0  }
0x9: {  	[smem:$0x3FAB] =	sst s1  }
0xa: {  	[smem:$0x3FAC] =	sst s2  }
0xb: {  	[smem:$0x3FAD] =	sst s3  }
0xc: {  	[smem:$0x3FAE] =	sst s4  }
0xd: {  	[smem:$0x3FAF] =	sst s5  }
0xe: {  	[smem:$0x3FB0] =	sst s6  }
0xf: {  	[smem:$0x3FB1] =	sst s7  }
0x10: {  	[smem:$0x3FB2] =	sst s8  }
0x11: {  	[smem:$0x3FB3] =	sst s9;
	s0 =	simm.s32 @!p0 $0x0  }
0x12: {  	s1 =	sld [smem:$0x3F99];
	s0 =	simm.s32 @p0 $0x1  }
0x13: {  	[smem:$0x3FB4] =	sst s0;
	s0 =	simm.s32 @!p1 $0x0  }
0x14: {  	s2 =	sld [smem:$0x3F98];
	s0 =	simm.s32 @p1 $0x1  }
0x15: {  	[smem:$0x3FB5] =	sst s0;
	s0 =	simm.s32 @!p2 $0x0  }
0x16: {  	s3 =	sld [smem:$0x3FDB];
	s0 =	simm.s32 @p2 $0x1  }
0x17: {  	s4 =	simm.s32 $0x1BF5;
	[smem:$0x3FB7] =	sst s0  }
0x18: {  	s0 =	sld [smem:$0x3F9A];
	_ =	swait.ge [sflag:s4], $0x0  }
0x19: {  	s7 =	sld [smem:$0x3F9B]  }
0x1a: {  	s8 =	sadd.s32 $0xFFFFE003, lr  }
0x1b: {  	s9 =	sadd.s32 $0xFFFFFEF7, lr;
	s5 =	simm.s32 $0xFFFFFFFF;
	p2 =	slt.u32 s8, $0xFFFFF086  }
0x1c: {  	p1 =	slt.u32 s9, $0xF7A;
	s5 =	simm.s32 @!p2 $0x0  }
0x1d: {  	s5 =	simm.s32 @p1 $0x1;
	p0 =	seq.s32 s7, s2  }
0x1e: {  	s7 =	smul.u32 @!p0 $0xF7A, s2;
	p2 =	seq.s32 @!p0 s5, $0x0  }
0x1f: {  	s9 =	smul.u32 $0xF7A, s1;
	s8 =	simm.s32 @!p0 $0x1BF5;
	p2 =	por !p2, p0  }
0x20: {  	[sflag:s8] =	ssyncset.s32 @!p0 $0xFFFFF086;
	s6 =	sadd.s32 @!p0 s3, s7;
	s7 =	simm.s32 @!p0 $0x108  }
0x21: {  	s3 =	sadd.s32 s3, s9;
	s6 =	sadd.s32 @!p0 $0x88, s6;
	s7 =	simm.s32 @p2 $0x1082  }
0x22: {  	[simem:s7], [sflag:s8] =	dma.local @!p0 [hbm:s6], $0xF7A  }
0x23: {  	s9 =	sor.u32 $0xD0000000, s2;
	s6 =	simm.s32 $0x108;
	_ =	swait.ge @!p0 [sflag:s8], $0x0  }
0x24: {  	s3 =	sadd.s32 $0x88, s3;
	s6 =	simm.s32 @!p1 $0x1082;
	[sflag:s4] =	ssyncset.s32 $0xFFFFF086  }
0x25: {  	[simem:s6], [sflag:s4] =	dma.local [hbm:s3], $0xF7A  }
0x26: {  	[smem:$0x3F9B] =	sst s1;
	(tag) =	ssettag s2;
	_ =	strace s9  }
0x27: {  	s1 =	sld [smem:$0x3FAB]  }
0x28: {  	s2 =	sld [smem:$0x3FAC]  }
0x29: {  	s4 =	sld [smem:$0x3FAE]  }
0x2a: {  	p0 =	seq.s32 s5, $0x0;
	s5 =	sld [smem:$0x3FAF]  }
0x2b: {  	s6 =	sld [smem:$0x3FB0]  }
0x2c: {  	s7 =	sld [smem:$0x3FB1]  }
0x2d: {  	s3 =	simm.s32 $0x108;
	s8 =	sld [smem:$0x3FB2]  }
0x2e: {  	s3 =	simm.s32 @!p0 $0x1082;
	s9 =	sld [smem:$0x3FB3]  }
0x2f: {  	lr =	sadd.s32 s0, s3;
	s0 =	sld [smem:$0x3FAA]  }
0x30: {  	s3 =	sld [smem:$0x3FAD]  }
0x31: {  	[smem:$0x3FB6] =	sst s10  }
0x32: {  	s10 =	sld [smem:$0x3FB4];
	_ =	sdelay $0x3  }
0x33: {  	p0 =	seq.s32 s10, $0x1;
	s10 =	sld [smem:$0x3FB6];
	_ =	sdelay $0x3  }
0x34: {  	[smem:$0x3FB6] =	sst s10  }
0x35: {  	s10 =	sld [smem:$0x3FB5];
	_ =	sdelay $0x3  }
0x36: {  	p1 =	seq.s32 s10, $0x1;
	s10 =	sld [smem:$0x3FB6];
	_ =	sdelay $0x3  }
0x37: {  	[smem:$0x3FB6] =	sst s10  }
0x38: {  	s10 =	sld [smem:$0x3FB7]  }
0x39: {  	_ = 	snop;
	(pc) =	sbr.ind lr, $3  }
0x3a: {  	_ = 	snop  }
0x3b: {  	_ = 	snop  }
0x3c: {  	p2 =	seq.s32 s10, $0x1;
	s10 =	sld [smem:$0x3FB6]  }
0x3d: {  	_ =	shalt  }
0x3e: {  	_ =	shalt  }
0x3f: {  	_ =	shalt  }
0x40: {  	_ =	shalt  }
0x41: {  	_ =	shalt  }
0x42: {  	_ =	shalt  }
0x43: {  	_ =	shalt  }
0x44: {  	_ =	shalt  }
0x45: {  	_ =	shalt  }
0x46: {  	_ =	shalt  }
0x47: {  	_ =	shalt  }
0x48: {  	_ =	shalt  }
0x49: {  	_ =	shalt  }
0x4a: {  	_ =	shalt  }
0x4b: {  	_ =	shalt  }
0x4c: {  	_ =	shalt  }
0x4d: {  	_ =	shalt  }
0x4e: {  	_ =	shalt  }
0x4f: {  	_ =	shalt  }
0x50: {  	_ =	shalt  }
0x51: {  	_ =	shalt  }
0x52: {  	_ =	shalt  }
0x53: {  	_ =	shalt  }
0x54: {  	_ =	shalt  }
0x55: {  	_ =	shalt  }
0x56: {  	_ =	shalt  }
0x57: {  	_ =	shalt  }
0x58: {  	_ =	shalt  }
0x59: {  	_ =	shalt  }
0x5a: {  	_ =	shalt  }
0x5b: {  	_ =	shalt  }
0x5c: {  	_ =	shalt  }
0x5d: {  	_ =	shalt  }
0x5e: {  	_ =	shalt  }
0x5f: {  	_ =	shalt  }
0x60: {  	_ =	shalt  }
0x61: {  	_ =	shalt  }
0x62: {  	_ =	shalt  }
0x63: {  	_ =	shalt  }
0x64: {  	_ =	shalt  }
0x65: {  	_ =	shalt  }
0x66: {  	_ =	shalt  }
0x67: {  	_ =	shalt  }
0x68: {  	_ =	shalt  }
0x69: {  	_ =	shalt  }
0x6a: {  	_ =	shalt  }
0x6b: {  	_ =	shalt  }
0x6c: {  	_ =	shalt  }
0x6d: {  	_ =	shalt  }
0x6e: {  	_ =	shalt  }
0x6f: {  	_ =	shalt  }
0x70: {  	_ =	shalt  }
0x71: {  	_ =	shalt  }
0x72: {  	_ =	shalt  }
0x73: {  	_ =	shalt  }
0x74: {  	_ =	shalt  }
0x75: {  	_ =	shalt  }
0x76: {  	_ =	shalt  }
0x77: {  	_ =	shalt  }
0x78: {  	_ =	shalt  }
0x79: {  	_ =	shalt  }
0x7a: {  	_ =	shalt  }
0x7b: {  	_ =	shalt  }
0x7c: {  	_ =	shalt  }
0x7d: {  	_ =	shalt  }
0x7e: {  	_ =	shalt  }
0x7f: {  	_ =	shalt  }
0x80: {  	_ =	shalt  }
0x81: {  	_ =	shalt  }
0x82: {  	_ =	shalt  }
0x83: {  	_ =	shalt  }
0x84: {  	_ =	shalt  }
0x85: {  	_ =	shalt  }
0x86: {  	_ =	shalt  }
0x87: {  	_ =	shalt  }
.Lfunc_end0:
.L_simem_size_0:
called_computation.2_lowered:
.L_overlay_start_0:
0x88: {  	s2 =	sld [smem:$0x3FD9]  }
0x89: {  	s3 =	sld [smem:$0x3FFE];
	_ =	sdelay $0x1  }
0x8a: {  	s1 =	srdreg.scid  }
0x8b: {  	s0 =	sand.u32 $0x1, s1  }
0x8c: {  	s17 =	sshll.u32 s0, $0xA;
	s2 =	sadd.s32 s3, s2  }
0x8d: {  	s2 =	sadd.s32 s2, s17  }
0x8e: {  	[smem:$0x3FC2] =	sst s2  }
0x8f: {  	_ = 	snop  }
0x90: {  	s2 =	sld [smem:$0x3FD0];
	(tm) =	ssettm $0x1  }
0x91: {  	s18 =	sld [smem:$0x3FFB];
	_ =	sdelay $0x3  }
0x92: {  	_ =	strace s18  }
0x93: {  	s3 =	sld [smem:$0x3FFC];
	_ =	sdelay $0x3  }
0x94: {  	_ =	strace s3  }
0x95: {  	s3 =	sld [smem:$0x3FFD];
	_ =	sdelay $0x3  }
0x96: {  	_ =	strace s3  }
0x97: {  	_ =	strace $0x8FFFFFFF  }
0x98: {  	s19 =	sld [smem:$0x3FDB];
	_ =	sdelay $0x1  }
0x99: {  	s4 =	simm.s32 $_scs_section_size  }
0x9a: {  	s5 =	simm.s32 $_size__tile_overlayer_lowered;
	s6 =	simm.s32 $_tile_overlayer_lowered  }
0x9b: {  	s22 =	simm.s32 $0x1BFF;
	s21 =	sshll.u32 s6, $0x1;
	s3 =	sadd.s32 s4, s19  }
0x9c: {  	s7 =	simm.s32 $0x0;
	s20 =	sshll.u32 s5, $0x1;
	s5 =	sadd.s32 s21, s3  }
0x9d: {  	[timem:s7], [sflag:s22] =	dma.local [hbm:s5], s20  }
0x9e: {  	_ =	swait.ge [sflag:s22], s20  }
0x9f: {  	s4 =	ssub.s32 $0x0, s20;
	[sflag:s22] =	ssyncset.done $0x0  }
0xa0: {  	[sflag:s22] =	ssyncadd.s32 s4;
	_ =	sdelay $0x1  }
0xa1: {  	s23 =	simm.s32 $0x1B8B  }
0xa2: {  	_ =	swait.ge [sflag:s23], $0x1  }
0xa3: {  	[sflag:s23] =	ssyncset.done $0x0  }
0xa4: {  	s25 =	simm.s32 $0x1B8E;
	s24 =	sld [smem:$0x3FFE];
	[sflag:s23] =	ssyncadd.s32 $0xFFFFFFFF  }
0xa5: {  	s26 =	simm.s32 $execute0_lowered;
	[smem:$0x3FD2] =	sst s25  }
0xa6: {  	s5 =	sshll.u32 s26, $0x1;
	_ =	strace $0x8000004C;
	[dreg:$0x1] =	wrdreg $0xFFFFFFFF  }
0xa7: {  	s28 =	simm.s32 $_size_execute0_lowered;
	s3 =	sadd.s32 s3, s5;
	[dreg:$0x0] =	wrdreg $0x0  }
0xa8: {  	s5 =	sshll.u32 s28, $0x1;
	[dreg:$0x2] =	wrdreg s3  }
0xa9: {  	[dreg:$0x3] =	wrdreg s5  }
0xaa: {  	[dreg:$0x4] =	wrdreg $0xC0  }
0xab: {  	_ =	task [dreg:s7], $0x5FFFF  }
0xac: {  	[dreg:$0x1] =	wrdreg $0xFFFFFFFF  }
0xad: {  	[dreg:$0x0] =	wrdreg $0x60  }
0xae: {  	[dreg:$0x2] =	wrdreg s2  }
0xaf: {  	[dreg:$0x3] =	wrdreg s24  }
0xb0: {  	[dreg:$0x4] =	wrdreg $0xB2200  }
0xb1: {  	[dreg:$0x5] =	wrdreg $0x9  }
0xb2: {  	_ =	task.clear_ibuf [dreg:s7], $0x6FFFF;
	_ =	strace $0x9000004C  }
0xb3: {  	s29 =	simm.s32 $0x9;
	_ =	strace $0x8000004E  }
0xb4: {  	_ =	swait.ge [sflag:s29], $0x1  }
0xb5: {  	[sflag:s29] =	ssyncadd.s32 $0xFFFFFFFF  }
0xb6: {  	_ =	strace $0x9000004E  }
0xb7: {  	_ =	sfence  }
0xb8: {  	s30 =	sld [smem:$0x0];
	_ =	sdelay $0x2  }
0xb9: {  	s31 =	sshll.u32 s1, $0xD;
	s1 =	sshrl.u32 s1, $0x2  }
0xba: {  	s3 =	sand.u32 $0x4000, s31;
	s1 =	sadd.s32 s1, s30  }
0xbb: {  	s0 =	sor.u32 s3, s0;
	s1 =	sshll.u32 s1, $0x11  }
0xbc: {  	s0 =	sor.u32 s1, s0  }
0xbd: {  	s0 =	sadd.s32 $0x8F2B, s0  }
0xbe: {  	[sflag:s0] =	ssyncadd.remote.s32 $0x1  }
0xbf: {  	_ =	sfence.sel $0xFFFF  }
0xc0: {  	[dreg:$0x0] =	wrdreg $0xFFFFFFFF;
	(pc) =	sbr.abs _section_cstart, $3  }
0xc1: {  	[dreg:$0x1] =	wrdreg $0xFFFFFFFF  }
0xc2: {  	_ =	task.clear_ibuf [dreg:s7], $0x2FFFF;
	_ =	strace $0x9FFFFFFF  }
0xc3: {  	(tm) =	ssettm $0x7FFFFFFF  }
tec
execute0_lowered:
.L_overlay_start_1:
0x0: {  	(tag) =	ssettag $0x1  }
0x1: {  	s0 =	srdreg.scid  }
0x2: {  	s22 =	stileid.u32;
	s0 =	sand.u32 $0x1, s0  }
0x3: {  	s5 =	sor.u32 $0x10, s22;
	s4 =	smul.u32 $0x9C400, s0  }
0x4: {  	s2 =	rddreg [dreg:$0x1];
	s9 =	sor.u32 $0x20, s22;
	s7 =	smul.u32 $0x5000, s5  }
0x5: {  	s1 =	sshll.u32 s0, $0x4;
	s24 =	ssub.s32 $0x2, s0;
	s0 =	smul.u32 $0x1400, s22  }
0x6: {  	s3 =	simm.s32 $0x0;
	s11 =	sor.u32 $0x30, s22;
	s14 =	smul.u32 $0x1400, s9  }
0x7: {  	[smem:$0x7FF] =	sst s3;
	s15 =	smul.u32 $0x1400, s11  }
0x8: {  	s12 =	sor.u32 $0x50, s22;
	s13 =	sor.u32 $0x60, s22;
	s9 =	smul.u32 $0x5000, s9  }
0x9: {  	s16 =	sor.u32 $0x70, s22;
	s11 =	smul.u32 $0x5000, s11;
	s1 =	sor.u32 s22, s1  }
0xa: {  	p0 =	sgt.u32 s16, $0x7C;
	s25 =	sshrl.u32 s24, $0x1;
	s1 =	smul.u32 $0x4E2, s1  }
0xb: {  	s3 =	ssub.s32 s24, s25;
	s8 =	sadd.s32 s4, s0;
	s18 =	sadd.s32 s4, s15  }
0xc: {  	s25 =	smul.u32 $0x5000, s22;
	s8 =	sshrl.u32 s8, $0x3;
	s3 =	smax.u32 s3, $0x1  }
0xd: {  	s6 =	sadd.s32 s1, s2;
	s1 =	smul.u32 $0x1400, s5;
	s5 =	sor.u32 $0x40, s22  }
0xe: {  	s2 =	sadd.s32 $0x15800, s2;
	s22 =	sshrl.u32 s9, $0x2;
	s17 =	smul.u32 $0x1400, s5  }
0xf: {  	s8 =	sadd.s32 s2, s8;
	s5 =	smul.u32 $0x5000, s5;
	s10 =	sadd.s32 s4, s1  }
0x10: {  	[dreg:$0x4] =	wrdreg s8;
	s10 =	sshrl.u32 s10, $0x3;
	s20 =	sadd.s32 s4, s17  }
0x11: {  	s5 =	sshrl.u32 s5, $0x2;
	s26 =	sadd.s32 s2, s10;
	s10 =	sadd.s32 s4, s14  }
0x12: {  	[dreg:$0x5] =	wrdreg s26;
	s8 =	sshrl.u32 s10, $0x3;
	s10 =	sshrl.u32 s18, $0x3  }
0x13: {  	s8 =	sadd.s32 s2, s8;
	s19 =	sadd.s32 s2, s10;
	s10 =	rddreg [dreg:$0x2]  }
0x14: {  	s18 =	smul.u32 $0x1400, s12;
	s26 =	sadd.s32 $0x1C00, s6;
	[dreg:$0x6] =	wrdreg s8  }
0x15: {  	s6 =	sadd.s32 $0xBA00, s6;
	[dreg:$0x7] =	wrdreg s19;
	s19 =	smul.u32 $0x1400, s13  }
0x16: {  	s8 =	sshrl.u32 s20, $0x3;
	s21 =	sadd.s32 s4, s18;
	s20 =	smul.u32 $0x1400, s16  }
0x17: {  	s0 =	sadd.s32 s0, s10;
	s8 =	sadd.s32 s2, s8;
	s23 =	sshrl.u32 s21, $0x3  }
0x18: {  	s1 =	sadd.s32 s1, s10;
	[dreg:$0x8] =	wrdreg s8;
	s8 =	sadd.s32 s2, s23  }
0x19: {  	s0 =	sshrl.u32 s0, $0x3;
	s24 =	sadd.s32 s4, s19;
	[dreg:$0x9] =	wrdreg s8  }
0x1a: {  	s4 =	sadd.s32 s4, s20;
	s23 =	smul.u32 $0x5000, s12;
	s8 =	rddreg [dreg:$0x0]  }
0x1b: {  	s21 =	sshrl.u32 s24, $0x3;
	s4 =	sshrl.u32 s4, $0x3;
	s24 =	sshrl.u32 s11, $0x2  }
0x1c: {  	s21 =	sadd.s32 s2, s21;
	s2 =	sadd.s32 s2, s4;
	s9 =	sshrl.u32 s23, $0x2  }
0x1d: {  	s23 =	sadd.s32 s18, s10;
	s4 =	simm.s32 $0x7620;
	[dreg:$0xa] =	wrdreg s21  }
0x1e: {  	s18 =	simm.s32 $0x5;
	[dreg:$0xb] =	wrdreg s2;
	s2 =	sshrl.u32 s25, $0x2  }
0x1f: {  	s21 =	sshrl.u32 s7, $0x2;
	_ =	strace $0x8000004D;
	[dreg:$0xc] =	wrdreg s26  }
0x20: {  	s25 =	smul.u32 $0x5000, s13;
	s7 =	sadd.s32 s5, s10;
	[dreg:$0xd] =	wrdreg s6  }
0x21: {  	s30 =	sshrl.u32 s23, $0x3;
	s5 =	simm.s32 $0x8A20;
	[dreg:$0xe] =	wrdreg s3  }
0x22: {  	s2 =	sadd.s32 s2, s10;
	s26 =	smul.u32 $0x5000, s16;
	[dreg:$0x13] =	wrdreg s7  }
0x23: {  	s16 =	sadd.s32 s14, s10;
	s7 =	sadd.s32 s20, s10;
	[dreg:$0x17] =	wrdreg s0  }
0x24: {  	s0 =	simm.s32 $0x4E20;
	s3 =	simm.s32 $0x6220;
	s6 =	simm.s32 $0x9E20  }
0x25: {  	s14 =	simm.s32 $0x3;
	s20 =	simm.s32 $0x0;
	[dreg:$0xf] =	wrdreg s2  }
0x26: {  	s2 =	sadd.s32 s21, s10;
	s11 =	sshrl.u32 s25, $0x2;
	s21 =	sadd.s32 s15, s10  }
0x27: {  	s25 =	sshrl.u32 s1, $0x3;
	s1 =	simm.s32 $0xB;
	s15 =	simm.s32 $0x8  }
0x28: {  	[dreg:$0x10] =	wrdreg s2;
	s2 =	sadd.s32 s22, s10;
	s12 =	sshrl.u32 s26, $0x2  }
0x29: {  	s22 =	sadd.s32 s17, s10;
	s26 =	sshrl.u32 s16, $0x3;
	s28 =	sshrl.u32 s21, $0x3  }
0x2a: {  	s16 =	simm.s32 $0x4;
	s17 =	simm.s32 $0x9;
	[dreg:$0x11] =	wrdreg s2  }
0x2b: {  	s2 =	sadd.s32 s24, s10;
	s13 =	sadd.s32 s12, s10;
	s24 =	sadd.s32 s19, s10  }
0x2c: {  	s29 =	sshrl.u32 s22, $0x3;
	s12 =	simm.s32 $0x2;
	[dreg:$0x12] =	wrdreg s2  }
0x2d: {  	s19 =	simm.s32 $0xA;
	s2 =	sadd.s32 s9, s10;
	[dreg:$0x16] =	wrdreg s13  }
0x2e: {  	s31 =	sshrl.u32 s24, $0x3;
	s9 =	sshrl.u32 @!p0 s7, $0x3;
	s7 =	simm.s32 $0x1  }
0x2f: {  	s13 =	simm.s32 $0x7;
	[dreg:$0x14] =	wrdreg s2;
	s2 =	sadd.s32 s11, s10  }
0x30: {  	v0 =	vimm.f32 $0.0e+00;
	s11 =	simm.s32 $0x6;
	[dreg:$0x15] =	wrdreg s2;
	s2 =	simm.s32 $0x50  }
.LBB2_1:
0x31: {  	s22 =	simm.s32 $0x0  }
0x32: {  	s21 =	sand.u32 $0x7F00, s22  }
0x33: {  	s22 =	sand.u32 $0x30, s22;
	s23 =	sshrl.u32 s21, $0x2  }
0x34: {  	s21 =	simm.s32 $0x40;
	s23 =	sor.u32 s22, s23;
	s22 =	simm.s32 $0x0  }
.LBB2_2:
0x35: {  	p1 =	sne.s32 s21, $0x4FC0  }
0x36: {  	[tilespmem:s23+$0x4E20] =	vst v0;
	s22 =	sadd.s32 $0x10, s22;
	s23 =	smov.u32 s21;
	s21 =	sadd.s32 $0x40, s21  }
.Ltmp0:
0x37: {  	(pc) =	sbr.rel @p1 .LBB2_2-.Ltmp0, $4  }
0x38: {  	_ = 	snop  }
0x39: {  	s23 =	sand.u32 $0x7F00, s23  }
0x3a: {  	s24 =	sand.u32 $0x30, s22;
	s23 =	sshrl.u32 s23, $0x2  }
0x3b: {  	s23 =	sor.u32 s24, s23  }
0x3c: {  	[tilespmem:s23+$0x4E20] =	vst v0;
	s21 =	rddreg [dreg:$0xf]  }
0x3d: {  	[spmem:s21] =	stream.linear.scatter [tilespmem:s0], [sflag:$0xB], $0x1400, $0x38;
	[tilespmem:$0x14E60] =	vst v63  }
0x3e: {  	_ =	swait.ge [sflag:s1], $0x1400  }
0x3f: {  	[sflag:s1] =	ssyncset.done $0x0  }
0x40: {  	s24 =	rddreg [dreg:$0x10];
	[sflag:s1] =	ssyncadd.s32 $0xFFFFEC00  }
0x41: {  	[spmem:s24] =	stream.linear.scatter [tilespmem:s0], [sflag:$0xB], $0x1400, $0x38;
	[tilespmem:$0x14E60] =	vst v63  }
0x42: {  	_ =	swait.ge [sflag:s1], $0x1400  }
0x43: {  	[sflag:s1] =	ssyncset.done $0x0  }
0x44: {  	s22 =	rddreg [dreg:$0x11];
	[sflag:s1] =	ssyncadd.s32 $0xFFFFEC00  }
0x45: {  	[spmem:s22] =	stream.linear.scatter [tilespmem:s0], [sflag:$0xB], $0x1400, $0x38;
	[tilespmem:$0x14E60] =	vst v63  }
0x46: {  	_ =	swait.ge [sflag:s1], $0x1400  }
0x47: {  	[sflag:s1] =	ssyncset.done $0x0  }
0x48: {  	s23 =	rddreg [dreg:$0x12];
	[sflag:s1] =	ssyncadd.s32 $0xFFFFEC00  }
0x49: {  	[spmem:s23] =	stream.linear.scatter [tilespmem:s0], [sflag:$0xB], $0x1400, $0x38;
	[tilespmem:$0x14E60] =	vst v63  }
0x4a: {  	_ =	swait.ge [sflag:s1], $0x1400  }
0x4b: {  	[sflag:s1] =	ssyncset.done $0x0  }
0x4c: {  	s24 =	rddreg [dreg:$0x13];
	[sflag:s1] =	ssyncadd.s32 $0xFFFFEC00  }
0x4d: {  	[spmem:s24] =	stream.linear.scatter [tilespmem:s0], [sflag:$0xB], $0x1400, $0x38;
	[tilespmem:$0x14E60] =	vst v63  }
0x4e: {  	_ =	swait.ge [sflag:s1], $0x1400  }
0x4f: {  	[sflag:s1] =	ssyncset.done $0x0  }
0x50: {  	s22 =	rddreg [dreg:$0x14];
	[sflag:s1] =	ssyncadd.s32 $0xFFFFEC00  }
0x51: {  	[spmem:s22] =	stream.linear.scatter [tilespmem:s0], [sflag:$0xB], $0x1400, $0x38;
	[tilespmem:$0x14E60] =	vst v63  }
0x52: {  	_ =	swait.ge [sflag:s1], $0x1400  }
0x53: {  	[sflag:s1] =	ssyncset.done $0x0  }
0x54: {  	s23 =	rddreg [dreg:$0x15];
	[sflag:s1] =	ssyncadd.s32 $0xFFFFEC00  }
0x55: {  	[spmem:s23] =	stream.linear.scatter [tilespmem:s0], [sflag:$0xB], $0x1400, $0x38;
	[tilespmem:$0x14E60] =	vst v63  }
0x56: {  	_ =	swait.ge [sflag:s1], $0x1400  }
0x57: {  	[sflag:s1] =	ssyncset.done $0x0  }
0x58: {  	s21 =	simm.s32 @!p0 $0x4E20;
	s22 =	rddreg [dreg:$0x16];
	[sflag:s1] =	ssyncadd.s32 $0xFFFFEC00  }
0x59: {  	[spmem:s22] =	stream.linear.scatter @!p0 [tilespmem:s21], [sflag:$0xB], $0x1400, $0x38;
	[tilespmem:$0x14E60] =	vst v63  }
0x5a: {  	s21 =	simm.s32 @!p0 $0xB  }
0x5b: {  	_ =	swait.ge @!p0 [sflag:s21], $0x1400  }
0x5c: {  	[sflag:s21] =	ssyncset.done @!p0 $0x0  }
0x5d: {  	s24 =	rddreg [dreg:$0xc];
	[sflag:s21] =	ssyncadd.s32 @!p0 $0xFFFFEC00;
	s21 =	simm.s32 $0x0  }
0x5e: {  	[tilespmem:s21], [sflag:$0xB] =	stream.linear.gather [hbm4b:s24+s21], $0x2710, $0x38;
	[tilespmem:$0x14E60] =	vst v63  }
0x5f: {  	_ =	swait.ge [sflag:s1], $0x2710  }
0x60: {  	[sflag:s1] =	ssyncset.done $0x0  }
0x61: {  	s24 =	simm.s32 $0x2710;
	s23 =	rddreg [dreg:$0xd];
	[sflag:s1] =	ssyncadd.s32 $0xFFFFD8F0  }
0x62: {  	[tilespmem:s24], [sflag:$0xB] =	stream.linear.gather [hbm4b:s23+s21], $0x2710, $0x38;
	[tilespmem:$0x14E60] =	vst v63  }
0x63: {  	_ =	swait.ge [sflag:s1], $0x2710  }
0x64: {  	[sflag:s1] =	ssyncset.done $0x0  }
0x65: {  	[sflag:s1] =	ssyncadd.s32 $0xFFFFD8F0  }
0x66: {  	[bflag:$0x0] =	sbarrier.arrive $0xFFFF  }
0x67: {  	[tilespmem:s0], [sflag:$0x1] =	stream.indirect.gather [hbm4b:s8+s2], $0x40, s21, s2, $0xb8;
	[tilespmem:$0x14E60] =	vst v63  }
0x68: {  	_ = 	snop  }
0x69: {  	[tilespmem:s3], [sflag:$0x2] =	stream.indirect.gather [hbm4b:s8+s2], $0x40, s2, s2, $0xb8;
	[tilespmem:$0x14E60] =	vst v63  }
0x6a: {  	s22 =	simm.s32 $0xA0  }
0x6b: {  	[tilespmem:s4], [sflag:$0x3] =	stream.indirect.gather [hbm4b:s8+s2], $0x40, s22, s2, $0xb8;
	[tilespmem:$0x14E60] =	vst v63  }
0x6c: {  	s23 =	simm.s32 $0xF0  }
0x6d: {  	[tilespmem:s5], [sflag:$0x4] =	stream.indirect.gather [hbm4b:s8+s2], $0x40, s23, s2, $0xb8;
	[tilespmem:$0x14E60] =	vst v63  }
0x6e: {  	s24 =	simm.s32 $0x140  }
0x6f: {  	[tilespmem:s6], [sflag:$0x5] =	stream.indirect.gather [hbm4b:s8+s2], $0x40, s24, s2, $0xb8;
	[tilespmem:$0x14E60] =	vst v63  }
0x70: {  	_ =	swait.ge [sflag:s7], $0x1400  }
0x71: {  	[sflag:s7] =	ssyncset.done $0x0  }
0x72: {  	s22 =	simm.s32 $0x2710;
	[sflag:s7] =	ssyncadd.s32 $0xFFFFEC00  }
0x73: {  	[spmem:s10] =	stream.indirect.scatter.add.f32 [tilespmem:s0], [sflag:$0x6], $0x40, s22, s2, $0xb8;
	[tilespmem:$0x14E60] =	vst v63  }
0x74: {  	_ =	swait.ge [sflag:s11], $0x1400  }
0x75: {  	[sflag:s11] =	ssyncset.done $0x0  }
0x76: {  	s23 =	simm.s32 $0x190;
	[sflag:s11] =	ssyncadd.s32 $0xFFFFEC00  }
0x77: {  	[tilespmem:s0], [sflag:$0x1] =	stream.indirect.gather [hbm4b:s8+s2], $0x40, s23, s2, $0xb8;
	[tilespmem:$0x14E60] =	vst v63  }
0x78: {  	_ =	swait.ge [sflag:s12], $0x1400  }
0x79: {  	[sflag:s12] =	ssyncset.done $0x0  }
0x7a: {  	s24 =	simm.s32 $0x2760;
	[sflag:s12] =	ssyncadd.s32 $0xFFFFEC00  }
0x7b: {  	[spmem:s10] =	stream.indirect.scatter.add.f32 [tilespmem:s3], [sflag:$0x7], $0x40, s24, s2, $0xb8;
	[tilespmem:$0x14E60] =	vst v63  }
0x7c: {  	_ =	swait.ge [sflag:s13], $0x1400  }
0x7d: {  	[sflag:s13] =	ssyncset.done $0x0  }
0x7e: {  	s22 =	simm.s32 $0x1E0;
	[sflag:s13] =	ssyncadd.s32 $0xFFFFEC00  }
0x7f: {  	[tilespmem:s3], [sflag:$0x2] =	stream.indirect.gather [hbm4b:s8+s2], $0x40, s22, s2, $0xb8;
	[tilespmem:$0x14E60] =	vst v63  }
0x80: {  	_ =	swait.ge [sflag:s14], $0x1400  }
0x81: {  	[sflag:s14] =	ssyncset.done $0x0  }
0x82: {  	s23 =	simm.s32 $0x27B0;
	[sflag:s14] =	ssyncadd.s32 $0xFFFFEC00  }
0x83: {  	[spmem:s10] =	stream.indirect.scatter.add.f32 [tilespmem:s4], [sflag:$0x8], $0x40, s23, s2, $0xb8;
	[tilespmem:$0x14E60] =	vst v63  }
0x84: {  	_ =	swait.ge [sflag:s15], $0x1400  }
0x85: {  	[sflag:s15] =	ssyncset.done $0x0  }
0x86: {  	s24 =	simm.s32 $0x230;
	[sflag:s15] =	ssyncadd.s32 $0xFFFFEC00  }
0x87: {  	[tilespmem:s4], [sflag:$0x3] =	stream.indirect.gather [hbm4b:s8+s2], $0x40, s24, s2, $0xb8;
	[tilespmem:$0x14E60] =	vst v63  }
0x88: {  	_ =	swait.ge [sflag:s16], $0x1400  }
0x89: {  	[sflag:s16] =	ssyncset.done $0x0  }
0x8a: {  	s22 =	simm.s32 $0x2800;
	[sflag:s16] =	ssyncadd.s32 $0xFFFFEC00  }
0x8b: {  	[spmem:s10] =	stream.indirect.scatter.add.f32 [tilespmem:s5], [sflag:$0x9], $0x40, s22, s2, $0xb8;
	[tilespmem:$0x14E60] =	vst v63  }
0x8c: {  	_ =	swait.ge [sflag:s17], $0x1400  }
0x8d: {  	[sflag:s17] =	ssyncset.done $0x0  }
0x8e: {  	s23 =	simm.s32 $0x280;
	[sflag:s17] =	ssyncadd.s32 $0xFFFFEC00  }
0x8f: {  	[tilespmem:s5], [sflag:$0x4] =	stream.indirect.gather [hbm4b:s8+s2], $0x40, s23, s2, $0xb8;
	[tilespmem:$0x14E60] =	vst v63  }
0x90: {  	_ =	swait.ge [sflag:s18], $0x1400  }
0x91: {  	[sflag:s18] =	ssyncset.done $0x0  }
0x92: {  	s24 =	simm.s32 $0x2850;
	[sflag:s18] =	ssyncadd.s32 $0xFFFFEC00  }
0x93: {  	[spmem:s10] =	stream.indirect.scatter.add.f32 [tilespmem:s6], [sflag:$0xA], $0x40, s24, s2, $0xb8;
	[tilespmem:$0x14E60] =	vst v63  }
0x94: {  	_ =	swait.ge [sflag:s19], $0x1400  }
0x95: {  	[sflag:s19] =	ssyncset.done $0x0  }
0x96: {  	s21 =	simm.s32 $0x640;
	s22 =	simm.s32 $0x2D0;
	[sflag:s19] =	ssyncadd.s32 $0xFFFFEC00  }
.LBB2_4:
0x97: {  	[tilespmem:s6], [sflag:$0x5] =	stream.indirect.gather [hbm4b:s8+s2], $0x40, s22, s2, $0xb8;
	[tilespmem:$0x14E60] =	vst v63  }
0x98: {  	s22 =	smov.u32 s21  }
0x99: {  	p1 =	sne.s32 s21, $0x8FC0;
	s21 =	sadd.s32 $0x640, s21;
	_ =	swait.ge [sflag:s7], $0x1400  }
0x9a: {  	s22 =	sshra.s32 s22, $0x2;
	[sflag:s7] =	ssyncset.done $0x0  }
0x9b: {  	s23 =	sadd.s32 $0x2710, s22;
	[sflag:s7] =	ssyncadd.s32 $0xFFFFEC00  }
0x9c: {  	[spmem:s10] =	stream.indirect.scatter.add.f32 [tilespmem:s0], [sflag:$0x6], $0x40, s23, s2, $0xb8;
	[tilespmem:$0x14E60] =	vst v63  }
0x9d: {  	_ =	swait.ge [sflag:s11], $0x1400  }
0x9e: {  	[sflag:s11] =	ssyncset.done $0x0  }
0x9f: {  	s23 =	sadd.s32 $0x190, s22;
	[sflag:s11] =	ssyncadd.s32 $0xFFFFEC00  }
0xa0: {  	[tilespmem:s0], [sflag:$0x1] =	stream.indirect.gather [hbm4b:s8+s2], $0x40, s23, s2, $0xb8;
	[tilespmem:$0x14E60] =	vst v63  }
0xa1: {  	_ =	swait.ge [sflag:s12], $0x1400  }
0xa2: {  	[sflag:s12] =	ssyncset.done $0x0  }
0xa3: {  	s23 =	sadd.s32 $0x2760, s22;
	[sflag:s12] =	ssyncadd.s32 $0xFFFFEC00  }
0xa4: {  	[spmem:s10] =	stream.indirect.scatter.add.f32 [tilespmem:s3], [sflag:$0x7], $0x40, s23, s2, $0xb8;
	[tilespmem:$0x14E60] =	vst v63  }
0xa5: {  	_ =	swait.ge [sflag:s13], $0x1400  }
0xa6: {  	[sflag:s13] =	ssyncset.done $0x0  }
0xa7: {  	s23 =	sadd.s32 $0x1E0, s22;
	[sflag:s13] =	ssyncadd.s32 $0xFFFFEC00  }
0xa8: {  	[tilespmem:s3], [sflag:$0x2] =	stream.indirect.gather [hbm4b:s8+s2], $0x40, s23, s2, $0xb8;
	[tilespmem:$0x14E60] =	vst v63  }
0xa9: {  	_ =	swait.ge [sflag:s14], $0x1400  }
0xaa: {  	[sflag:s14] =	ssyncset.done $0x0  }
0xab: {  	s23 =	sadd.s32 $0x27B0, s22;
	[sflag:s14] =	ssyncadd.s32 $0xFFFFEC00  }
0xac: {  	[spmem:s10] =	stream.indirect.scatter.add.f32 [tilespmem:s4], [sflag:$0x8], $0x40, s23, s2, $0xb8;
	[tilespmem:$0x14E60] =	vst v63  }
0xad: {  	_ =	swait.ge [sflag:s15], $0x1400  }
0xae: {  	[sflag:s15] =	ssyncset.done $0x0  }
0xaf: {  	s23 =	sadd.s32 $0x230, s22;
	[sflag:s15] =	ssyncadd.s32 $0xFFFFEC00  }
0xb0: {  	[tilespmem:s4], [sflag:$0x3] =	stream.indirect.gather [hbm4b:s8+s2], $0x40, s23, s2, $0xb8;
	[tilespmem:$0x14E60] =	vst v63  }
0xb1: {  	_ =	swait.ge [sflag:s16], $0x1400  }
0xb2: {  	[sflag:s16] =	ssyncset.done $0x0  }
0xb3: {  	s23 =	sadd.s32 $0x2800, s22;
	[sflag:s16] =	ssyncadd.s32 $0xFFFFEC00  }
0xb4: {  	[spmem:s10] =	stream.indirect.scatter.add.f32 [tilespmem:s5], [sflag:$0x9], $0x40, s23, s2, $0xb8;
	[tilespmem:$0x14E60] =	vst v63  }
0xb5: {  	_ =	swait.ge [sflag:s17], $0x1400  }
0xb6: {  	[sflag:s17] =	ssyncset.done $0x0  }
0xb7: {  	s23 =	sadd.s32 $0x280, s22;
	[sflag:s17] =	ssyncadd.s32 $0xFFFFEC00  }
0xb8: {  	[tilespmem:s5], [sflag:$0x4] =	stream.indirect.gather [hbm4b:s8+s2], $0x40, s23, s2, $0xb8;
	[tilespmem:$0x14E60] =	vst v63  }
0xb9: {  	_ =	swait.ge [sflag:s18], $0x1400  }
0xba: {  	[sflag:s18] =	ssyncset.done $0x0  }
.Ltmp1:
0xbb: {  	s23 =	sadd.s32 $0x2850, s22;
	[sflag:s18] =	ssyncadd.s32 $0xFFFFEC00;
	(pc) =	sbr.rel @p1 .LBB2_4-.Ltmp1, $4  }
0xbc: {  	[spmem:s10] =	stream.indirect.scatter.add.f32 [tilespmem:s6], [sflag:$0xA], $0x40, s23, s2, $0xb8;
	[tilespmem:$0x14E60] =	vst v63  }
0xbd: {  	_ =	swait.ge [sflag:s19], $0x1400  }
0xbe: {  	[sflag:s19] =	ssyncset.done $0x0  }
0xbf: {  	s22 =	sadd.s32 $0x2D0, s22;
	[sflag:s19] =	ssyncadd.s32 $0xFFFFEC00  }
0xc0: {  	[tilespmem:s6], [sflag:$0x5] =	stream.indirect.gather [hbm4b:s8+s2], $0x40, s22, s2, $0xb8;
	[tilespmem:$0x14E60] =	vst v63  }
0xc1: {  	_ =	swait.ge [sflag:s7], $0x1400  }
0xc2: {  	[sflag:s7] =	ssyncset.done $0x0  }
0xc3: {  	s21 =	simm.s32 $0x4C90;
	[sflag:s7] =	ssyncadd.s32 $0xFFFFEC00  }
0xc4: {  	[spmem:s10] =	stream.indirect.scatter.add.f32 [tilespmem:s0], [sflag:$0x6], $0x40, s21, s2, $0xb8;
	[tilespmem:$0x14E60] =	vst v63  }
0xc5: {  	_ =	swait.ge [sflag:s12], $0x1400  }
0xc6: {  	[sflag:s12] =	ssyncset.done $0x0  }
0xc7: {  	s22 =	simm.s32 $0x4CE0;
	[sflag:s12] =	ssyncadd.s32 $0xFFFFEC00  }
0xc8: {  	[spmem:s10] =	stream.indirect.scatter.add.f32 [tilespmem:s3], [sflag:$0x7], $0x40, s22, s2, $0xb8;
	[tilespmem:$0x14E60] =	vst v63  }
0xc9: {  	_ =	swait.ge [sflag:s14], $0x1400  }
0xca: {  	[sflag:s14] =	ssyncset.done $0x0  }
0xcb: {  	s23 =	simm.s32 $0x4D30;
	[sflag:s14] =	ssyncadd.s32 $0xFFFFEC00  }
0xcc: {  	[spmem:s10] =	stream.indirect.scatter.add.f32 [tilespmem:s4], [sflag:$0x8], $0x40, s23, s2, $0xb8;
	[tilespmem:$0x14E60] =	vst v63  }
0xcd: {  	_ =	swait.ge [sflag:s16], $0x1400  }
0xce: {  	[sflag:s16] =	ssyncset.done $0x0  }
0xcf: {  	s24 =	simm.s32 $0x4D80;
	[sflag:s16] =	ssyncadd.s32 $0xFFFFEC00  }
0xd0: {  	[spmem:s10] =	stream.indirect.scatter.add.f32 [tilespmem:s5], [sflag:$0x9], $0x40, s24, s2, $0xb8;
	[tilespmem:$0x14E60] =	vst v63  }
0xd1: {  	_ =	swait.ge [sflag:s18], $0x1400  }
0xd2: {  	[sflag:s18] =	ssyncset.done $0x0  }
0xd3: {  	s22 =	simm.s32 $0x4DD0;
	[sflag:s18] =	ssyncadd.s32 $0xFFFFEC00  }
0xd4: {  	[spmem:s10] =	stream.indirect.scatter.add.f32 [tilespmem:s6], [sflag:$0xA], $0x40, s22, s2, $0xb8;
	[tilespmem:$0x14E60] =	vst v63  }
0xd5: {  	_ =	swait.ge [sflag:s11], $0x1400  }
0xd6: {  	[sflag:s11] =	ssyncset.done $0x0  }
0xd7: {  	[sflag:s11] =	ssyncadd.s32 $0xFFFFEC00  }
0xd8: {  	_ =	swait.ge [sflag:s13], $0x1400  }
0xd9: {  	[sflag:s13] =	ssyncset.done $0x0  }
0xda: {  	[sflag:s13] =	ssyncadd.s32 $0xFFFFEC00  }
0xdb: {  	_ =	swait.ge [sflag:s15], $0x1400  }
0xdc: {  	[sflag:s15] =	ssyncset.done $0x0  }
0xdd: {  	[sflag:s15] =	ssyncadd.s32 $0xFFFFEC00  }
0xde: {  	_ =	swait.ge [sflag:s17], $0x1400  }
0xdf: {  	[sflag:s17] =	ssyncset.done $0x0  }
0xe0: {  	[sflag:s17] =	ssyncadd.s32 $0xFFFFEC00  }
0xe1: {  	_ =	swait.ge [sflag:s19], $0x1400  }
0xe2: {  	[sflag:s19] =	ssyncset.done $0x0  }
0xe3: {  	[sflag:s19] =	ssyncadd.s32 $0xFFFFEC00  }
0xe4: {  	s23 =	stileid.u32;
	[bflag:$0x0] =	sbarrier.arrive $0xFFFF  }
0xe5: {  	s21 =	sshll.u32 s23, $0x6;
	s24 =	rddreg [dreg:$0x4]  }
0xe6: {  	s21 =	sor.u32 $0x1C0B, s21;
	s23 =	rddreg [dreg:$0x17]  }
0xe7: {  	[hbm:s24], [sflag:s21] =	dma.local [spmem:s23], $0x280  }
0xe8: {  	_ =	swait.ge [sflag:s1], $0x280  }
0xe9: {  	[sflag:s1] =	ssyncset.done $0x0  }
0xea: {  	s24 =	rddreg [dreg:$0x5];
	[sflag:s1] =	ssyncadd.s32 $0xFFFFFD80  }
0xeb: {  	[hbm:s24], [sflag:s21] =	dma.local [spmem:s25], $0x280  }
0xec: {  	_ =	swait.ge [sflag:s1], $0x280  }
0xed: {  	[sflag:s1] =	ssyncset.done $0x0  }
0xee: {  	s23 =	rddreg [dreg:$0x6];
	[sflag:s1] =	ssyncadd.s32 $0xFFFFFD80  }
0xef: {  	[hbm:s23], [sflag:s21] =	dma.local [spmem:s26], $0x280  }
0xf0: {  	_ =	swait.ge [sflag:s1], $0x280  }
0xf1: {  	[sflag:s1] =	ssyncset.done $0x0  }
0xf2: {  	s24 =	rddreg [dreg:$0x7];
	[sflag:s1] =	ssyncadd.s32 $0xFFFFFD80  }
0xf3: {  	[hbm:s24], [sflag:s21] =	dma.local [spmem:s28], $0x280  }
0xf4: {  	_ =	swait.ge [sflag:s1], $0x280  }
0xf5: {  	[sflag:s1] =	ssyncset.done $0x0  }
0xf6: {  	s23 =	rddreg [dreg:$0x8];
	[sflag:s1] =	ssyncadd.s32 $0xFFFFFD80  }
0xf7: {  	[hbm:s23], [sflag:s21] =	dma.local [spmem:s29], $0x280  }
0xf8: {  	_ =	swait.ge [sflag:s1], $0x280  }
0xf9: {  	[sflag:s1] =	ssyncset.done $0x0  }
0xfa: {  	s24 =	rddreg [dreg:$0x9];
	[sflag:s1] =	ssyncadd.s32 $0xFFFFFD80  }
0xfb: {  	[hbm:s24], [sflag:s21] =	dma.local [spmem:s30], $0x280  }
0xfc: {  	_ =	swait.ge [sflag:s1], $0x280  }
0xfd: {  	[sflag:s1] =	ssyncset.done $0x0  }
0xfe: {  	s23 =	rddreg [dreg:$0xa];
	[sflag:s1] =	ssyncadd.s32 $0xFFFFFD80  }
0xff: {  	[hbm:s23], [sflag:s21] =	dma.local [spmem:s31], $0x280  }
0x100: {  	_ =	swait.ge [sflag:s1], $0x280  }
0x101: {  	[sflag:s1] =	ssyncset.done $0x0  }
0x102: {  	s22 =	rddreg [dreg:$0xb];
	[sflag:s1] =	ssyncadd.s32 $0xFFFFFD80  }
0x103: {  	[hbm:s22], [sflag:s21] =	dma.local @!p0 [spmem:s9], $0x280  }
0x104: {  	s21 =	simm.s32 @!p0 $0xB  }
0x105: {  	_ =	swait.ge @!p0 [sflag:s21], $0x280  }
0x106: {  	s20 =	sadd.s32 $0x1, s20;
	s24 =	rddreg [dreg:$0xe]  }
0x107: {  	p1 =	sne.s32 s20, s24  }
.Ltmp2:
0x108: {  	_ = 	snop;
	(pc) =	sbr.rel @p1 .LBB2_1-.Ltmp2, $3  }
0x109: {  	_ =	sdelay $0x1  }
0x10a: {  	[sflag:s21] =	ssyncset.done @!p0 $0x0  }
0x10b: {  	[sflag:s21] =	ssyncadd.s32 @!p0 $0xFFFFFD80  }
0x10c: {  	_ =	sfence.sel $0x180000  }
0x10d: {  	[bflag:$0x0] =	sbarrier.arrive $0xFFFF  }
0x10e: {  	_ =	strace $0x9000004D  }
0x10f: {  	s0 =	stileid.u32;
	[bflag:$0x2] =	sbarrier.arrive $0xFFFF  }
0x110: {  	p0 =	sne.s32 s0, $0x0;
	s0 =	rddreg [dreg:$0x3]  }
0x111: {  	s0 =	sadd.s32 @!p0 $0x100000, s0  }
0x112: {  	[sflag:s0] =	ssyncadd.tile.s32 @!p0 $0x1;
	_ =	shalt  }
.Lfunc_end2:
_tile_overlayer_lowered:
.L_overlay_start_2:
0x113: {  	(tag) =	ssettag $0x2  }
0x114: {  	s0 =	rddreg [dreg:$0x0];
	s2 =	stileid.u32  }
0x115: {  	s1 =	rddreg [dreg:$0x1];
	p0 =	sne.s32 s2, $0x0  }
0x116: {  	s3 =	rddreg [dreg:$0x2];
	[bflag:$0x3] =	sbarrier.arrive $0xFFFF;
	s2 =	simm.s32 @!p0 $0x1C0B  }
0x117: {  	[timem:s3], [sflag:s2] =	dma.local @!p0 [hbm:s0], s1  }
0x118: {  	s0 =	simm.s32 @!p0 $0xB  }
0x119: {  	_ =	swait.ge @!p0 [sflag:s0], s1  }
0x11a: {  	s1 =	ssub.s32 @!p0 $0x0, s1;
	[sflag:s0] =	ssyncset.done @!p0 $0x0  }
0x11b: {  	[sflag:s0] =	ssyncadd.s32 @!p0 s1  }
0x11c: {  	[bflag:$0x3] =	sbarrier.arrive $0xFFFF  }
0x11d: {  	_ =	shalt  }

// kernel: kernel.8.cloned.1.call-start
scs
__scs_entry_jumppad:
0x0: {  	(pc) =	sbr.rel $0x88, $3  }
0x1: {  	(tag) =	ssettag $0x0;
	lr =	simm.s32 $0x1  }
0x2: {  	[smem:$0x3F9B] =	sst lr;
	_ =	strace $0xD0000000  }
0x3: {  	_ = 	snop  }
0x4: {  	_ = 	snop  }
0x5: {  	_ = 	snop  }
0x6: {  	_ = 	snop  }
0x7: {  	_ = 	snop  }
__scs_overlays_trampoline_lowered:
0x8: {  	[smem:$0x3FAA] =	sst s0  }
0x9: {  	[smem:$0x3FAB] =	sst s1  }
0xa: {  	[smem:$0x3FAC] =	sst s2  }
0xb: {  	[smem:$0x3FAD] =	sst s3  }
0xc: {  	[smem:$0x3FAE] =	sst s4  }
0xd: {  	[smem:$0x3FAF] =	sst s5  }
0xe: {  	[smem:$0x3FB0] =	sst s6  }
0xf: {  	[smem:$0x3FB1] =	sst s7  }
0x10: {  	[smem:$0x3FB2] =	sst s8  }
0x11: {  	[smem:$0x3FB3] =	sst s9;
	s0 =	simm.s32 @!p0 $0x0  }
0x12: {  	s1 =	sld [smem:$0x3F99];
	s0 =	simm.s32 @p0 $0x1  }
0x13: {  	[smem:$0x3FB4] =	sst s0;
	s0 =	simm.s32 @!p1 $0x0  }
0x14: {  	s2 =	sld [smem:$0x3F98];
	s0 =	simm.s32 @p1 $0x1  }
0x15: {  	[smem:$0x3FB5] =	sst s0;
	s0 =	simm.s32 @!p2 $0x0  }
0x16: {  	s3 =	sld [smem:$0x3FDB];
	s0 =	simm.s32 @p2 $0x1  }
0x17: {  	s4 =	simm.s32 $0x1BF5;
	[smem:$0x3FB7] =	sst s0  }
0x18: {  	s0 =	sld [smem:$0x3F9A];
	_ =	swait.ge [sflag:s4], $0x0  }
0x19: {  	s7 =	sld [smem:$0x3F9B]  }
0x1a: {  	s8 =	sadd.s32 $0xFFFFE003, lr  }
0x1b: {  	s9 =	sadd.s32 $0xFFFFFEF7, lr;
	s5 =	simm.s32 $0xFFFFFFFF;
	p2 =	slt.u32 s8, $0xFFFFF086  }
0x1c: {  	p1 =	slt.u32 s9, $0xF7A;
	s5 =	simm.s32 @!p2 $0x0  }
0x1d: {  	s5 =	simm.s32 @p1 $0x1;
	p0 =	seq.s32 s7, s2  }
0x1e: {  	s7 =	smul.u32 @!p0 $0xF7A, s2;
	p2 =	seq.s32 @!p0 s5, $0x0  }
0x1f: {  	s9 =	smul.u32 $0xF7A, s1;
	s8 =	simm.s32 @!p0 $0x1BF5;
	p2 =	por !p2, p0  }
0x20: {  	[sflag:s8] =	ssyncset.s32 @!p0 $0xFFFFF086;
	s6 =	sadd.s32 @!p0 s3, s7;
	s7 =	simm.s32 @!p0 $0x108  }
0x21: {  	s3 =	sadd.s32 s3, s9;
	s6 =	sadd.s32 @!p0 $0x88, s6;
	s7 =	simm.s32 @p2 $0x1082  }
0x22: {  	[simem:s7], [sflag:s8] =	dma.local @!p0 [hbm:s6], $0xF7A  }
0x23: {  	s9 =	sor.u32 $0xD0000000, s2;
	s6 =	simm.s32 $0x108;
	_ =	swait.ge @!p0 [sflag:s8], $0x0  }
0x24: {  	s3 =	sadd.s32 $0x88, s3;
	s6 =	simm.s32 @!p1 $0x1082;
	[sflag:s4] =	ssyncset.s32 $0xFFFFF086  }
0x25: {  	[simem:s6], [sflag:s4] =	dma.local [hbm:s3], $0xF7A  }
0x26: {  	[smem:$0x3F9B] =	sst s1;
	(tag) =	ssettag s2;
	_ =	strace s9  }
0x27: {  	s1 =	sld [smem:$0x3FAB]  }
0x28: {  	s2 =	sld [smem:$0x3FAC]  }
0x29: {  	s4 =	sld [smem:$0x3FAE]  }
0x2a: {  	p0 =	seq.s32 s5, $0x0;
	s5 =	sld [smem:$0x3FAF]  }
0x2b: {  	s6 =	sld [smem:$0x3FB0]  }
0x2c: {  	s7 =	sld [smem:$0x3FB1]  }
0x2d: {  	s3 =	simm.s32 $0x108;
	s8 =	sld [smem:$0x3FB2]  }
0x2e: {  	s3 =	simm.s32 @!p0 $0x1082;
	s9 =	sld [smem:$0x3FB3]  }
0x2f: {  	lr =	sadd.s32 s0, s3;
	s0 =	sld [smem:$0x3FAA]  }
0x30: {  	s3 =	sld [smem:$0x3FAD]  }
0x31: {  	[smem:$0x3FB6] =	sst s10  }
0x32: {  	s10 =	sld [smem:$0x3FB4];
	_ =	sdelay $0x3  }
0x33: {  	p0 =	seq.s32 s10, $0x1;
	s10 =	sld [smem:$0x3FB6];
	_ =	sdelay $0x3  }
0x34: {  	[smem:$0x3FB6] =	sst s10  }
0x35: {  	s10 =	sld [smem:$0x3FB5];
	_ =	sdelay $0x3  }
0x36: {  	p1 =	seq.s32 s10, $0x1;
	s10 =	sld [smem:$0x3FB6];
	_ =	sdelay $0x3  }
0x37: {  	[smem:$0x3FB6] =	sst s10  }
0x38: {  	s10 =	sld [smem:$0x3FB7]  }
0x39: {  	_ = 	snop;
	(pc) =	sbr.ind lr, $3  }
0x3a: {  	_ = 	snop  }
0x3b: {  	_ = 	snop  }
0x3c: {  	p2 =	seq.s32 s10, $0x1;
	s10 =	sld [smem:$0x3FB6]  }
0x3d: {  	_ =	shalt  }
0x3e: {  	_ =	shalt  }
0x3f: {  	_ =	shalt  }
0x40: {  	_ =	shalt  }
0x41: {  	_ =	shalt  }
0x42: {  	_ =	shalt  }
0x43: {  	_ =	shalt  }
0x44: {  	_ =	shalt  }
0x45: {  	_ =	shalt  }
0x46: {  	_ =	shalt  }
0x47: {  	_ =	shalt  }
0x48: {  	_ =	shalt  }
0x49: {  	_ =	shalt  }
0x4a: {  	_ =	shalt  }
0x4b: {  	_ =	shalt  }
0x4c: {  	_ =	shalt  }
0x4d: {  	_ =	shalt  }
0x4e: {  	_ =	shalt  }
0x4f: {  	_ =	shalt  }
0x50: {  	_ =	shalt  }
0x51: {  	_ =	shalt  }
0x52: {  	_ =	shalt  }
0x53: {  	_ =	shalt  }
0x54: {  	_ =	shalt  }
0x55: {  	_ =	shalt  }
0x56: {  	_ =	shalt  }
0x57: {  	_ =	shalt  }
0x58: {  	_ =	shalt  }
0x59: {  	_ =	shalt  }
0x5a: {  	_ =	shalt  }
0x5b: {  	_ =	shalt  }
0x5c: {  	_ =	shalt  }
0x5d: {  	_ =	shalt  }
0x5e: {  	_ =	shalt  }
0x5f: {  	_ =	shalt  }
0x60: {  	_ =	shalt  }
0x61: {  	_ =	shalt  }
0x62: {  	_ =	shalt  }
0x63: {  	_ =	shalt  }
0x64: {  	_ =	shalt  }
0x65: {  	_ =	shalt  }
0x66: {  	_ =	shalt  }
0x67: {  	_ =	shalt  }
0x68: {  	_ =	shalt  }
0x69: {  	_ =	shalt  }
0x6a: {  	_ =	shalt  }
0x6b: {  	_ =	shalt  }
0x6c: {  	_ =	shalt  }
0x6d: {  	_ =	shalt  }
0x6e: {  	_ =	shalt  }
0x6f: {  	_ =	shalt  }
0x70: {  	_ =	shalt  }
0x71: {  	_ =	shalt  }
0x72: {  	_ =	shalt  }
0x73: {  	_ =	shalt  }
0x74: {  	_ =	shalt  }
0x75: {  	_ =	shalt  }
0x76: {  	_ =	shalt  }
0x77: {  	_ =	shalt  }
0x78: {  	_ =	shalt  }
0x79: {  	_ =	shalt  }
0x7a: {  	_ =	shalt  }
0x7b: {  	_ =	shalt  }
0x7c: {  	_ =	shalt  }
0x7d: {  	_ =	shalt  }
0x7e: {  	_ =	shalt  }
0x7f: {  	_ =	shalt  }
0x80: {  	_ =	shalt  }
0x81: {  	_ =	shalt  }
0x82: {  	_ =	shalt  }
0x83: {  	_ =	shalt  }
0x84: {  	_ =	shalt  }
0x85: {  	_ =	shalt  }
0x86: {  	_ =	shalt  }
0x87: {  	_ =	shalt  }
.Lfunc_end0:
.L_simem_size_0:
called_computation_lowered:
.L_overlay_start_0:
0x88: {  	s2 =	sld [smem:$0x3FD9]  }
0x89: {  	s3 =	sld [smem:$0x3FFE];
	_ =	sdelay $0x1  }
0x8a: {  	s1 =	srdreg.scid  }
0x8b: {  	s0 =	sand.u32 $0x1, s1  }
0x8c: {  	s17 =	sshll.u32 s0, $0xA;
	s2 =	sadd.s32 s3, s2  }
0x8d: {  	s2 =	sadd.s32 s2, s17  }
0x8e: {  	[smem:$0x3FC2] =	sst s2  }
0x8f: {  	_ = 	snop  }
0x90: {  	s2 =	sld [smem:$0x3FD0];
	(tm) =	ssettm $0x1  }
0x91: {  	s18 =	sld [smem:$0x3FFB];
	_ =	sdelay $0x3  }
0x92: {  	_ =	strace s18  }
0x93: {  	s3 =	sld [smem:$0x3FFC];
	_ =	sdelay $0x3  }
0x94: {  	_ =	strace s3  }
0x95: {  	s3 =	sld [smem:$0x3FFD];
	_ =	sdelay $0x3  }
0x96: {  	_ =	strace s3  }
0x97: {  	_ =	strace $0x8FFFFFFF  }
0x98: {  	s19 =	sld [smem:$0x3FDB];
	_ =	sdelay $0x1  }
0x99: {  	s4 =	simm.s32 $_scs_section_size  }
0x9a: {  	s5 =	simm.s32 $_size__tile_overlayer_lowered;
	s6 =	simm.s32 $_tile_overlayer_lowered  }
0x9b: {  	s22 =	simm.s32 $0x1BFF;
	s21 =	sshll.u32 s6, $0x1;
	s3 =	sadd.s32 s4, s19  }
0x9c: {  	s7 =	simm.s32 $0x0;
	s20 =	sshll.u32 s5, $0x1;
	s5 =	sadd.s32 s21, s3  }
0x9d: {  	[timem:s7], [sflag:s22] =	dma.local [hbm:s5], s20  }
0x9e: {  	_ =	swait.ge [sflag:s22], s20  }
0x9f: {  	s4 =	ssub.s32 $0x0, s20;
	[sflag:s22] =	ssyncset.done $0x0  }
0xa0: {  	[sflag:s22] =	ssyncadd.s32 s4;
	_ =	sdelay $0x1  }
0xa1: {  	s23 =	simm.s32 $0x1B8B  }
0xa2: {  	_ =	swait.ge [sflag:s23], $0x1  }
0xa3: {  	[sflag:s23] =	ssyncset.done $0x0  }
0xa4: {  	s25 =	simm.s32 $0x1B8E;
	s24 =	sld [smem:$0x3FFE];
	[sflag:s23] =	ssyncadd.s32 $0xFFFFFFFF  }
0xa5: {  	s26 =	simm.s32 $execute0_lowered;
	[smem:$0x3FD2] =	sst s25  }
0xa6: {  	s5 =	sshll.u32 s26, $0x1;
	_ =	strace $0x80000046;
	[dreg:$0x1] =	wrdreg $0xFFFFFFFF  }
0xa7: {  	s28 =	simm.s32 $_size_execute0_lowered;
	s3 =	sadd.s32 s3, s5;
	[dreg:$0x0] =	wrdreg $0x0  }
0xa8: {  	s5 =	sshll.u32 s28, $0x1;
	[dreg:$0x2] =	wrdreg s3  }
0xa9: {  	[dreg:$0x3] =	wrdreg s5  }
0xaa: {  	[dreg:$0x4] =	wrdreg $0xC0  }
0xab: {  	_ =	task [dreg:s7], $0x5FFFF  }
0xac: {  	[dreg:$0x1] =	wrdreg $0xFFFFFFFF  }
0xad: {  	[dreg:$0x0] =	wrdreg $0x60  }
0xae: {  	[dreg:$0x2] =	wrdreg s24  }
0xaf: {  	[dreg:$0x3] =	wrdreg s2  }
0xb0: {  	[dreg:$0x4] =	wrdreg $0x2F300  }
0xb1: {  	[dreg:$0x5] =	wrdreg $0x9  }
0xb2: {  	_ =	task.clear_ibuf [dreg:s7], $0x6FFFF;
	_ =	strace $0x90000046  }
0xb3: {  	s29 =	simm.s32 $0x9;
	_ =	strace $0x80000048  }
0xb4: {  	_ =	swait.ge [sflag:s29], $0x1  }
0xb5: {  	[sflag:s29] =	ssyncadd.s32 $0xFFFFFFFF  }
0xb6: {  	_ =	strace $0x90000048  }
0xb7: {  	_ =	sfence  }
0xb8: {  	s30 =	sld [smem:$0x0];
	_ =	sdelay $0x2  }
0xb9: {  	s31 =	sshll.u32 s1, $0xD;
	s1 =	sshrl.u32 s1, $0x2  }
0xba: {  	s3 =	sand.u32 $0x4000, s31;
	s1 =	sadd.s32 s1, s30  }
0xbb: {  	s0 =	sor.u32 s3, s0;
	s1 =	sshll.u32 s1, $0x11  }
0xbc: {  	s0 =	sor.u32 s1, s0  }
0xbd: {  	s0 =	sadd.s32 $0x8F2B, s0  }
0xbe: {  	[sflag:s0] =	ssyncadd.remote.s32 $0x1  }
0xbf: {  	_ =	sfence.sel $0xFFFF  }
0xc0: {  	[dreg:$0x0] =	wrdreg $0xFFFFFFFF;
	(pc) =	sbr.abs _section_cstart, $3  }
0xc1: {  	[dreg:$0x1] =	wrdreg $0xFFFFFFFF  }
0xc2: {  	_ =	task.clear_ibuf [dreg:s7], $0x2FFFF;
	_ =	strace $0x9FFFFFFF  }
0xc3: {  	(tm) =	ssettm $0x7FFFFFFF  }
tec
execute0_lowered:
.L_overlay_start_1:
0x0: {  	(tag) =	ssettag $0x1  }
0x1: {  	s3 =	rddreg [dreg:$0x0]  }
0x2: {  	s0 =	srdreg.scid;
	s4 =	rddreg [dreg:$0x1]  }
0x3: {  	s1 =	rddreg [dreg:$0x2];
	s13 =	stileid.u32;
	s10 =	simm.s32 $0x2760  }
0x4: {  	s11 =	simm.s32 $0x2;
	s12 =	simm.s32 $0x50;
	s14 =	simm.s32 $0x1  }
0x5: {  	s5 =	sand.u32 $0x1, s0;
	s0 =	rddreg [dreg:$0x3];
	s9 =	sadd.s32 $0x1F40, s1  }
0x6: {  	p1 =	seq.s32 s13, $0x0;
	p0 =	sne.s32 s13, $0x0;
	s2 =	sshll.u32 s5, $0x4  }
0x7: {  	s7 =	ssub.s32 $0x2, s5;
	s5 =	smul.u32 $0x4E2, s5;
	s15 =	sshrl.u32 @!p0 s1, $0x3  }
0x8: {  	s6 =	sor.u32 s13, s2;
	s2 =	simm.s32 $0x0;
	s8 =	sshrl.u32 s7, $0x1  }
0x9: {  	s13 =	simm.s32 $0x2710;
	s6 =	smul.u32 $0x4E2, s6;
	[smem:$0x7FF] =	sst s2  }
0xa: {  	s31 =	ssub.s32 s7, s8;
	s4 =	sadd.s32 s4, s5;
	s7 =	sadd.s32 $0xFA0, s1  }
0xb: {  	s8 =	sadd.s32 $0x1770, s1;
	_ =	strace $0x80000047;
	s3 =	sadd.s32 s6, s3  }
0xc: {  	v0 =	vimm.f32 $1.000000000e+00;
	v1 =	vimm.f32 $0.0e+00;
	s5 =	smax.u32 s31, $0x1;
	s6 =	sadd.s32 $0x7D0, s1;
	s3 =	sadd.s32 $0xBA00, s3  }
.LBB2_1:
.Ltmp0:
0xd: {  	[tilespmem:$0x2710] =	vst v0;
	(pc) =	sbr.rel @!p1 .LBB2_5-.Ltmp0, $4  }
0xe: {  	[tilespmem:$0x2720] =	vst v0  }
0xf: {  	[tilespmem:$0x2730] =	vst v0  }
0x10: {  	[tilespmem:$0x2740] =	vst v0  }
0x11: {  	[tilespmem:$0x2750] =	vst v0  }
0x12: {  	s16 =	simm.s32 $0x40;
	s17 =	simm.s32 $0x0  }
.LBB2_3:
0x13: {  	p2 =	seq.s32 s16, $0x1F00;
	[tilespmem:s17+$0x2760] =	vst v1;
	s17 =	smov.u32 s16;
	s16 =	sadd.s32 $0x40, s16  }
.Ltmp1:
0x14: {  	(pc) =	sbr.rel @!p2 .LBB2_3-.Ltmp1, $2  }
0x15: {  	_ =	sdelay $0x2  }
0x16: {  	s17 =	sshra.s32 s17, $0x2  }
0x17: {  	[tilespmem:s17+$0x2760] =	vst v1  }
0x18: {  	[spmem:s1] =	stream.linear.scatter [tilespmem:s10], [sflag:$0x2], $0x7D0, $0x38;
	[tilespmem:$0x31A8] =	vst v63  }
0x19: {  	_ =	swait.ge [sflag:s11], $0x7D0  }
0x1a: {  	[sflag:s11] =	ssyncset.done $0x0  }
0x1b: {  	[sflag:s11] =	ssyncadd.s32 $0xFFFFF830  }
0x1c: {  	[spmem:s6] =	stream.linear.scatter [tilespmem:s10], [sflag:$0x2], $0x7D0, $0x38;
	[tilespmem:$0x31A8] =	vst v63  }
0x1d: {  	_ =	swait.ge [sflag:s11], $0x7D0  }
0x1e: {  	[sflag:s11] =	ssyncset.done $0x0  }
0x1f: {  	[sflag:s11] =	ssyncadd.s32 $0xFFFFF830  }
0x20: {  	[spmem:s7] =	stream.linear.scatter [tilespmem:s10], [sflag:$0x2], $0x7D0, $0x38;
	[tilespmem:$0x31A8] =	vst v63  }
0x21: {  	_ =	swait.ge [sflag:s11], $0x7D0  }
0x22: {  	[sflag:s11] =	ssyncset.done $0x0  }
0x23: {  	[sflag:s11] =	ssyncadd.s32 $0xFFFFF830  }
0x24: {  	[spmem:s8] =	stream.linear.scatter [tilespmem:s10], [sflag:$0x2], $0x7D0, $0x38;
	[tilespmem:$0x31A8] =	vst v63  }
0x25: {  	_ =	swait.ge [sflag:s11], $0x7D0  }
0x26: {  	[sflag:s11] =	ssyncset.done $0x0  }
0x27: {  	[sflag:s11] =	ssyncadd.s32 $0xFFFFF830  }
0x28: {  	[spmem:s9] =	stream.linear.scatter [tilespmem:s10], [sflag:$0x2], $0x7D0, $0x38;
	[tilespmem:$0x31A8] =	vst v63  }
0x29: {  	_ =	swait.ge [sflag:s11], $0x7D0  }
0x2a: {  	[sflag:s11] =	ssyncset.done $0x0  }
0x2b: {  	[sflag:s11] =	ssyncadd.s32 $0xFFFFF830  }
.LBB2_5:
0x2c: {  	s16 =	simm.s32 $0x0  }
0x2d: {  	[tilespmem:s16], [sflag:$0x2] =	stream.linear.gather [hbm4b:s3+s16], $0x2710, $0x38;
	[tilespmem:$0x31A8] =	vst v63  }
0x2e: {  	_ =	swait.ge [sflag:s11], $0x2710  }
0x2f: {  	[sflag:s11] =	ssyncset.done $0x0  }
0x30: {  	p2 =	por $0x1, $0x1;
	[sflag:s11] =	ssyncadd.s32 $0xFFFFD8F0  }
0x31: {  	s18 =	simm.s32 @!p2 $0x1;
	[bflag:$0x0] =	sbarrier.arrive $0xFFFF  }
0x32: {  	[spmem:s1] =	stream.indirect.scatter.add.f32 [tilespmem:s13], [sflag:$0x1], $0x1, s16, s12, $0xb8;
	[tilespmem:$0x31A8] =	vst v63  }
0x33: {  	_ =	swait.ge @!p2 [sflag:s18], $0x50  }
0x34: {  	s17 =	simm.s32 $0x1;
	[sflag:s18] =	ssyncset.done @!p2 $0x0  }
.LBB2_6:
0x35: {  	[sflag:s18] =	ssyncadd.s32 @!p2 $0xFFFFFFB0  }
0x36: {  	s16 =	sadd.s32 $0x50, s16;
	s18 =	smov.u32 s17;
	s17 =	sadd.s32 $0x1, s17  }
0x37: {  	p3 =	sne.s32 s17, $0x7D  }
0x38: {  	[spmem:s1] =	stream.indirect.scatter.add.f32 [tilespmem:s13], [sflag:$0x1], $0x1, s16, s12, $0xb8;
	[tilespmem:$0x31A8] =	vst v63  }
.Ltmp2:
0x39: {  	_ = 	snop;
	(pc) =	sbr.rel @p3 .LBB2_6-.Ltmp2, $4  }
0x3a: {  	p2 =	slt.u32 s18, $0x8  }
0x3b: {  	s18 =	simm.s32 @!p2 $0x1  }
0x3c: {  	_ =	swait.ge @!p2 [sflag:s18], $0x50  }
0x3d: {  	[sflag:s18] =	ssyncset.done @!p2 $0x0  }
0x3e: {  	[sflag:s18] =	ssyncadd.s32 @!p2 $0xFFFFFFB0  }
0x3f: {  	_ =	swait.ge [sflag:s14], $0x50  }
0x40: {  	[sflag:s14] =	ssyncset.done $0x0  }
0x41: {  	[sflag:s14] =	ssyncadd.s32 $0xFFFFFFB0  }
0x42: {  	_ =	swait.ge [sflag:s14], $0x50  }
0x43: {  	[sflag:s14] =	ssyncset.done $0x0  }
0x44: {  	[sflag:s14] =	ssyncadd.s32 $0xFFFFFFB0  }
0x45: {  	_ =	swait.ge [sflag:s14], $0x50  }
0x46: {  	[sflag:s14] =	ssyncset.done $0x0  }
0x47: {  	[sflag:s14] =	ssyncadd.s32 $0xFFFFFFB0  }
0x48: {  	_ =	swait.ge [sflag:s14], $0x50  }
0x49: {  	[sflag:s14] =	ssyncset.done $0x0  }
0x4a: {  	[sflag:s14] =	ssyncadd.s32 $0xFFFFFFB0  }
0x4b: {  	_ =	swait.ge [sflag:s14], $0x50  }
0x4c: {  	[sflag:s14] =	ssyncset.done $0x0  }
0x4d: {  	[sflag:s14] =	ssyncadd.s32 $0xFFFFFFB0  }
0x4e: {  	_ =	swait.ge [sflag:s14], $0x50  }
0x4f: {  	[sflag:s14] =	ssyncset.done $0x0  }
0x50: {  	[sflag:s14] =	ssyncadd.s32 $0xFFFFFFB0  }
0x51: {  	_ =	swait.ge [sflag:s14], $0x50  }
0x52: {  	[sflag:s14] =	ssyncset.done $0x0  }
0x53: {  	[sflag:s14] =	ssyncadd.s32 $0xFFFFFFB0  }
0x54: {  	_ =	swait.ge [sflag:s14], $0x50  }
0x55: {  	[sflag:s14] =	ssyncset.done $0x0  }
0x56: {  	s2 =	sadd.s32 $0x1, s2;
	[sflag:s14] =	ssyncadd.s32 $0xFFFFFFB0  }
0x57: {  	s16 =	simm.s32 @!p0 $0x1C02;
	p2 =	sne.s32 s2, s5;
	[bflag:$0x0] =	sbarrier.arrive $0xFFFF  }
0x58: {  	[hbm:s4], [sflag:s16] =	dma.local @!p0 [spmem:s15], $0x4E2  }
.Ltmp3:
0x59: {  	_ = 	snop;
	(pc) =	sbr.rel @p2 .LBB2_1-.Ltmp3, $4  }
0x5a: {  	s16 =	simm.s32 @!p0 $0x2  }
0x5b: {  	_ =	swait.ge @!p0 [sflag:s16], $0x4E2  }
0x5c: {  	[sflag:s16] =	ssyncset.done @!p0 $0x0  }
0x5d: {  	[sflag:s16] =	ssyncadd.s32 @!p0 $0xFFFFFB1E  }
0x5e: {  	_ =	sfence.sel $0x180000  }
0x5f: {  	[bflag:$0x0] =	sbarrier.arrive $0xFFFF  }
0x60: {  	_ =	strace $0x90000047  }
0x61: {  	s0 =	sadd.s32 @!p0 $0x100000, s0;
	[bflag:$0x2] =	sbarrier.arrive $0xFFFF  }
0x62: {  	[sflag:s0] =	ssyncadd.tile.s32 @!p0 $0x1;
	_ =	shalt  }
.Lfunc_end2:
_tile_overlayer_lowered:
.L_overlay_start_2:
0x63: {  	(tag) =	ssettag $0x2  }
0x64: {  	s0 =	rddreg [dreg:$0x0];
	s2 =	stileid.u32  }
0x65: {  	s1 =	rddreg [dreg:$0x1];
	p0 =	sne.s32 s2, $0x0  }
0x66: {  	s3 =	rddreg [dreg:$0x2];
	[bflag:$0x3] =	sbarrier.arrive $0xFFFF;
	s2 =	simm.s32 @!p0 $0x1C02  }
0x67: {  	[timem:s3], [sflag:s2] =	dma.local @!p0 [hbm:s0], s1  }
0x68: {  	s0 =	simm.s32 @!p0 $0x2  }
0x69: {  	_ =	swait.ge @!p0 [sflag:s0], s1  }
0x6a: {  	s1 =	ssub.s32 @!p0 $0x0, s1;
	[sflag:s0] =	ssyncset.done @!p0 $0x0  }
0x6b: {  	[sflag:s0] =	ssyncadd.s32 @!p0 s1  }
0x6c: {  	[bflag:$0x3] =	sbarrier.arrive $0xFFFF  }
0x6d: {  	_ =	shalt  }

</sc_bundles>
